<compile_context>
chip_gen: v7x
topology: tpu7x:2x2x1
jax: 0.10.2.dev20260603
libtpu: 0.0.44.dev20260713+nightly
codegen_flags: <defaults>
</compile_context>

<pallas_src>
import functools

import jax
import jax.numpy as jnp
from jax import lax
from jax.experimental import pallas as pl
from jax.experimental.pallas import tpu as pltpu
from jax.experimental.pallas import tpu_sc as plsc

N = 10000
D = 128
H = 128
E = 320000
EV = 10000
OUT = 2

NC = 2
NS = 16
NW = NC * NS
EPT = E // NW
K = 128
NFULL = EPT // K
KT = EPT - NFULL * K
DHALF = 40
ZR = 632
ZLAST = N - (NS - 1) * ZR

KE = 80
ECH = 4
ECK = ECH * KE


def _tc_lin_relu(h_ref, w_ref, b_ref, o_ref):
    o_ref[...] = jnp.maximum(
        jnp.dot(h_ref[...], w_ref[...], preferred_element_type=jnp.float32)
        + b_ref[...], 0.0)


def _agg_body(p_ref, h_ref, wa_ref, wh_ref, b_ref):
    aggr = p_ref[0] + p_ref[1]
    out = (jnp.dot(aggr, wa_ref[...], preferred_element_type=jnp.float32)
           + jnp.dot(h_ref[...], wh_ref[...], preferred_element_type=jnp.float32)
           + b_ref[...])
    out = jnp.maximum(out, 0.0)
    nrm = jnp.maximum(jnp.sqrt(jnp.sum(out * out, axis=1, keepdims=True)), 1e-12)
    return out / nrm


def _tc_agg_lin(p_ref, h_ref, wa_ref, wh_ref, b_ref, lw_ref, lb_ref,
                ho_ref, to_ref):
    hn = _agg_body(p_ref, h_ref, wa_ref, wh_ref, b_ref)
    ho_ref[...] = hn
    to_ref[...] = jnp.maximum(
        jnp.dot(hn, lw_ref[...], preferred_element_type=jnp.float32)
        + lb_ref[...], 0.0)


def _tc_agg(p_ref, h_ref, wa_ref, wh_ref, b_ref, o_ref):
    o_ref[...] = _agg_body(p_ref, h_ref, wa_ref, wh_ref, b_ref)


def _tc_head(g_ref, pw1_ref, pw2_ref, pb1_ref, pb2_ref, o_ref):
    small = jnp.dot(pw1_ref[...], pw2_ref[...],
                    preferred_element_type=jnp.float32)
    c = jnp.dot(pb1_ref[...], pw2_ref[...],
                preferred_element_type=jnp.float32) + pb2_ref[...]
    z = (jnp.dot(g_ref[0], small[:H], preferred_element_type=jnp.float32)
         + jnp.dot(g_ref[1], small[H:], preferred_element_type=jnp.float32)
         + c)
    z0 = z[:, 0:1]
    z1 = z[:, 1:2]
    m = jnp.maximum(z0, z1)
    lse = m + jnp.log(jnp.exp(z0 - m) + jnp.exp(z1 - m))
    o_ref[...] = jnp.concatenate([z0 - lse, z1 - lse], axis=1)


def _sc_spmm(t_hbm, src_hbm, dst_hbm, dtail_hbm, zero_hbm, zdum_hbm, out_hbm,
             src_v, dst_v, dtail_v, buf0, buf1, acc_sh, gs0, gs1):
    ci = lax.axis_index("c")
    si = lax.axis_index("s")
    w = ci * NS + si
    pltpu.sync_copy(src_hbm.at[w], src_v)
    pltpu.sync_copy(dst_hbm.at[w].at[pl.ds(0, DHALF)], dst_v)
    pltpu.sync_copy(dtail_hbm.at[w], dtail_v)

    @pl.when(si < NS - 1)
    def _():
        pltpu.sync_copy(zero_hbm, acc_sh.at[pl.ds(si * ZR, ZR)])

    @pl.when(si == NS - 1)
    def _():
        pltpu.sync_copy(zero_hbm.at[pl.ds(0, ZLAST)],
                        acc_sh.at[pl.ds((NS - 1) * ZR, ZLAST)])

    plsc.subcore_barrier()

    def wait(buf, sem):
        pltpu.make_async_copy(zdum_hbm, buf, sem).wait()

    def gath(c, buf, sem):
        pltpu.async_copy(t_hbm.at[src_v.at[pl.ds(c * K, K)]], buf, sem)

    gath(0, buf0, gs0)

    @pl.loop(0, NFULL, step=2)
    def _(c):
        @pl.when(c == DHALF)
        def _():
            pltpu.sync_copy(dst_hbm.at[w].at[pl.ds(DHALF, DHALF)], dst_v)

        r0 = jnp.where(c >= DHALF, c - DHALF, c)
        gath(c + 1, buf1, gs1)
        wait(buf0, gs0)
        pltpu.sync_copy(buf0, acc_sh.at[dst_v.at[r0]], add=True)

        @pl.when(c + 2 < NFULL)
        def _():
            gath(c + 2, buf0, gs0)

        wait(buf1, gs1)
        pltpu.sync_copy(buf1, acc_sh.at[dst_v.at[r0 + 1]], add=True)

    pltpu.async_copy(t_hbm.at[src_v.at[pl.ds(NFULL * K, KT)]],
                     buf0.at[pl.ds(0, KT)], gs0)
    pltpu.make_async_copy(zdum_hbm.at[pl.ds(0, KT)], buf0.at[pl.ds(0, KT)],
                          gs0).wait()
    pltpu.sync_copy(buf0.at[pl.ds(0, KT)], acc_sh.at[dtail_v.at[0]], add=True)
    plsc.subcore_barrier()

    @pl.when(si < NS - 1)
    def _():
        pltpu.sync_copy(acc_sh.at[pl.ds(si * ZR, ZR)],
                        out_hbm.at[ci].at[pl.ds(si * ZR, ZR)])

    @pl.when(si == NS - 1)
    def _():
        pltpu.sync_copy(acc_sh.at[pl.ds((NS - 1) * ZR, ZLAST)],
                        out_hbm.at[ci].at[pl.ds((NS - 1) * ZR, ZLAST)])


def _sc_eval_gather(tab_hbm, e0_hbm, e1_hbm, out_hbm, i0_v, i1_v, bufs, gsems):
    ci = lax.axis_index("c")
    si = lax.axis_index("s")
    w = ci * NS + si
    pltpu.sync_copy(e0_hbm.at[w], i0_v)
    pltpu.sync_copy(e1_hbm.at[w], i1_v)
    for c in range(ECH):
        pltpu.async_copy(tab_hbm.at[i0_v.at[pl.ds(c * KE, KE)]],
                         bufs[2 * c], gsems[2 * c])
        pltpu.async_copy(tab_hbm.at[i1_v.at[pl.ds(c * KE, KE)]],
                         bufs[2 * c + 1], gsems[2 * c + 1])
    for c in range(ECH):
        base = w * ECK + c * KE
        pltpu.make_async_copy(tab_hbm.at[pl.ds(0, KE)], bufs[2 * c],
                              gsems[2 * c]).wait()
        pltpu.make_async_copy(tab_hbm.at[pl.ds(0, KE)], bufs[2 * c + 1],
                              gsems[2 * c + 1]).wait()

        def store():
            pltpu.sync_copy(bufs[2 * c], out_hbm.at[0].at[pl.ds(base, KE)])
            pltpu.sync_copy(bufs[2 * c + 1], out_hbm.at[1].at[pl.ds(base, KE)])

        if c == 0:
            store()
        else:
            pl.when(w < NW - 1)(store)


def _vmesh():
    return plsc.VectorSubcoreMesh(core_axis_name="c", subcore_axis_name="s")


def kernel(x, edge_index, batch, eval_edges, lin_W0, lin_b0, agg_W0, agg_b0,
           lin_W1, lin_b1, agg_W1, agg_b1, pW1, pb1, pW2, pb2):
    del batch

    f32 = jnp.float32
    src = edge_index[0].reshape(NW, EPT)
    d = edge_index[1].reshape(NW, EPT)
    dst = (jnp.zeros((NW, 2 * DHALF, K), jnp.int32)
           .at[:, :NFULL].set(d[:, :NFULL * K].reshape(NW, NFULL, K)))
    dtail = d[:, NFULL * K:].reshape(NW, 1, KT)
    zero_rows = jnp.zeros((ZR, H), f32)
    zdum = jnp.zeros((K, H), f32)

    pad = jnp.zeros((NW * ECK - EV,), jnp.int32)
    e0 = jnp.concatenate([eval_edges[0], pad]).reshape(NW, ECK)
    e1 = jnp.concatenate([eval_edges[1], pad]).reshape(NW, ECK)

    lin_relu = pl.pallas_call(
        _tc_lin_relu, out_shape=jax.ShapeDtypeStruct((N, H), f32))
    agg_lin = pl.pallas_call(
        _tc_agg_lin, out_shape=(jax.ShapeDtypeStruct((N, H), f32),
                                jax.ShapeDtypeStruct((N, H), f32)))
    agg = pl.pallas_call(
        _tc_agg, out_shape=jax.ShapeDtypeStruct((N, H), f32))
    head = pl.pallas_call(
        _tc_head, out_shape=jax.ShapeDtypeStruct((EV, OUT), f32))

    spmm = functools.partial(
        pl.kernel,
        out_type=jax.ShapeDtypeStruct((NC, N, H), f32),
        mesh=_vmesh(),
        scratch_types=[
            pltpu.VMEM((EPT,), jnp.int32),
            pltpu.VMEM((DHALF, K), jnp.int32),
            pltpu.VMEM((1, KT), jnp.int32),
            pltpu.VMEM((K, H), f32),
            pltpu.VMEM((K, H), f32),
            pltpu.VMEM_SHARED((N, H), f32),
            pltpu.SemaphoreType.DMA,
            pltpu.SemaphoreType.DMA,
        ],
    )(_sc_spmm)

    def eval_body(tab_hbm, e0_hbm, e1_hbm, out_hbm, i0_v, i1_v,
                  b0, b1, b2, b3, b4, b5, b6, b7,
                  g0, g1, g2, g3, g4, g5, g6, g7):
        _sc_eval_gather(tab_hbm, e0_hbm, e1_hbm, out_hbm, i0_v, i1_v,
                        [b0, b1, b2, b3, b4, b5, b6, b7],
                        [g0, g1, g2, g3, g4, g5, g6, g7])

    eval_gather = functools.partial(
        pl.kernel,
        out_type=jax.ShapeDtypeStruct((2, EV, H), f32),
        mesh=_vmesh(),
        scratch_types=(
            [pltpu.VMEM((ECK,), jnp.int32)] * 2
            + [pltpu.VMEM((KE, H), f32)] * 8
            + [pltpu.SemaphoreType.DMA] * 8
        ),
    )(eval_body)

    t = lin_relu(x, lin_W0, lin_b0.reshape(1, H))
    parts = spmm(t, src, dst, dtail, zero_rows, zdum)
    h1, t1 = agg_lin(parts, x, agg_W0[:H], agg_W0[H:], agg_b0.reshape(1, H),
                     lin_W1, lin_b1.reshape(1, H))
    parts = spmm(t1, src, dst, dtail, zero_rows, zdum)
    h2 = agg(parts, h1, agg_W1[:H], agg_W1[H:], agg_b1.reshape(1, H))

    g = eval_gather(h2, e0, e1)
    return head(g, pW1, pW2, pb1.reshape(1, H), pb2.reshape(1, OUT))

# --- scband reference (transcript-rebuilt; emitter-appended) ---
"""Pipeline reference for scband-gnnstack-55817394979044 (READ-ONLY COPY).

The authoritative reference and input builder live on the scoring server;
editing this copy changes nothing except your own understanding.
"""

import jax, jax.numpy as jnp
import numpy as np

N = 10000
E = 320000
D = 128
H = 128
OUT = 2
EV = 10000


def setup_inputs(seed: int = 0) -> dict:
    key = jax.random.key(seed)
    ks = jax.random.split(key, 20)
    x = jax.random.normal(ks[0], (N, D), dtype=jnp.float32)
    edge_index = jax.random.randint(ks[1], (2, E), 0, N, dtype=jnp.int32)
    batch = jnp.zeros((N,), dtype=jnp.int32)
    eval_edges = jax.random.randint(ks[2], (2, EV), 0, N, dtype=jnp.int32)
    def lin(k, fan_in, fan_out):
        bound = 1.0 / np.sqrt(fan_in)
        k1, k2 = jax.random.split(k)
        W = jax.random.uniform(k1, (fan_in, fan_out), dtype=jnp.float32, minval=-bound, maxval=bound)
        b = jax.random.uniform(k2, (fan_out,), dtype=jnp.float32, minval=-bound, maxval=bound)
        return W, b
    lin_W0, lin_b0 = lin(ks[3], D, H)
    agg_W0, agg_b0 = lin(ks[4], D + H, H)
    lin_W1, lin_b1 = lin(ks[5], H, H)
    agg_W1, agg_b1 = lin(ks[6], H + H, H)
    pW1, pb1 = lin(ks[7], 2 * H, H)
    pW2, pb2 = lin(ks[8], H, OUT)
    return {
        'x': x, 'edge_index': edge_index, 'batch': batch, 'eval_edges': eval_edges,
        'lin_W0': lin_W0, 'lin_b0': lin_b0, 'agg_W0': agg_W0, 'agg_b0': agg_b0,
        'lin_W1': lin_W1, 'lin_b1': lin_b1, 'agg_W1': agg_W1, 'agg_b1': agg_b1,
        'pW1': pW1, 'pb1': pb1, 'pW2': pW2, 'pb2': pb2,
    }


def _sage_layer(h, edge_index, lW, lb, aW, ab):
    # PyG MessagePassing source_to_target: x_j = x[edge_index[0]], aggregate at edge_index[1], aggr='add'
    src = edge_index[0]
    dst = edge_index[1]
    msg = jax.nn.relu(jnp.take(h, src, axis=0) @ lW + lb)
    aggr = jax.ops.segment_sum(msg, dst, num_segments=h.shape[0])
    out = jnp.concatenate([aggr, h], axis=1)
    out = jax.nn.relu(out @ aW + ab)
    # F.normalize(p=2, dim=1, eps=1e-12)
    nrm = jnp.maximum(jnp.linalg.norm(out, axis=1, keepdims=True), 1e-12)
    return out / nrm


def reference(x, edge_index, batch, eval_edges, lin_W0, lin_b0, agg_W0, agg_b0,
              lin_W1, lin_b1, agg_W1, agg_b1, pW1, pb1, pW2, pb2):
    h = x
    for (lW, lb, aW, ab) in ((lin_W0, lin_b0, agg_W0, agg_b0), (lin_W1, lin_b1, agg_W1, agg_b1)):
        h = _sage_layer(h, edge_index, lW, lb, aW, ab)
        h = jax.nn.relu(h)
        # dropout is identity in eval mode
    edge_concats = jnp.concatenate([jnp.take(h, eval_edges[0], axis=0), jnp.take(h, eval_edges[1], axis=0)], axis=1)
    z = edge_concats @ pW1 + pb1
    z = z @ pW2 + pb2
    return jax.nn.log_softmax(z, axis=1)

if __name__ == "__main__":
    import jax
    _d = setup_inputs()
    print(jax.jit(kernel)(*tuple(_d.values())))

</pallas_src>

<mosaic_0001>
#map = affine_map<(d0, d1) -> (0, 0)>
#map1 = affine_map<(d0, d1) -> (0, 0, 0)>
module attributes {stable_mosaic.version = 14 : i64} {
  func.func @_sc_spmm(%arg0: i32, %arg1: i32, %arg2: memref<10000x128xf32, #tpu.memory_space<hbm>>, %arg3: memref<32x10000xi32, #tpu.memory_space<hbm>>, %arg4: memref<32x80x128xi32, #tpu.memory_space<hbm>>, %arg5: memref<32x1x16xi32, #tpu.memory_space<hbm>>, %arg6: memref<632x128xf32, #tpu.memory_space<hbm>>, %arg7: memref<128x128xf32, #tpu.memory_space<hbm>>, %arg8: memref<2x10000x128xf32, #tpu.memory_space<hbm>>, %arg9: memref<10000xi32, #tpu.memory_space<vmem>>, %arg10: memref<40x128xi32, #tpu.memory_space<vmem>>, %arg11: memref<1x16xi32, #tpu.memory_space<vmem>>, %arg12: memref<128x128xf32, #tpu.memory_space<vmem>>, %arg13: memref<128x128xf32, #tpu.memory_space<vmem>>, %arg14: memref<10000x128xf32, #tpu.memory_space<vmem_shared>>, %arg15: memref<!tpu.dma_semaphore, #tpu.memory_space<semaphore_mem>>, %arg16: memref<!tpu.dma_semaphore, #tpu.memory_space<semaphore_mem>>) attributes {dimension_semantics = [#tpu.dimension_semantics<core_parallel>, #tpu.dimension_semantics<subcore_parallel>], iteration_bounds = array<i64: 2, 16>, scalar_prefetch = 0 : i64, scratch_operands = 8 : i64, tpu.core_type = #tpu.core_type<sc_vector_subcore>, window_params = [{transform_indices = #map}, {transform_indices = #map}, {transform_indices = #map1}, {transform_indices = #map1}, {transform_indices = #map}, {transform_indices = #map}, {transform_indices = #map1}]} {
    %mul3A = arith.constant 16 : i32
    %mul3A_0 = arith.muli %arg0, %mul3A : i32
    %add3A = arith.addi %mul3A_0, %arg1 : i32
    "tpu.region"() ({
      %run_scoped3A_45 = tpu.sem_alloc : memref<!tpu.dma_semaphore, #tpu.memory_space<semaphore_mem>>
      %dma_start3A_46 = arith.constant 0 : i32
      %dma_start3A_47 = tpu.memref_slice %arg3[%add3A, %dma_start3A_46] : memref<32x10000xi32, #tpu.memory_space<hbm>> -> memref<1x10000xi32, #tpu.memory_space<hbm>>
      %dma_start3A_48 = tpu.memref_squeeze %dma_start3A_47 : memref<1x10000xi32, #tpu.memory_space<hbm>> -> memref<10000xi32, #tpu.memory_space<hbm>>
      %dma_start3A_49 = arith.constant 0 : i32
      %dma_start3A_50 = tpu.memref_slice %arg3[%add3A, %dma_start3A_49] : memref<32x10000xi32, #tpu.memory_space<hbm>> -> memref<1x10000xi32, #tpu.memory_space<hbm>>
      %dma_start3A_51 = tpu.memref_squeeze %dma_start3A_50 : memref<1x10000xi32, #tpu.memory_space<hbm>> -> memref<10000xi32, #tpu.memory_space<hbm>>
      tpu.enqueue_dma source(%dma_start3A_51 : memref<10000xi32, #tpu.memory_space<hbm>>) target(%arg9 : memref<10000xi32, #tpu.memory_space<vmem>>) target_semaphore(%run_scoped3A_45 : memref<!tpu.dma_semaphore, #tpu.memory_space<semaphore_mem>>)
      %dma_wait3A_52 = arith.constant 0 : i32
      %dma_wait3A_53 = tpu.memref_slice %arg3[%add3A, %dma_wait3A_52] : memref<32x10000xi32, #tpu.memory_space<hbm>> -> memref<1x10000xi32, #tpu.memory_space<hbm>>
      %dma_wait3A_54 = tpu.memref_squeeze %dma_wait3A_53 : memref<1x10000xi32, #tpu.memory_space<hbm>> -> memref<10000xi32, #tpu.memory_space<hbm>>
      %dma_wait3A_55 = arith.constant 0 : i32
      %dma_wait3A_56 = tpu.memref_slice %arg3[%add3A, %dma_wait3A_55] : memref<32x10000xi32, #tpu.memory_space<hbm>> -> memref<1x10000xi32, #tpu.memory_space<hbm>>
      %dma_wait3A_57 = tpu.memref_squeeze %dma_wait3A_56 : memref<1x10000xi32, #tpu.memory_space<hbm>> -> memref<10000xi32, #tpu.memory_space<hbm>>
      tpu.wait_dma2 semaphore(%run_scoped3A_45 : memref<!tpu.dma_semaphore, #tpu.memory_space<semaphore_mem>>) src(%dma_wait3A_57 : memref<10000xi32, #tpu.memory_space<hbm>>) dst(%arg9 : memref<10000xi32, #tpu.memory_space<vmem>>)
      tpu.yield
    }) : () -> ()
    "tpu.region"() ({
      %run_scoped3A_45 = tpu.sem_alloc : memref<!tpu.dma_semaphore, #tpu.memory_space<semaphore_mem>>
      %dma_start3A_46 = arith.constant 0 : i32
      %dma_start3A_47 = arith.constant 0 : i32
      %dma_start3A_48 = tpu.memref_slice %arg4[%add3A, %dma_start3A_46, %dma_start3A_47] : memref<32x80x128xi32, #tpu.memory_space<hbm>> -> memref<1x80x128xi32, #tpu.memory_space<hbm>>
      %dma_start3A_49 = tpu.memref_squeeze %dma_start3A_48 : memref<1x80x128xi32, #tpu.memory_space<hbm>> -> memref<80x128xi32, #tpu.memory_space<hbm>>
      %dma_start3A_50 = arith.constant 0 : i32
      %dma_start3A_51 = arith.constant 0 : i32
      %dma_start3A_52 = tpu.memref_slice %dma_start3A_49[%dma_start3A_50, %dma_start3A_51] : memref<80x128xi32, #tpu.memory_space<hbm>> -> memref<40x128xi32, #tpu.memory_space<hbm>>
      %dma_start3A_53 = arith.constant 0 : i32
      %dma_start3A_54 = arith.constant 0 : i32
      %dma_start3A_55 = tpu.memref_slice %arg4[%add3A, %dma_start3A_53, %dma_start3A_54] : memref<32x80x128xi32, #tpu.memory_space<hbm>> -> memref<1x80x128xi32, #tpu.memory_space<hbm>>
      %dma_start3A_56 = tpu.memref_squeeze %dma_start3A_55 : memref<1x80x128xi32, #tpu.memory_space<hbm>> -> memref<80x128xi32, #tpu.memory_space<hbm>>
      %dma_start3A_57 = arith.constant 0 : i32
      %dma_start3A_58 = arith.constant 0 : i32
      %dma_start3A_59 = tpu.memref_slice %dma_start3A_56[%dma_start3A_57, %dma_start3A_58] : memref<80x128xi32, #tpu.memory_space<hbm>> -> memref<40x128xi32, #tpu.memory_space<hbm>>
      tpu.enqueue_dma source(%dma_start3A_59 : memref<40x128xi32, #tpu.memory_space<hbm>>) target(%arg10 : memref<40x128xi32, #tpu.memory_space<vmem>>) target_semaphore(%run_scoped3A_45 : memref<!tpu.dma_semaphore, #tpu.memory_space<semaphore_mem>>)
      %dma_wait3A_60 = arith.constant 0 : i32
      %dma_wait3A_61 = arith.constant 0 : i32
      %dma_wait3A_62 = tpu.memref_slice %arg4[%add3A, %dma_wait3A_60, %dma_wait3A_61] : memref<32x80x128xi32, #tpu.memory_space<hbm>> -> memref<1x80x128xi32, #tpu.memory_space<hbm>>
      %dma_wait3A_63 = tpu.memref_squeeze %dma_wait3A_62 : memref<1x80x128xi32, #tpu.memory_space<hbm>> -> memref<80x128xi32, #tpu.memory_space<hbm>>
      %dma_wait3A_64 = arith.constant 0 : i32
      %dma_wait3A_65 = arith.constant 0 : i32
      %dma_wait3A_66 = tpu.memref_slice %dma_wait3A_63[%dma_wait3A_64, %dma_wait3A_65] : memref<80x128xi32, #tpu.memory_space<hbm>> -> memref<40x128xi32, #tpu.memory_space<hbm>>
      %dma_wait3A_67 = arith.constant 0 : i32
      %dma_wait3A_68 = arith.constant 0 : i32
      %dma_wait3A_69 = tpu.memref_slice %arg4[%add3A, %dma_wait3A_67, %dma_wait3A_68] : memref<32x80x128xi32, #tpu.memory_space<hbm>> -> memref<1x80x128xi32, #tpu.memory_space<hbm>>
      %dma_wait3A_70 = tpu.memref_squeeze %dma_wait3A_69 : memref<1x80x128xi32, #tpu.memory_space<hbm>> -> memref<80x128xi32, #tpu.memory_space<hbm>>
      %dma_wait3A_71 = arith.constant 0 : i32
      %dma_wait3A_72 = arith.constant 0 : i32
      %dma_wait3A_73 = tpu.memref_slice %dma_wait3A_70[%dma_wait3A_71, %dma_wait3A_72] : memref<80x128xi32, #tpu.memory_space<hbm>> -> memref<40x128xi32, #tpu.memory_space<hbm>>
      tpu.wait_dma2 semaphore(%run_scoped3A_45 : memref<!tpu.dma_semaphore, #tpu.memory_space<semaphore_mem>>) src(%dma_wait3A_73 : memref<40x128xi32, #tpu.memory_space<hbm>>) dst(%arg10 : memref<40x128xi32, #tpu.memory_space<vmem>>)
      tpu.yield
    }) : () -> ()
    "tpu.region"() ({
      %run_scoped3A_45 = tpu.sem_alloc : memref<!tpu.dma_semaphore, #tpu.memory_space<semaphore_mem>>
      %dma_start3A_46 = arith.constant 0 : i32
      %dma_start3A_47 = arith.constant 0 : i32
      %dma_start3A_48 = tpu.memref_slice %arg5[%add3A, %dma_start3A_46, %dma_start3A_47] : memref<32x1x16xi32, #tpu.memory_space<hbm>> -> memref<1x1x16xi32, #tpu.memory_space<hbm>>
      %dma_start3A_49 = tpu.memref_squeeze %dma_start3A_48 : memref<1x1x16xi32, #tpu.memory_space<hbm>> -> memref<1x16xi32, #tpu.memory_space<hbm>>
      %dma_start3A_50 = arith.constant 0 : i32
      %dma_start3A_51 = arith.constant 0 : i32
      %dma_start3A_52 = tpu.memref_slice %arg5[%add3A, %dma_start3A_50, %dma_start3A_51] : memref<32x1x16xi32, #tpu.memory_space<hbm>> -> memref<1x1x16xi32, #tpu.memory_space<hbm>>
      %dma_start3A_53 = tpu.memref_squeeze %dma_start3A_52 : memref<1x1x16xi32, #tpu.memory_space<hbm>> -> memref<1x16xi32, #tpu.memory_space<hbm>>
      tpu.enqueue_dma source(%dma_start3A_53 : memref<1x16xi32, #tpu.memory_space<hbm>>) target(%arg11 : memref<1x16xi32, #tpu.memory_space<vmem>>) target_semaphore(%run_scoped3A_45 : memref<!tpu.dma_semaphore, #tpu.memory_space<semaphore_mem>>)
      %dma_wait3A_54 = arith.constant 0 : i32
      %dma_wait3A_55 = arith.constant 0 : i32
      %dma_wait3A_56 = tpu.memref_slice %arg5[%add3A, %dma_wait3A_54, %dma_wait3A_55] : memref<32x1x16xi32, #tpu.memory_space<hbm>> -> memref<1x1x16xi32, #tpu.memory_space<hbm>>
      %dma_wait3A_57 = tpu.memref_squeeze %dma_wait3A_56 : memref<1x1x16xi32, #tpu.memory_space<hbm>> -> memref<1x16xi32, #tpu.memory_space<hbm>>
      %dma_wait3A_58 = arith.constant 0 : i32
      %dma_wait3A_59 = arith.constant 0 : i32
      %dma_wait3A_60 = tpu.memref_slice %arg5[%add3A, %dma_wait3A_58, %dma_wait3A_59] : memref<32x1x16xi32, #tpu.memory_space<hbm>> -> memref<1x1x16xi32, #tpu.memory_space<hbm>>
      %dma_wait3A_61 = tpu.memref_squeeze %dma_wait3A_60 : memref<1x1x16xi32, #tpu.memory_space<hbm>> -> memref<1x16xi32, #tpu.memory_space<hbm>>
      tpu.wait_dma2 semaphore(%run_scoped3A_45 : memref<!tpu.dma_semaphore, #tpu.memory_space<semaphore_mem>>) src(%dma_wait3A_61 : memref<1x16xi32, #tpu.memory_space<hbm>>) dst(%arg11 : memref<1x16xi32, #tpu.memory_space<vmem>>)
      tpu.yield
    }) : () -> ()
    %lt3A = arith.constant 15 : i32
    %lt3A_1 = arith.cmpi slt, %arg1, %lt3A : i32
    %convert_element_type3A = arith.extui %lt3A_1 : i1 to i32
    %cond3A = arith.constant 0 : i32
    %cond3A_2 = arith.cmpi ne, %convert_element_type3A, %cond3A : i32
    scf.if %cond3A_2 {
      %mul3A_45 = arith.constant 632 : i32
      %mul3A_46 = arith.muli %arg1, %mul3A_45 : i32
      "tpu.region"() ({
        %run_scoped3A_47 = tpu.sem_alloc : memref<!tpu.dma_semaphore, #tpu.memory_space<semaphore_mem>>
        %dma_start3A_48 = arith.constant 0 : i32
        %dma_start3A_49 = tpu.memref_slice %arg14[%mul3A_46, %dma_start3A_48] : memref<10000x128xf32, #tpu.memory_space<vmem_shared>> -> memref<632x128xf32, #tpu.memory_space<vmem_shared>>
        tpu.enqueue_dma source(%arg6 : memref<632x128xf32, #tpu.memory_space<hbm>>) target(%dma_start3A_49 : memref<632x128xf32, #tpu.memory_space<vmem_shared>>) target_semaphore(%run_scoped3A_47 : memref<!tpu.dma_semaphore, #tpu.memory_space<semaphore_mem>>)
        %dma_wait3A_50 = arith.constant 0 : i32
        %dma_wait3A_51 = tpu.memref_slice %arg14[%mul3A_46, %dma_wait3A_50] : memref<10000x128xf32, #tpu.memory_space<vmem_shared>> -> memref<632x128xf32, #tpu.memory_space<vmem_shared>>
        tpu.wait_dma2 semaphore(%run_scoped3A_47 : memref<!tpu.dma_semaphore, #tpu.memory_space<semaphore_mem>>) src(%arg6 : memref<632x128xf32, #tpu.memory_space<hbm>>) dst(%dma_wait3A_51 : memref<632x128xf32, #tpu.memory_space<vmem_shared>>)
        tpu.yield
      }) : () -> ()
    } else {
    }
    %eq3A = arith.constant 15 : i32
    %eq3A_3 = arith.cmpi eq, %arg1, %eq3A : i32
    %convert_element_type3A_4 = arith.extui %eq3A_3 : i1 to i32
    %cond3A_5 = arith.constant 0 : i32
    %cond3A_6 = arith.cmpi ne, %convert_element_type3A_4, %cond3A_5 : i32
    scf.if %cond3A_6 {
      "tpu.region"() ({
        %run_scoped3A_45 = tpu.sem_alloc : memref<!tpu.dma_semaphore, #tpu.memory_space<semaphore_mem>>
        %dma_start3A_46 = arith.constant 9480 : i32
        %dma_start3A_47 = arith.constant 0 : i32
        %dma_start3A_48 = tpu.memref_slice %arg14[%dma_start3A_46, %dma_start3A_47] : memref<10000x128xf32, #tpu.memory_space<vmem_shared>> -> memref<520x128xf32, #tpu.memory_space<vmem_shared>>
        %dma_start3A_49 = arith.constant 0 : i32
        %dma_start3A_50 = arith.constant 0 : i32
        %dma_start3A_51 = tpu.memref_slice %arg6[%dma_start3A_49, %dma_start3A_50] : memref<632x128xf32, #tpu.memory_space<hbm>> -> memref<520x128xf32, #tpu.memory_space<hbm>>
        tpu.enqueue_dma source(%dma_start3A_51 : memref<520x128xf32, #tpu.memory_space<hbm>>) target(%dma_start3A_48 : memref<520x128xf32, #tpu.memory_space<vmem_shared>>) target_semaphore(%run_scoped3A_45 : memref<!tpu.dma_semaphore, #tpu.memory_space<semaphore_mem>>)
        %dma_wait3A_52 = arith.constant 9480 : i32
        %dma_wait3A_53 = arith.constant 0 : i32
        %dma_wait3A_54 = tpu.memref_slice %arg14[%dma_wait3A_52, %dma_wait3A_53] : memref<10000x128xf32, #tpu.memory_space<vmem_shared>> -> memref<520x128xf32, #tpu.memory_space<vmem_shared>>
        %dma_wait3A_55 = arith.constant 0 : i32
        %dma_wait3A_56 = arith.constant 0 : i32
        %dma_wait3A_57 = tpu.memref_slice %arg6[%dma_wait3A_55, %dma_wait3A_56] : memref<632x128xf32, #tpu.memory_space<hbm>> -> memref<520x128xf32, #tpu.memory_space<hbm>>
        tpu.wait_dma2 semaphore(%run_scoped3A_45 : memref<!tpu.dma_semaphore, #tpu.memory_space<semaphore_mem>>) src(%dma_wait3A_57 : memref<520x128xf32, #tpu.memory_space<hbm>>) dst(%dma_wait3A_54 : memref<520x128xf32, #tpu.memory_space<vmem_shared>>)
        tpu.yield
      }) : () -> ()
    } else {
    }
    %barrier3A = arith.constant 0 : index
    tpu.barrier barrier_id(%barrier3A)
    %dma_start3A = arith.constant 0 : i32
    %dma_start3A_7 = tpu.memref_slice %arg9[%dma_start3A] : memref<10000xi32, #tpu.memory_space<vmem>> -> memref<128xi32, #tpu.memory_space<vmem>>
    %dma_start3A_8 = arith.constant 0 : i32
    %dma_start3A_9 = arith.constant 0 : i32
    %dma_start3A_10 = tpu.memref_slice %arg2[%dma_start3A_8, %dma_start3A_9] : memref<10000x128xf32, #tpu.memory_space<hbm>> -> memref<10000x128xf32, #tpu.memory_space<hbm>>
    tpu.enqueue_indirect_dma source(%dma_start3A_10 : memref<10000x128xf32, #tpu.memory_space<hbm>>) target(%arg12 : memref<128x128xf32, #tpu.memory_space<vmem>>) offsets(%dma_start3A_7 : memref<128xi32, #tpu.memory_space<vmem>>) semaphore(%arg15 : memref<!tpu.dma_semaphore, #tpu.memory_space<semaphore_mem>>)
    %scan3A = arith.constant 0 : i32
    %scan3A_11 = arith.constant 39 : i32
    %scan3A_12 = arith.addi %scan3A, %scan3A_11 : i32
    %scan3A_13 = arith.constant 1 : i32
    scf.for %scan3A_45 = %scan3A to %scan3A_12 step %scan3A_13  : i32 {
      %mul3A_46 = arith.constant 2 : i32
      %mul3A_47 = arith.muli %scan3A_45, %mul3A_46 : i32
      %add3A_48 = arith.constant 0 : i32
      %add3A_49 = arith.addi %add3A_48, %mul3A_47 : i32
      %eq3A_50 = arith.constant 40 : i32
      %eq3A_51 = arith.cmpi eq, %add3A_49, %eq3A_50 : i32
      %convert_element_type3A_52 = arith.extui %eq3A_51 : i1 to i32
      %cond3A_53 = arith.constant 0 : i32
      %cond3A_54 = arith.cmpi ne, %convert_element_type3A_52, %cond3A_53 : i32
      scf.if %cond3A_54 {
        "tpu.region"() ({
          %run_scoped3A_74 = tpu.sem_alloc : memref<!tpu.dma_semaphore, #tpu.memory_space<semaphore_mem>>
          %dma_start3A_75 = arith.constant 0 : i32
          %dma_start3A_76 = arith.constant 0 : i32
          %dma_start3A_77 = tpu.memref_slice %arg4[%add3A, %dma_start3A_75, %dma_start3A_76] : memref<32x80x128xi32, #tpu.memory_space<hbm>> -> memref<1x80x128xi32, #tpu.memory_space<hbm>>
          %dma_start3A_78 = tpu.memref_squeeze %dma_start3A_77 : memref<1x80x128xi32, #tpu.memory_space<hbm>> -> memref<80x128xi32, #tpu.memory_space<hbm>>
          %dma_start3A_79 = arith.constant 40 : i32
          %dma_start3A_80 = arith.constant 0 : i32
          %dma_start3A_81 = tpu.memref_slice %dma_start3A_78[%dma_start3A_79, %dma_start3A_80] : memref<80x128xi32, #tpu.memory_space<hbm>> -> memref<40x128xi32, #tpu.memory_space<hbm>>
          %dma_start3A_82 = arith.constant 0 : i32
          %dma_start3A_83 = arith.constant 0 : i32
          %dma_start3A_84 = tpu.memref_slice %arg4[%add3A, %dma_start3A_82, %dma_start3A_83] : memref<32x80x128xi32, #tpu.memory_space<hbm>> -> memref<1x80x128xi32, #tpu.memory_space<hbm>>
          %dma_start3A_85 = tpu.memref_squeeze %dma_start3A_84 : memref<1x80x128xi32, #tpu.memory_space<hbm>> -> memref<80x128xi32, #tpu.memory_space<hbm>>
          %dma_start3A_86 = arith.constant 40 : i32
          %dma_start3A_87 = arith.constant 0 : i32
          %dma_start3A_88 = tpu.memref_slice %dma_start3A_85[%dma_start3A_86, %dma_start3A_87] : memref<80x128xi32, #tpu.memory_space<hbm>> -> memref<40x128xi32, #tpu.memory_space<hbm>>
          tpu.enqueue_dma source(%dma_start3A_88 : memref<40x128xi32, #tpu.memory_space<hbm>>) target(%arg10 : memref<40x128xi32, #tpu.memory_space<vmem>>) target_semaphore(%run_scoped3A_74 : memref<!tpu.dma_semaphore, #tpu.memory_space<semaphore_mem>>)
          %dma_wait3A_89 = arith.constant 0 : i32
          %dma_wait3A_90 = arith.constant 0 : i32
          %dma_wait3A_91 = tpu.memref_slice %arg4[%add3A, %dma_wait3A_89, %dma_wait3A_90] : memref<32x80x128xi32, #tpu.memory_space<hbm>> -> memref<1x80x128xi32, #tpu.memory_space<hbm>>
          %dma_wait3A_92 = tpu.memref_squeeze %dma_wait3A_91 : memref<1x80x128xi32, #tpu.memory_space<hbm>> -> memref<80x128xi32, #tpu.memory_space<hbm>>
          %dma_wait3A_93 = arith.constant 40 : i32
          %dma_wait3A_94 = arith.constant 0 : i32
          %dma_wait3A_95 = tpu.memref_slice %dma_wait3A_92[%dma_wait3A_93, %dma_wait3A_94] : memref<80x128xi32, #tpu.memory_space<hbm>> -> memref<40x128xi32, #tpu.memory_space<hbm>>
          %dma_wait3A_96 = arith.constant 0 : i32
          %dma_wait3A_97 = arith.constant 0 : i32
          %dma_wait3A_98 = tpu.memref_slice %arg4[%add3A, %dma_wait3A_96, %dma_wait3A_97] : memref<32x80x128xi32, #tpu.memory_space<hbm>> -> memref<1x80x128xi32, #tpu.memory_space<hbm>>
          %dma_wait3A_99 = tpu.memref_squeeze %dma_wait3A_98 : memref<1x80x128xi32, #tpu.memory_space<hbm>> -> memref<80x128xi32, #tpu.memory_space<hbm>>
          %dma_wait3A_100 = arith.constant 40 : i32
          %dma_wait3A_101 = arith.constant 0 : i32
          %dma_wait3A_102 = tpu.memref_slice %dma_wait3A_99[%dma_wait3A_100, %dma_wait3A_101] : memref<80x128xi32, #tpu.memory_space<hbm>> -> memref<40x128xi32, #tpu.memory_space<hbm>>
          tpu.wait_dma2 semaphore(%run_scoped3A_74 : memref<!tpu.dma_semaphore, #tpu.memory_space<semaphore_mem>>) src(%dma_wait3A_102 : memref<40x128xi32, #tpu.memory_space<hbm>>) dst(%arg10 : memref<40x128xi32, #tpu.memory_space<vmem>>)
          tpu.yield
        }) : () -> ()
      } else {
      }
      %ge3A = arith.constant 40 : i32
      %ge3A_55 = arith.cmpi sge, %add3A_49, %ge3A : i32
      %sub3A = arith.constant 40 : i32
      %sub3A_56 = arith.subi %add3A_49, %sub3A : i32
      %select_n3A = arith.select %ge3A_55, %sub3A_56, %add3A_49 : i32
      %add3A_57 = arith.constant 1 : i32
      %add3A_58 = arith.addi %add3A_49, %add3A_57 : i32
      %mul3A_59 = arith.constant 128 : i32
      %mul3A_60 = arith.muli %add3A_58, %mul3A_59 : i32
      %dma_start3A_61 = tpu.memref_slice %arg9[%mul3A_60] : memref<10000xi32, #tpu.memory_space<vmem>> -> memref<128xi32, #tpu.memory_space<vmem>>
      %dma_start3A_62 = arith.constant 0 : i32
      %dma_start3A_63 = arith.constant 0 : i32
      %dma_start3A_64 = tpu.memref_slice %arg2[%dma_start3A_62, %dma_start3A_63] : memref<10000x128xf32, #tpu.memory_space<hbm>> -> memref<10000x128xf32, #tpu.memory_space<hbm>>
      tpu.enqueue_indirect_dma source(%dma_start3A_64 : memref<10000x128xf32, #tpu.memory_space<hbm>>) target(%arg13 : memref<128x128xf32, #tpu.memory_space<vmem>>) offsets(%dma_start3A_61 : memref<128xi32, #tpu.memory_space<vmem>>) semaphore(%arg16 : memref<!tpu.dma_semaphore, #tpu.memory_space<semaphore_mem>>)
      tpu.wait_dma2 semaphore(%arg15 : memref<!tpu.dma_semaphore, #tpu.memory_space<semaphore_mem>>) src(%arg7 : memref<128x128xf32, #tpu.memory_space<hbm>>) dst(%arg12 : memref<128x128xf32, #tpu.memory_space<vmem>>)
      "tpu.region"() ({
        %run_scoped3A_74 = tpu.sem_alloc : memref<!tpu.dma_semaphore, #tpu.memory_space<semaphore_mem>>
        %dma_start3A_75 = arith.constant 0 : i32
        %dma_start3A_76 = tpu.memref_slice %arg10[%select_n3A, %dma_start3A_75] : memref<40x128xi32, #tpu.memory_space<vmem>> -> memref<1x128xi32, #tpu.memory_space<vmem>>
        %dma_start3A_77 = tpu.memref_squeeze %dma_start3A_76 : memref<1x128xi32, #tpu.memory_space<vmem>> -> memref<128xi32, #tpu.memory_space<vmem>>
        %dma_start3A_78 = arith.constant 0 : i32
        %dma_start3A_79 = arith.constant 0 : i32
        %dma_start3A_80 = tpu.memref_slice %arg14[%dma_start3A_78, %dma_start3A_79] : memref<10000x128xf32, #tpu.memory_space<vmem_shared>> -> memref<10000x128xf32, #tpu.memory_space<vmem_shared>>
        tpu.enqueue_indirect_dma source(%arg12 : memref<128x128xf32, #tpu.memory_space<vmem>>) target(%dma_start3A_80 : memref<10000x128xf32, #tpu.memory_space<vmem_shared>>) offsets(%dma_start3A_77 : memref<128xi32, #tpu.memory_space<vmem>>) semaphore(%run_scoped3A_74 : memref<!tpu.dma_semaphore, #tpu.memory_space<semaphore_mem>>) {add = true}
        %dma_wait3A_81 = arith.constant 0 : i32
        %dma_wait3A_82 = tpu.memref_slice %arg10[%select_n3A, %dma_wait3A_81] : memref<40x128xi32, #tpu.memory_space<vmem>> -> memref<1x128xi32, #tpu.memory_space<vmem>>
        %dma_wait3A_83 = tpu.memref_squeeze %dma_wait3A_82 : memref<1x128xi32, #tpu.memory_space<vmem>> -> memref<128xi32, #tpu.memory_space<vmem>>
        %dma_wait3A_84 = arith.constant 0 : i32
        %dma_wait3A_85 = arith.constant 0 : i32
        %dma_wait3A_86 = tpu.memref_slice %arg14[%dma_wait3A_84, %dma_wait3A_85] : memref<10000x128xf32, #tpu.memory_space<vmem_shared>> -> memref<10000x128xf32, #tpu.memory_space<vmem_shared>>
        tpu.wait_indirect_dma semaphore(%run_scoped3A_74 : memref<!tpu.dma_semaphore, #tpu.memory_space<semaphore_mem>>) src(%arg12 : memref<128x128xf32, #tpu.memory_space<vmem>>) dst(%dma_wait3A_86 : memref<10000x128xf32, #tpu.memory_space<vmem_shared>>)
        tpu.yield
      }) : () -> ()
      %add3A_65 = arith.constant 2 : i32
      %add3A_66 = arith.addi %add3A_49, %add3A_65 : i32
      %lt3A_67 = arith.constant 78 : i32
      %lt3A_68 = arith.cmpi slt, %add3A_66, %lt3A_67 : i32
      %convert_element_type3A_69 = arith.extui %lt3A_68 : i1 to i32
      %cond3A_70 = arith.constant 0 : i32
      %cond3A_71 = arith.cmpi ne, %convert_element_type3A_69, %cond3A_70 : i32
      scf.if %cond3A_71 {
        %add3A_74 = arith.constant 2 : i32
        %add3A_75 = arith.addi %add3A_49, %add3A_74 : i32
        %mul3A_76 = arith.constant 128 : i32
        %mul3A_77 = arith.muli %add3A_75, %mul3A_76 : i32
        %dma_start3A_78 = tpu.memref_slice %arg9[%mul3A_77] : memref<10000xi32, #tpu.memory_space<vmem>> -> memref<128xi32, #tpu.memory_space<vmem>>
        %dma_start3A_79 = arith.constant 0 : i32
        %dma_start3A_80 = arith.constant 0 : i32
        %dma_start3A_81 = tpu.memref_slice %arg2[%dma_start3A_79, %dma_start3A_80] : memref<10000x128xf32, #tpu.memory_space<hbm>> -> memref<10000x128xf32, #tpu.memory_space<hbm>>
        tpu.enqueue_indirect_dma source(%dma_start3A_81 : memref<10000x128xf32, #tpu.memory_space<hbm>>) target(%arg12 : memref<128x128xf32, #tpu.memory_space<vmem>>) offsets(%dma_start3A_78 : memref<128xi32, #tpu.memory_space<vmem>>) semaphore(%arg15 : memref<!tpu.dma_semaphore, #tpu.memory_space<semaphore_mem>>)
      } else {
      }
      tpu.wait_dma2 semaphore(%arg16 : memref<!tpu.dma_semaphore, #tpu.memory_space<semaphore_mem>>) src(%arg7 : memref<128x128xf32, #tpu.memory_space<hbm>>) dst(%arg13 : memref<128x128xf32, #tpu.memory_space<vmem>>)
      %add3A_72 = arith.constant 1 : i32
      %add3A_73 = arith.addi %select_n3A, %add3A_72 : i32
      "tpu.region"() ({
        %run_scoped3A_74 = tpu.sem_alloc : memref<!tpu.dma_semaphore, #tpu.memory_space<semaphore_mem>>
        %dma_start3A_75 = arith.constant 0 : i32
        %dma_start3A_76 = tpu.memref_slice %arg10[%add3A_73, %dma_start3A_75] : memref<40x128xi32, #tpu.memory_space<vmem>> -> memref<1x128xi32, #tpu.memory_space<vmem>>
        %dma_start3A_77 = tpu.memref_squeeze %dma_start3A_76 : memref<1x128xi32, #tpu.memory_space<vmem>> -> memref<128xi32, #tpu.memory_space<vmem>>
        %dma_start3A_78 = arith.constant 0 : i32
        %dma_start3A_79 = arith.constant 0 : i32
        %dma_start3A_80 = tpu.memref_slice %arg14[%dma_start3A_78, %dma_start3A_79] : memref<10000x128xf32, #tpu.memory_space<vmem_shared>> -> memref<10000x128xf32, #tpu.memory_space<vmem_shared>>
        tpu.enqueue_indirect_dma source(%arg13 : memref<128x128xf32, #tpu.memory_space<vmem>>) target(%dma_start3A_80 : memref<10000x128xf32, #tpu.memory_space<vmem_shared>>) offsets(%dma_start3A_77 : memref<128xi32, #tpu.memory_space<vmem>>) semaphore(%run_scoped3A_74 : memref<!tpu.dma_semaphore, #tpu.memory_space<semaphore_mem>>) {add = true}
        %dma_wait3A_81 = arith.constant 0 : i32
        %dma_wait3A_82 = tpu.memref_slice %arg10[%add3A_73, %dma_wait3A_81] : memref<40x128xi32, #tpu.memory_space<vmem>> -> memref<1x128xi32, #tpu.memory_space<vmem>>
        %dma_wait3A_83 = tpu.memref_squeeze %dma_wait3A_82 : memref<1x128xi32, #tpu.memory_space<vmem>> -> memref<128xi32, #tpu.memory_space<vmem>>
        %dma_wait3A_84 = arith.constant 0 : i32
        %dma_wait3A_85 = arith.constant 0 : i32
        %dma_wait3A_86 = tpu.memref_slice %arg14[%dma_wait3A_84, %dma_wait3A_85] : memref<10000x128xf32, #tpu.memory_space<vmem_shared>> -> memref<10000x128xf32, #tpu.memory_space<vmem_shared>>
        tpu.wait_indirect_dma semaphore(%run_scoped3A_74 : memref<!tpu.dma_semaphore, #tpu.memory_space<semaphore_mem>>) src(%arg13 : memref<128x128xf32, #tpu.memory_space<vmem>>) dst(%dma_wait3A_86 : memref<10000x128xf32, #tpu.memory_space<vmem_shared>>)
        tpu.yield
      }) : () -> ()
    }
    %scan3A_14 = arith.constant 39 : i32
    %dma_start3A_15 = arith.constant 0 : i32
    %dma_start3A_16 = arith.constant 0 : i32
    %dma_start3A_17 = tpu.memref_slice %arg12[%dma_start3A_15, %dma_start3A_16] : memref<128x128xf32, #tpu.memory_space<vmem>> -> memref<16x128xf32, #tpu.memory_space<vmem>>
    %dma_start3A_18 = arith.constant 9984 : i32
    %dma_start3A_19 = tpu.memref_slice %arg9[%dma_start3A_18] : memref<10000xi32, #tpu.memory_space<vmem>> -> memref<16xi32, #tpu.memory_space<vmem>>
    %dma_start3A_20 = arith.constant 0 : i32
    %dma_start3A_21 = arith.constant 0 : i32
    %dma_start3A_22 = tpu.memref_slice %arg2[%dma_start3A_20, %dma_start3A_21] : memref<10000x128xf32, #tpu.memory_space<hbm>> -> memref<10000x128xf32, #tpu.memory_space<hbm>>
    tpu.enqueue_indirect_dma source(%dma_start3A_22 : memref<10000x128xf32, #tpu.memory_space<hbm>>) target(%dma_start3A_17 : memref<16x128xf32, #tpu.memory_space<vmem>>) offsets(%dma_start3A_19 : memref<16xi32, #tpu.memory_space<vmem>>) semaphore(%arg15 : memref<!tpu.dma_semaphore, #tpu.memory_space<semaphore_mem>>)
    %dma_wait3A = arith.constant 0 : i32
    %dma_wait3A_23 = arith.constant 0 : i32
    %dma_wait3A_24 = tpu.memref_slice %arg12[%dma_wait3A, %dma_wait3A_23] : memref<128x128xf32, #tpu.memory_space<vmem>> -> memref<16x128xf32, #tpu.memory_space<vmem>>
    %dma_wait3A_25 = arith.constant 0 : i32
    %dma_wait3A_26 = arith.constant 0 : i32
    %dma_wait3A_27 = tpu.memref_slice %arg7[%dma_wait3A_25, %dma_wait3A_26] : memref<128x128xf32, #tpu.memory_space<hbm>> -> memref<16x128xf32, #tpu.memory_space<hbm>>
    %dma_wait3A_28 = arith.constant 0 : i32
    %dma_wait3A_29 = arith.constant 0 : i32
    %dma_wait3A_30 = tpu.memref_slice %arg12[%dma_wait3A_28, %dma_wait3A_29] : memref<128x128xf32, #tpu.memory_space<vmem>> -> memref<16x128xf32, #tpu.memory_space<vmem>>
    %dma_wait3A_31 = arith.constant 0 : i32
    %dma_wait3A_32 = arith.constant 0 : i32
    %dma_wait3A_33 = tpu.memref_slice %arg7[%dma_wait3A_31, %dma_wait3A_32] : memref<128x128xf32, #tpu.memory_space<hbm>> -> memref<16x128xf32, #tpu.memory_space<hbm>>
    tpu.wait_dma2 semaphore(%arg15 : memref<!tpu.dma_semaphore, #tpu.memory_space<semaphore_mem>>) src(%dma_wait3A_33 : memref<16x128xf32, #tpu.memory_space<hbm>>) dst(%dma_wait3A_30 : memref<16x128xf32, #tpu.memory_space<vmem>>)
    %run_scoped3A = arith.constant 0 : i32
    "tpu.region"() ({
      %run_scoped3A_45 = tpu.sem_alloc : memref<!tpu.dma_semaphore, #tpu.memory_space<semaphore_mem>>
      %dma_start3A_46 = arith.constant 0 : i32
      %dma_start3A_47 = arith.constant 0 : i32
      %dma_start3A_48 = tpu.memref_slice %arg12[%dma_start3A_46, %dma_start3A_47] : memref<128x128xf32, #tpu.memory_space<vmem>> -> memref<16x128xf32, #tpu.memory_space<vmem>>
      %dma_start3A_49 = arith.constant 0 : i32
      %dma_start3A_50 = tpu.memref_slice %arg11[%run_scoped3A, %dma_start3A_49] : memref<1x16xi32, #tpu.memory_space<vmem>> -> memref<1x16xi32, #tpu.memory_space<vmem>>
      %dma_start3A_51 = tpu.memref_squeeze %dma_start3A_50 : memref<1x16xi32, #tpu.memory_space<vmem>> -> memref<16xi32, #tpu.memory_space<vmem>>
      %dma_start3A_52 = arith.constant 0 : i32
      %dma_start3A_53 = arith.constant 0 : i32
      %dma_start3A_54 = tpu.memref_slice %arg14[%dma_start3A_52, %dma_start3A_53] : memref<10000x128xf32, #tpu.memory_space<vmem_shared>> -> memref<10000x128xf32, #tpu.memory_space<vmem_shared>>
      tpu.enqueue_indirect_dma source(%dma_start3A_48 : memref<16x128xf32, #tpu.memory_space<vmem>>) target(%dma_start3A_54 : memref<10000x128xf32, #tpu.memory_space<vmem_shared>>) offsets(%dma_start3A_51 : memref<16xi32, #tpu.memory_space<vmem>>) semaphore(%run_scoped3A_45 : memref<!tpu.dma_semaphore, #tpu.memory_space<semaphore_mem>>) {add = true}
      %dma_wait3A_55 = arith.constant 0 : i32
      %dma_wait3A_56 = arith.constant 0 : i32
      %dma_wait3A_57 = tpu.memref_slice %arg12[%dma_wait3A_55, %dma_wait3A_56] : memref<128x128xf32, #tpu.memory_space<vmem>> -> memref<16x128xf32, #tpu.memory_space<vmem>>
      %dma_wait3A_58 = arith.constant 0 : i32
      %dma_wait3A_59 = tpu.memref_slice %arg11[%run_scoped3A, %dma_wait3A_58] : memref<1x16xi32, #tpu.memory_space<vmem>> -> memref<1x16xi32, #tpu.memory_space<vmem>>
      %dma_wait3A_60 = tpu.memref_squeeze %dma_wait3A_59 : memref<1x16xi32, #tpu.memory_space<vmem>> -> memref<16xi32, #tpu.memory_space<vmem>>
      %dma_wait3A_61 = arith.constant 0 : i32
      %dma_wait3A_62 = arith.constant 0 : i32
      %dma_wait3A_63 = tpu.memref_slice %arg14[%dma_wait3A_61, %dma_wait3A_62] : memref<10000x128xf32, #tpu.memory_space<vmem_shared>> -> memref<10000x128xf32, #tpu.memory_space<vmem_shared>>
      tpu.wait_indirect_dma semaphore(%run_scoped3A_45 : memref<!tpu.dma_semaphore, #tpu.memory_space<semaphore_mem>>) src(%dma_wait3A_57 : memref<16x128xf32, #tpu.memory_space<vmem>>) dst(%dma_wait3A_63 : memref<10000x128xf32, #tpu.memory_space<vmem_shared>>)
      tpu.yield
    }) : () -> ()
    %barrier3A_34 = arith.constant 0 : index
    tpu.barrier barrier_id(%barrier3A_34)
    %lt3A_35 = arith.constant 15 : i32
    %lt3A_36 = arith.cmpi slt, %arg1, %lt3A_35 : i32
    %convert_element_type3A_37 = arith.extui %lt3A_36 : i1 to i32
    %cond3A_38 = arith.constant 0 : i32
    %cond3A_39 = arith.cmpi ne, %convert_element_type3A_37, %cond3A_38 : i32
    scf.if %cond3A_39 {
      %mul3A_45 = arith.constant 632 : i32
      %mul3A_46 = arith.muli %arg1, %mul3A_45 : i32
      %mul3A_47 = arith.constant 632 : i32
      %mul3A_48 = arith.muli %arg1, %mul3A_47 : i32
      "tpu.region"() ({
        %run_scoped3A_49 = tpu.sem_alloc : memref<!tpu.dma_semaphore, #tpu.memory_space<semaphore_mem>>
        %dma_start3A_50 = arith.constant 0 : i32
        %dma_start3A_51 = arith.constant 0 : i32
        %dma_start3A_52 = tpu.memref_slice %arg8[%arg0, %dma_start3A_50, %dma_start3A_51] : memref<2x10000x128xf32, #tpu.memory_space<hbm>> -> memref<1x10000x128xf32, #tpu.memory_space<hbm>>
        %dma_start3A_53 = tpu.memref_squeeze %dma_start3A_52 : memref<1x10000x128xf32, #tpu.memory_space<hbm>> -> memref<10000x128xf32, #tpu.memory_space<hbm>>
        %dma_start3A_54 = arith.constant 0 : i32
        %dma_start3A_55 = tpu.memref_slice %dma_start3A_53[%mul3A_48, %dma_start3A_54] : memref<10000x128xf32, #tpu.memory_space<hbm>> -> memref<632x128xf32, #tpu.memory_space<hbm>>
        %dma_start3A_56 = arith.constant 0 : i32
        %dma_start3A_57 = tpu.memref_slice %arg14[%mul3A_46, %dma_start3A_56] : memref<10000x128xf32, #tpu.memory_space<vmem_shared>> -> memref<632x128xf32, #tpu.memory_space<vmem_shared>>
        tpu.enqueue_dma source(%dma_start3A_57 : memref<632x128xf32, #tpu.memory_space<vmem_shared>>) target(%dma_start3A_55 : memref<632x128xf32, #tpu.memory_space<hbm>>) target_semaphore(%run_scoped3A_49 : memref<!tpu.dma_semaphore, #tpu.memory_space<semaphore_mem>>)
        %dma_wait3A_58 = arith.constant 0 : i32
        %dma_wait3A_59 = arith.constant 0 : i32
        %dma_wait3A_60 = tpu.memref_slice %arg8[%arg0, %dma_wait3A_58, %dma_wait3A_59] : memref<2x10000x128xf32, #tpu.memory_space<hbm>> -> memref<1x10000x128xf32, #tpu.memory_space<hbm>>
        %dma_wait3A_61 = tpu.memref_squeeze %dma_wait3A_60 : memref<1x10000x128xf32, #tpu.memory_space<hbm>> -> memref<10000x128xf32, #tpu.memory_space<hbm>>
        %dma_wait3A_62 = arith.constant 0 : i32
        %dma_wait3A_63 = tpu.memref_slice %dma_wait3A_61[%mul3A_48, %dma_wait3A_62] : memref<10000x128xf32, #tpu.memory_space<hbm>> -> memref<632x128xf32, #tpu.memory_space<hbm>>
        %dma_wait3A_64 = arith.constant 0 : i32
        %dma_wait3A_65 = tpu.memref_slice %arg14[%mul3A_46, %dma_wait3A_64] : memref<10000x128xf32, #tpu.memory_space<vmem_shared>> -> memref<632x128xf32, #tpu.memory_space<vmem_shared>>
        tpu.wait_dma2 semaphore(%run_scoped3A_49 : memref<!tpu.dma_semaphore, #tpu.memory_space<semaphore_mem>>) src(%dma_wait3A_65 : memref<632x128xf32, #tpu.memory_space<vmem_shared>>) dst(%dma_wait3A_63 : memref<632x128xf32, #tpu.memory_space<hbm>>)
        tpu.yield
      }) : () -> ()
    } else {
    }
    %eq3A_40 = arith.constant 15 : i32
    %eq3A_41 = arith.cmpi eq, %arg1, %eq3A_40 : i32
    %convert_element_type3A_42 = arith.extui %eq3A_41 : i1 to i32
    %cond3A_43 = arith.constant 0 : i32
    %cond3A_44 = arith.cmpi ne, %convert_element_type3A_42, %cond3A_43 : i32
    scf.if %cond3A_44 {
      "tpu.region"() ({
        %run_scoped3A_45 = tpu.sem_alloc : memref<!tpu.dma_semaphore, #tpu.memory_space<semaphore_mem>>
        %dma_start3A_46 = arith.constant 0 : i32
        %dma_start3A_47 = arith.constant 0 : i32
        %dma_start3A_48 = tpu.memref_slice %arg8[%arg0, %dma_start3A_46, %dma_start3A_47] : memref<2x10000x128xf32, #tpu.memory_space<hbm>> -> memref<1x10000x128xf32, #tpu.memory_space<hbm>>
        %dma_start3A_49 = tpu.memref_squeeze %dma_start3A_48 : memref<1x10000x128xf32, #tpu.memory_space<hbm>> -> memref<10000x128xf32, #tpu.memory_space<hbm>>
        %dma_start3A_50 = arith.constant 9480 : i32
        %dma_start3A_51 = arith.constant 0 : i32
        %dma_start3A_52 = tpu.memref_slice %dma_start3A_49[%dma_start3A_50, %dma_start3A_51] : memref<10000x128xf32, #tpu.memory_space<hbm>> -> memref<520x128xf32, #tpu.memory_space<hbm>>
        %dma_start3A_53 = arith.constant 9480 : i32
        %dma_start3A_54 = arith.constant 0 : i32
        %dma_start3A_55 = tpu.memref_slice %arg14[%dma_start3A_53, %dma_start3A_54] : memref<10000x128xf32, #tpu.memory_space<vmem_shared>> -> memref<520x128xf32, #tpu.memory_space<vmem_shared>>
        tpu.enqueue_dma source(%dma_start3A_55 : memref<520x128xf32, #tpu.memory_space<vmem_shared>>) target(%dma_start3A_52 : memref<520x128xf32, #tpu.memory_space<hbm>>) target_semaphore(%run_scoped3A_45 : memref<!tpu.dma_semaphore, #tpu.memory_space<semaphore_mem>>)
        %dma_wait3A_56 = arith.constant 0 : i32
        %dma_wait3A_57 = arith.constant 0 : i32
        %dma_wait3A_58 = tpu.memref_slice %arg8[%arg0, %dma_wait3A_56, %dma_wait3A_57] : memref<2x10000x128xf32, #tpu.memory_space<hbm>> -> memref<1x10000x128xf32, #tpu.memory_space<hbm>>
        %dma_wait3A_59 = tpu.memref_squeeze %dma_wait3A_58 : memref<1x10000x128xf32, #tpu.memory_space<hbm>> -> memref<10000x128xf32, #tpu.memory_space<hbm>>
        %dma_wait3A_60 = arith.constant 9480 : i32
        %dma_wait3A_61 = arith.constant 0 : i32
        %dma_wait3A_62 = tpu.memref_slice %dma_wait3A_59[%dma_wait3A_60, %dma_wait3A_61] : memref<10000x128xf32, #tpu.memory_space<hbm>> -> memref<520x128xf32, #tpu.memory_space<hbm>>
        %dma_wait3A_63 = arith.constant 9480 : i32
        %dma_wait3A_64 = arith.constant 0 : i32
        %dma_wait3A_65 = tpu.memref_slice %arg14[%dma_wait3A_63, %dma_wait3A_64] : memref<10000x128xf32, #tpu.memory_space<vmem_shared>> -> memref<520x128xf32, #tpu.memory_space<vmem_shared>>
        tpu.wait_dma2 semaphore(%run_scoped3A_45 : memref<!tpu.dma_semaphore, #tpu.memory_space<semaphore_mem>>) src(%dma_wait3A_65 : memref<520x128xf32, #tpu.memory_space<vmem_shared>>) dst(%dma_wait3A_62 : memref<520x128xf32, #tpu.memory_space<hbm>>)
        tpu.yield
      }) : () -> ()
    } else {
    }
    return
  }
}

#map = affine_map<(d0, d1) -> (0, 0)>
#map1 = affine_map<(d0, d1) -> (0, 0, 0)>
module attributes {stable_mosaic.version = 14 : i64} {
  func.func @_sc_spmm(%arg0: i32, %arg1: i32, %arg2: memref<10000x128xf32, #tpu.memory_space<hbm>>, %arg3: memref<32x10000xi32, #tpu.memory_space<hbm>>, %arg4: memref<32x80x128xi32, #tpu.memory_space<hbm>>, %arg5: memref<32x1x16xi32, #tpu.memory_space<hbm>>, %arg6: memref<632x128xf32, #tpu.memory_space<hbm>>, %arg7: memref<128x128xf32, #tpu.memory_space<hbm>>, %arg8: memref<2x10000x128xf32, #tpu.memory_space<hbm>>, %arg9: memref<10000xi32, #tpu.memory_space<vmem>>, %arg10: memref<40x128xi32, #tpu.memory_space<vmem>>, %arg11: memref<1x16xi32, #tpu.memory_space<vmem>>, %arg12: memref<128x128xf32, #tpu.memory_space<vmem>>, %arg13: memref<128x128xf32, #tpu.memory_space<vmem>>, %arg14: memref<10000x128xf32, #tpu.memory_space<vmem_shared>>, %arg15: memref<!tpu.dma_semaphore, #tpu.memory_space<semaphore_mem>>, %arg16: memref<!tpu.dma_semaphore, #tpu.memory_space<semaphore_mem>>) attributes {dimension_semantics = [#tpu.dimension_semantics<core_parallel>, #tpu.dimension_semantics<subcore_parallel>], iteration_bounds = array<i64: 2, 16>, scalar_prefetch = 0 : i64, scratch_operands = 8 : i64, tpu.core_type = #tpu.core_type<sc_vector_subcore>, window_params = [{transform_indices = #map}, {transform_indices = #map}, {transform_indices = #map1}, {transform_indices = #map1}, {transform_indices = #map}, {transform_indices = #map}, {transform_indices = #map1}]} {
    %mul3A = arith.constant 16 : i32
    %mul3A_0 = arith.muli %arg0, %mul3A : i32
    %add3A = arith.addi %mul3A_0, %arg1 : i32
    "tpu.region"() ({
      %run_scoped3A_45 = tpu.sem_alloc : memref<!tpu.dma_semaphore, #tpu.memory_space<semaphore_mem>>
      %dma_start3A_46 = arith.constant 0 : i32
      %dma_start3A_47 = tpu.memref_slice %arg3[%add3A, %dma_start3A_46] : memref<32x10000xi32, #tpu.memory_space<hbm>> -> memref<1x10000xi32, #tpu.memory_space<hbm>>
      %dma_start3A_48 = tpu.memref_squeeze %dma_start3A_47 : memref<1x10000xi32, #tpu.memory_space<hbm>> -> memref<10000xi32, #tpu.memory_space<hbm>>
      %dma_start3A_49 = arith.constant 0 : i32
      %dma_start3A_50 = tpu.memref_slice %arg3[%add3A, %dma_start3A_49] : memref<32x10000xi32, #tpu.memory_space<hbm>> -> memref<1x10000xi32, #tpu.memory_space<hbm>>
      %dma_start3A_51 = tpu.memref_squeeze %dma_start3A_50 : memref<1x10000xi32, #tpu.memory_space<hbm>> -> memref<10000xi32, #tpu.memory_space<hbm>>
      tpu.enqueue_dma source(%dma_start3A_51 : memref<10000xi32, #tpu.memory_space<hbm>>) target(%arg9 : memref<10000xi32, #tpu.memory_space<vmem>>) target_semaphore(%run_scoped3A_45 : memref<!tpu.dma_semaphore, #tpu.memory_space<semaphore_mem>>)
      %dma_wait3A_52 = arith.constant 0 : i32
      %dma_wait3A_53 = tpu.memref_slice %arg3[%add3A, %dma_wait3A_52] : memref<32x10000xi32, #tpu.memory_space<hbm>> -> memref<1x10000xi32, #tpu.memory_space<hbm>>
      %dma_wait3A_54 = tpu.memref_squeeze %dma_wait3A_53 : memref<1x10000xi32, #tpu.memory_space<hbm>> -> memref<10000xi32, #tpu.memory_space<hbm>>
      %dma_wait3A_55 = arith.constant 0 : i32
      %dma_wait3A_56 = tpu.memref_slice %arg3[%add3A, %dma_wait3A_55] : memref<32x10000xi32, #tpu.memory_space<hbm>> -> memref<1x10000xi32, #tpu.memory_space<hbm>>
      %dma_wait3A_57 = tpu.memref_squeeze %dma_wait3A_56 : memref<1x10000xi32, #tpu.memory_space<hbm>> -> memref<10000xi32, #tpu.memory_space<hbm>>
      tpu.wait_dma2 semaphore(%run_scoped3A_45 : memref<!tpu.dma_semaphore, #tpu.memory_space<semaphore_mem>>) src(%dma_wait3A_57 : memref<10000xi32, #tpu.memory_space<hbm>>) dst(%arg9 : memref<10000xi32, #tpu.memory_space<vmem>>)
      tpu.yield
    }) : () -> ()
    "tpu.region"() ({
      %run_scoped3A_45 = tpu.sem_alloc : memref<!tpu.dma_semaphore, #tpu.memory_space<semaphore_mem>>
      %dma_start3A_46 = arith.constant 0 : i32
      %dma_start3A_47 = arith.constant 0 : i32
      %dma_start3A_48 = tpu.memref_slice %arg4[%add3A, %dma_start3A_46, %dma_start3A_47] : memref<32x80x128xi32, #tpu.memory_space<hbm>> -> memref<1x80x128xi32, #tpu.memory_space<hbm>>
      %dma_start3A_49 = tpu.memref_squeeze %dma_start3A_48 : memref<1x80x128xi32, #tpu.memory_space<hbm>> -> memref<80x128xi32, #tpu.memory_space<hbm>>
      %dma_start3A_50 = arith.constant 0 : i32
      %dma_start3A_51 = arith.constant 0 : i32
      %dma_start3A_52 = tpu.memref_slice %dma_start3A_49[%dma_start3A_50, %dma_start3A_51] : memref<80x128xi32, #tpu.memory_space<hbm>> -> memref<40x128xi32, #tpu.memory_space<hbm>>
      %dma_start3A_53 = arith.constant 0 : i32
      %dma_start3A_54 = arith.constant 0 : i32
      %dma_start3A_55 = tpu.memref_slice %arg4[%add3A, %dma_start3A_53, %dma_start3A_54] : memref<32x80x128xi32, #tpu.memory_space<hbm>> -> memref<1x80x128xi32, #tpu.memory_space<hbm>>
      %dma_start3A_56 = tpu.memref_squeeze %dma_start3A_55 : memref<1x80x128xi32, #tpu.memory_space<hbm>> -> memref<80x128xi32, #tpu.memory_space<hbm>>
      %dma_start3A_57 = arith.constant 0 : i32
      %dma_start3A_58 = arith.constant 0 : i32
      %dma_start3A_59 = tpu.memref_slice %dma_start3A_56[%dma_start3A_57, %dma_start3A_58] : memref<80x128xi32, #tpu.memory_space<hbm>> -> memref<40x128xi32, #tpu.memory_space<hbm>>
      tpu.enqueue_dma source(%dma_start3A_59 : memref<40x128xi32, #tpu.memory_space<hbm>>) target(%arg10 : memref<40x128xi32, #tpu.memory_space<vmem>>) target_semaphore(%run_scoped3A_45 : memref<!tpu.dma_semaphore, #tpu.memory_space<semaphore_mem>>)
      %dma_wait3A_60 = arith.constant 0 : i32
      %dma_wait3A_61 = arith.constant 0 : i32
      %dma_wait3A_62 = tpu.memref_slice %arg4[%add3A, %dma_wait3A_60, %dma_wait3A_61] : memref<32x80x128xi32, #tpu.memory_space<hbm>> -> memref<1x80x128xi32, #tpu.memory_space<hbm>>
      %dma_wait3A_63 = tpu.memref_squeeze %dma_wait3A_62 : memref<1x80x128xi32, #tpu.memory_space<hbm>> -> memref<80x128xi32, #tpu.memory_space<hbm>>
      %dma_wait3A_64 = arith.constant 0 : i32
      %dma_wait3A_65 = arith.constant 0 : i32
      %dma_wait3A_66 = tpu.memref_slice %dma_wait3A_63[%dma_wait3A_64, %dma_wait3A_65] : memref<80x128xi32, #tpu.memory_space<hbm>> -> memref<40x128xi32, #tpu.memory_space<hbm>>
      %dma_wait3A_67 = arith.constant 0 : i32
      %dma_wait3A_68 = arith.constant 0 : i32
      %dma_wait3A_69 = tpu.memref_slice %arg4[%add3A, %dma_wait3A_67, %dma_wait3A_68] : memref<32x80x128xi32, #tpu.memory_space<hbm>> -> memref<1x80x128xi32, #tpu.memory_space<hbm>>
      %dma_wait3A_70 = tpu.memref_squeeze %dma_wait3A_69 : memref<1x80x128xi32, #tpu.memory_space<hbm>> -> memref<80x128xi32, #tpu.memory_space<hbm>>
      %dma_wait3A_71 = arith.constant 0 : i32
      %dma_wait3A_72 = arith.constant 0 : i32
      %dma_wait3A_73 = tpu.memref_slice %dma_wait3A_70[%dma_wait3A_71, %dma_wait3A_72] : memref<80x128xi32, #tpu.memory_space<hbm>> -> memref<40x128xi32, #tpu.memory_space<hbm>>
      tpu.wait_dma2 semaphore(%run_scoped3A_45 : memref<!tpu.dma_semaphore, #tpu.memory_space<semaphore_mem>>) src(%dma_wait3A_73 : memref<40x128xi32, #tpu.memory_space<hbm>>) dst(%arg10 : memref<40x128xi32, #tpu.memory_space<vmem>>)
      tpu.yield
    }) : () -> ()
    "tpu.region"() ({
      %run_scoped3A_45 = tpu.sem_alloc : memref<!tpu.dma_semaphore, #tpu.memory_space<semaphore_mem>>
      %dma_start3A_46 = arith.constant 0 : i32
      %dma_start3A_47 = arith.constant 0 : i32
      %dma_start3A_48 = tpu.memref_slice %arg5[%add3A, %dma_start3A_46, %dma_start3A_47] : memref<32x1x16xi32, #tpu.memory_space<hbm>> -> memref<1x1x16xi32, #tpu.memory_space<hbm>>
      %dma_start3A_49 = tpu.memref_squeeze %dma_start3A_48 : memref<1x1x16xi32, #tpu.memory_space<hbm>> -> memref<1x16xi32, #tpu.memory_space<hbm>>
      %dma_start3A_50 = arith.constant 0 : i32
      %dma_start3A_51 = arith.constant 0 : i32
      %dma_start3A_52 = tpu.memref_slice %arg5[%add3A, %dma_start3A_50, %dma_start3A_51] : memref<32x1x16xi32, #tpu.memory_space<hbm>> -> memref<1x1x16xi32, #tpu.memory_space<hbm>>
      %dma_start3A_53 = tpu.memref_squeeze %dma_start3A_52 : memref<1x1x16xi32, #tpu.memory_space<hbm>> -> memref<1x16xi32, #tpu.memory_space<hbm>>
      tpu.enqueue_dma source(%dma_start3A_53 : memref<1x16xi32, #tpu.memory_space<hbm>>) target(%arg11 : memref<1x16xi32, #tpu.memory_space<vmem>>) target_semaphore(%run_scoped3A_45 : memref<!tpu.dma_semaphore, #tpu.memory_space<semaphore_mem>>)
      %dma_wait3A_54 = arith.constant 0 : i32
      %dma_wait3A_55 = arith.constant 0 : i32
      %dma_wait3A_56 = tpu.memref_slice %arg5[%add3A, %dma_wait3A_54, %dma_wait3A_55] : memref<32x1x16xi32, #tpu.memory_space<hbm>> -> memref<1x1x16xi32, #tpu.memory_space<hbm>>
      %dma_wait3A_57 = tpu.memref_squeeze %dma_wait3A_56 : memref<1x1x16xi32, #tpu.memory_space<hbm>> -> memref<1x16xi32, #tpu.memory_space<hbm>>
      %dma_wait3A_58 = arith.constant 0 : i32
      %dma_wait3A_59 = arith.constant 0 : i32
      %dma_wait3A_60 = tpu.memref_slice %arg5[%add3A, %dma_wait3A_58, %dma_wait3A_59] : memref<32x1x16xi32, #tpu.memory_space<hbm>> -> memref<1x1x16xi32, #tpu.memory_space<hbm>>
      %dma_wait3A_61 = tpu.memref_squeeze %dma_wait3A_60 : memref<1x1x16xi32, #tpu.memory_space<hbm>> -> memref<1x16xi32, #tpu.memory_space<hbm>>
      tpu.wait_dma2 semaphore(%run_scoped3A_45 : memref<!tpu.dma_semaphore, #tpu.memory_space<semaphore_mem>>) src(%dma_wait3A_61 : memref<1x16xi32, #tpu.memory_space<hbm>>) dst(%arg11 : memref<1x16xi32, #tpu.memory_space<vmem>>)
      tpu.yield
    }) : () -> ()
    %lt3A = arith.constant 15 : i32
    %lt3A_1 = arith.cmpi slt, %arg1, %lt3A : i32
    %convert_element_type3A = arith.extui %lt3A_1 : i1 to i32
    %cond3A = arith.constant 0 : i32
    %cond3A_2 = arith.cmpi ne, %convert_element_type3A, %cond3A : i32
    scf.if %cond3A_2 {
      %mul3A_45 = arith.constant 632 : i32
      %mul3A_46 = arith.muli %arg1, %mul3A_45 : i32
      "tpu.region"() ({
        %run_scoped3A_47 = tpu.sem_alloc : memref<!tpu.dma_semaphore, #tpu.memory_space<semaphore_mem>>
        %dma_start3A_48 = arith.constant 0 : i32
        %dma_start3A_49 = tpu.memref_slice %arg14[%mul3A_46, %dma_start3A_48] : memref<10000x128xf32, #tpu.memory_space<vmem_shared>> -> memref<632x128xf32, #tpu.memory_space<vmem_shared>>
        tpu.enqueue_dma source(%arg6 : memref<632x128xf32, #tpu.memory_space<hbm>>) target(%dma_start3A_49 : memref<632x128xf32, #tpu.memory_space<vmem_shared>>) target_semaphore(%run_scoped3A_47 : memref<!tpu.dma_semaphore, #tpu.memory_space<semaphore_mem>>)
        %dma_wait3A_50 = arith.constant 0 : i32
        %dma_wait3A_51 = tpu.memref_slice %arg14[%mul3A_46, %dma_wait3A_50] : memref<10000x128xf32, #tpu.memory_space<vmem_shared>> -> memref<632x128xf32, #tpu.memory_space<vmem_shared>>
        tpu.wait_dma2 semaphore(%run_scoped3A_47 : memref<!tpu.dma_semaphore, #tpu.memory_space<semaphore_mem>>) src(%arg6 : memref<632x128xf32, #tpu.memory_space<hbm>>) dst(%dma_wait3A_51 : memref<632x128xf32, #tpu.memory_space<vmem_shared>>)
        tpu.yield
      }) : () -> ()
    } else {
    }
    %eq3A = arith.constant 15 : i32
    %eq3A_3 = arith.cmpi eq, %arg1, %eq3A : i32
    %convert_element_type3A_4 = arith.extui %eq3A_3 : i1 to i32
    %cond3A_5 = arith.constant 0 : i32
    %cond3A_6 = arith.cmpi ne, %convert_element_type3A_4, %cond3A_5 : i32
    scf.if %cond3A_6 {
      "tpu.region"() ({
        %run_scoped3A_45 = tpu.sem_alloc : memref<!tpu.dma_semaphore, #tpu.memory_space<semaphore_mem>>
        %dma_start3A_46 = arith.constant 9480 : i32
        %dma_start3A_47 = arith.constant 0 : i32
        %dma_start3A_48 = tpu.memref_slice %arg14[%dma_start3A_46, %dma_start3A_47] : memref<10000x128xf32, #tpu.memory_space<vmem_shared>> -> memref<520x128xf32, #tpu.memory_space<vmem_shared>>
        %dma_start3A_49 = arith.constant 0 : i32
        %dma_start3A_50 = arith.constant 0 : i32
        %dma_start3A_51 = tpu.memref_slice %arg6[%dma_start3A_49, %dma_start3A_50] : memref<632x128xf32, #tpu.memory_space<hbm>> -> memref<520x128xf32, #tpu.memory_space<hbm>>
        tpu.enqueue_dma source(%dma_start3A_51 : memref<520x128xf32, #tpu.memory_space<hbm>>) target(%dma_start3A_48 : memref<520x128xf32, #tpu.memory_space<vmem_shared>>) target_semaphore(%run_scoped3A_45 : memref<!tpu.dma_semaphore, #tpu.memory_space<semaphore_mem>>)
        %dma_wait3A_52 = arith.constant 9480 : i32
        %dma_wait3A_53 = arith.constant 0 : i32
        %dma_wait3A_54 = tpu.memref_slice %arg14[%dma_wait3A_52, %dma_wait3A_53] : memref<10000x128xf32, #tpu.memory_space<vmem_shared>> -> memref<520x128xf32, #tpu.memory_space<vmem_shared>>
        %dma_wait3A_55 = arith.constant 0 : i32
        %dma_wait3A_56 = arith.constant 0 : i32
        %dma_wait3A_57 = tpu.memref_slice %arg6[%dma_wait3A_55, %dma_wait3A_56] : memref<632x128xf32, #tpu.memory_space<hbm>> -> memref<520x128xf32, #tpu.memory_space<hbm>>
        tpu.wait_dma2 semaphore(%run_scoped3A_45 : memref<!tpu.dma_semaphore, #tpu.memory_space<semaphore_mem>>) src(%dma_wait3A_57 : memref<520x128xf32, #tpu.memory_space<hbm>>) dst(%dma_wait3A_54 : memref<520x128xf32, #tpu.memory_space<vmem_shared>>)
        tpu.yield
      }) : () -> ()
    } else {
    }
    %barrier3A = arith.constant 0 : index
    tpu.barrier barrier_id(%barrier3A)
    %dma_start3A = arith.constant 0 : i32
    %dma_start3A_7 = tpu.memref_slice %arg9[%dma_start3A] : memref<10000xi32, #tpu.memory_space<vmem>> -> memref<128xi32, #tpu.memory_space<vmem>>
    %dma_start3A_8 = arith.constant 0 : i32
    %dma_start3A_9 = arith.constant 0 : i32
    %dma_start3A_10 = tpu.memref_slice %arg2[%dma_start3A_8, %dma_start3A_9] : memref<10000x128xf32, #tpu.memory_space<hbm>> -> memref<10000x128xf32, #tpu.memory_space<hbm>>
    tpu.enqueue_indirect_dma source(%dma_start3A_10 : memref<10000x128xf32, #tpu.memory_space<hbm>>) target(%arg12 : memref<128x128xf32, #tpu.memory_space<vmem>>) offsets(%dma_start3A_7 : memref<128xi32, #tpu.memory_space<vmem>>) semaphore(%arg15 : memref<!tpu.dma_semaphore, #tpu.memory_space<semaphore_mem>>)
    %scan3A = arith.constant 0 : i32
    %scan3A_11 = arith.constant 39 : i32
    %scan3A_12 = arith.addi %scan3A, %scan3A_11 : i32
    %scan3A_13 = arith.constant 1 : i32
    scf.for %scan3A_45 = %scan3A to %scan3A_12 step %scan3A_13  : i32 {
      %mul3A_46 = arith.constant 2 : i32
      %mul3A_47 = arith.muli %scan3A_45, %mul3A_46 : i32
      %add3A_48 = arith.constant 0 : i32
      %add3A_49 = arith.addi %add3A_48, %mul3A_47 : i32
      %eq3A_50 = arith.constant 40 : i32
      %eq3A_51 = arith.cmpi eq, %add3A_49, %eq3A_50 : i32
      %convert_element_type3A_52 = arith.extui %eq3A_51 : i1 to i32
      %cond3A_53 = arith.constant 0 : i32
      %cond3A_54 = arith.cmpi ne, %convert_element_type3A_52, %cond3A_53 : i32
      scf.if %cond3A_54 {
        "tpu.region"() ({
          %run_scoped3A_74 = tpu.sem_alloc : memref<!tpu.dma_semaphore, #tpu.memory_space<semaphore_mem>>
          %dma_start3A_75 = arith.constant 0 : i32
          %dma_start3A_76 = arith.constant 0 : i32
          %dma_start3A_77 = tpu.memref_slice %arg4[%add3A, %dma_start3A_75, %dma_start3A_76] : memref<32x80x128xi32, #tpu.memory_space<hbm>> -> memref<1x80x128xi32, #tpu.memory_space<hbm>>
          %dma_start3A_78 = tpu.memref_squeeze %dma_start3A_77 : memref<1x80x128xi32, #tpu.memory_space<hbm>> -> memref<80x128xi32, #tpu.memory_space<hbm>>
          %dma_start3A_79 = arith.constant 40 : i32
          %dma_start3A_80 = arith.constant 0 : i32
          %dma_start3A_81 = tpu.memref_slice %dma_start3A_78[%dma_start3A_79, %dma_start3A_80] : memref<80x128xi32, #tpu.memory_space<hbm>> -> memref<40x128xi32, #tpu.memory_space<hbm>>
          %dma_start3A_82 = arith.constant 0 : i32
          %dma_start3A_83 = arith.constant 0 : i32
          %dma_start3A_84 = tpu.memref_slice %arg4[%add3A, %dma_start3A_82, %dma_start3A_83] : memref<32x80x128xi32, #tpu.memory_space<hbm>> -> memref<1x80x128xi32, #tpu.memory_space<hbm>>
          %dma_start3A_85 = tpu.memref_squeeze %dma_start3A_84 : memref<1x80x128xi32, #tpu.memory_space<hbm>> -> memref<80x128xi32, #tpu.memory_space<hbm>>
          %dma_start3A_86 = arith.constant 40 : i32
          %dma_start3A_87 = arith.constant 0 : i32
          %dma_start3A_88 = tpu.memref_slice %dma_start3A_85[%dma_start3A_86, %dma_start3A_87] : memref<80x128xi32, #tpu.memory_space<hbm>> -> memref<40x128xi32, #tpu.memory_space<hbm>>
          tpu.enqueue_dma source(%dma_start3A_88 : memref<40x128xi32, #tpu.memory_space<hbm>>) target(%arg10 : memref<40x128xi32, #tpu.memory_space<vmem>>) target_semaphore(%run_scoped3A_74 : memref<!tpu.dma_semaphore, #tpu.memory_space<semaphore_mem>>)
          %dma_wait3A_89 = arith.constant 0 : i32
          %dma_wait3A_90 = arith.constant 0 : i32
          %dma_wait3A_91 = tpu.memref_slice %arg4[%add3A, %dma_wait3A_89, %dma_wait3A_90] : memref<32x80x128xi32, #tpu.memory_space<hbm>> -> memref<1x80x128xi32, #tpu.memory_space<hbm>>
          %dma_wait3A_92 = tpu.memref_squeeze %dma_wait3A_91 : memref<1x80x128xi32, #tpu.memory_space<hbm>> -> memref<80x128xi32, #tpu.memory_space<hbm>>
          %dma_wait3A_93 = arith.constant 40 : i32
          %dma_wait3A_94 = arith.constant 0 : i32
          %dma_wait3A_95 = tpu.memref_slice %dma_wait3A_92[%dma_wait3A_93, %dma_wait3A_94] : memref<80x128xi32, #tpu.memory_space<hbm>> -> memref<40x128xi32, #tpu.memory_space<hbm>>
          %dma_wait3A_96 = arith.constant 0 : i32
          %dma_wait3A_97 = arith.constant 0 : i32
          %dma_wait3A_98 = tpu.memref_slice %arg4[%add3A, %dma_wait3A_96, %dma_wait3A_97] : memref<32x80x128xi32, #tpu.memory_space<hbm>> -> memref<1x80x128xi32, #tpu.memory_space<hbm>>
          %dma_wait3A_99 = tpu.memref_squeeze %dma_wait3A_98 : memref<1x80x128xi32, #tpu.memory_space<hbm>> -> memref<80x128xi32, #tpu.memory_space<hbm>>
          %dma_wait3A_100 = arith.constant 40 : i32
          %dma_wait3A_101 = arith.constant 0 : i32
          %dma_wait3A_102 = tpu.memref_slice %dma_wait3A_99[%dma_wait3A_100, %dma_wait3A_101] : memref<80x128xi32, #tpu.memory_space<hbm>> -> memref<40x128xi32, #tpu.memory_space<hbm>>
          tpu.wait_dma2 semaphore(%run_scoped3A_74 : memref<!tpu.dma_semaphore, #tpu.memory_space<semaphore_mem>>) src(%dma_wait3A_102 : memref<40x128xi32, #tpu.memory_space<hbm>>) dst(%arg10 : memref<40x128xi32, #tpu.memory_space<vmem>>)
          tpu.yield
        }) : () -> ()
      } else {
      }
      %ge3A = arith.constant 40 : i32
      %ge3A_55 = arith.cmpi sge, %add3A_49, %ge3A : i32
      %sub3A = arith.constant 40 : i32
      %sub3A_56 = arith.subi %add3A_49, %sub3A : i32
      %select_n3A = arith.select %ge3A_55, %sub3A_56, %add3A_49 : i32
      %add3A_57 = arith.constant 1 : i32
      %add3A_58 = arith.addi %add3A_49, %add3A_57 : i32
      %mul3A_59 = arith.constant 128 : i32
      %mul3A_60 = arith.muli %add3A_58, %mul3A_59 : i32
      %dma_start3A_61 = tpu.memref_slice %arg9[%mul3A_60] : memref<10000xi32, #tpu.memory_space<vmem>> -> memref<128xi32, #tpu.memory_space<vmem>>
      %dma_start3A_62 = arith.constant 0 : i32
      %dma_start3A_63 = arith.constant 0 : i32
      %dma_start3A_64 = tpu.memref_slice %arg2[%dma_start3A_62, %dma_start3A_63] : memref<10000x128xf32, #tpu.memory_space<hbm>> -> memref<10000x128xf32, #tpu.memory_space<hbm>>
      tpu.enqueue_indirect_dma source(%dma_start3A_64 : memref<10000x128xf32, #tpu.memory_space<hbm>>) target(%arg13 : memref<128x128xf32, #tpu.memory_space<vmem>>) offsets(%dma_start3A_61 : memref<128xi32, #tpu.memory_space<vmem>>) semaphore(%arg16 : memref<!tpu.dma_semaphore, #tpu.memory_space<semaphore_mem>>)
      tpu.wait_dma2 semaphore(%arg15 : memref<!tpu.dma_semaphore, #tpu.memory_space<semaphore_mem>>) src(%arg7 : memref<128x128xf32, #tpu.memory_space<hbm>>) dst(%arg12 : memref<128x128xf32, #tpu.memory_space<vmem>>)
      "tpu.region"() ({
        %run_scoped3A_74 = tpu.sem_alloc : memref<!tpu.dma_semaphore, #tpu.memory_space<semaphore_mem>>
        %dma_start3A_75 = arith.constant 0 : i32
        %dma_start3A_76 = tpu.memref_slice %arg10[%select_n3A, %dma_start3A_75] : memref<40x128xi32, #tpu.memory_space<vmem>> -> memref<1x128xi32, #tpu.memory_space<vmem>>
        %dma_start3A_77 = tpu.memref_squeeze %dma_start3A_76 : memref<1x128xi32, #tpu.memory_space<vmem>> -> memref<128xi32, #tpu.memory_space<vmem>>
        %dma_start3A_78 = arith.constant 0 : i32
        %dma_start3A_79 = arith.constant 0 : i32
        %dma_start3A_80 = tpu.memref_slice %arg14[%dma_start3A_78, %dma_start3A_79] : memref<10000x128xf32, #tpu.memory_space<vmem_shared>> -> memref<10000x128xf32, #tpu.memory_space<vmem_shared>>
        tpu.enqueue_indirect_dma source(%arg12 : memref<128x128xf32, #tpu.memory_space<vmem>>) target(%dma_start3A_80 : memref<10000x128xf32, #tpu.memory_space<vmem_shared>>) offsets(%dma_start3A_77 : memref<128xi32, #tpu.memory_space<vmem>>) semaphore(%run_scoped3A_74 : memref<!tpu.dma_semaphore, #tpu.memory_space<semaphore_mem>>) {add = true}
        %dma_wait3A_81 = arith.constant 0 : i32
        %dma_wait3A_82 = tpu.memref_slice %arg10[%select_n3A, %dma_wait3A_81] : memref<40x128xi32, #tpu.memory_space<vmem>> -> memref<1x128xi32, #tpu.memory_space<vmem>>
        %dma_wait3A_83 = tpu.memref_squeeze %dma_wait3A_82 : memref<1x128xi32, #tpu.memory_space<vmem>> -> memref<128xi32, #tpu.memory_space<vmem>>
        %dma_wait3A_84 = arith.constant 0 : i32
        %dma_wait3A_85 = arith.constant 0 : i32
        %dma_wait3A_86 = tpu.memref_slice %arg14[%dma_wait3A_84, %dma_wait3A_85] : memref<10000x128xf32, #tpu.memory_space<vmem_shared>> -> memref<10000x128xf32, #tpu.memory_space<vmem_shared>>
        tpu.wait_indirect_dma semaphore(%run_scoped3A_74 : memref<!tpu.dma_semaphore, #tpu.memory_space<semaphore_mem>>) src(%arg12 : memref<128x128xf32, #tpu.memory_space<vmem>>) dst(%dma_wait3A_86 : memref<10000x128xf32, #tpu.memory_space<vmem_shared>>)
        tpu.yield
      }) : () -> ()
      %add3A_65 = arith.constant 2 : i32
      %add3A_66 = arith.addi %add3A_49, %add3A_65 : i32
      %lt3A_67 = arith.constant 78 : i32
      %lt3A_68 = arith.cmpi slt, %add3A_66, %lt3A_67 : i32
      %convert_element_type3A_69 = arith.extui %lt3A_68 : i1 to i32
      %cond3A_70 = arith.constant 0 : i32
      %cond3A_71 = arith.cmpi ne, %convert_element_type3A_69, %cond3A_70 : i32
      scf.if %cond3A_71 {
        %add3A_74 = arith.constant 2 : i32
        %add3A_75 = arith.addi %add3A_49, %add3A_74 : i32
        %mul3A_76 = arith.constant 128 : i32
        %mul3A_77 = arith.muli %add3A_75, %mul3A_76 : i32
        %dma_start3A_78 = tpu.memref_slice %arg9[%mul3A_77] : memref<10000xi32, #tpu.memory_space<vmem>> -> memref<128xi32, #tpu.memory_space<vmem>>
        %dma_start3A_79 = arith.constant 0 : i32
        %dma_start3A_80 = arith.constant 0 : i32
        %dma_start3A_81 = tpu.memref_slice %arg2[%dma_start3A_79, %dma_start3A_80] : memref<10000x128xf32, #tpu.memory_space<hbm>> -> memref<10000x128xf32, #tpu.memory_space<hbm>>
        tpu.enqueue_indirect_dma source(%dma_start3A_81 : memref<10000x128xf32, #tpu.memory_space<hbm>>) target(%arg12 : memref<128x128xf32, #tpu.memory_space<vmem>>) offsets(%dma_start3A_78 : memref<128xi32, #tpu.memory_space<vmem>>) semaphore(%arg15 : memref<!tpu.dma_semaphore, #tpu.memory_space<semaphore_mem>>)
      } else {
      }
      tpu.wait_dma2 semaphore(%arg16 : memref<!tpu.dma_semaphore, #tpu.memory_space<semaphore_mem>>) src(%arg7 : memref<128x128xf32, #tpu.memory_space<hbm>>) dst(%arg13 : memref<128x128xf32, #tpu.memory_space<vmem>>)
      %add3A_72 = arith.constant 1 : i32
      %add3A_73 = arith.addi %select_n3A, %add3A_72 : i32
      "tpu.region"() ({
        %run_scoped3A_74 = tpu.sem_alloc : memref<!tpu.dma_semaphore, #tpu.memory_space<semaphore_mem>>
        %dma_start3A_75 = arith.constant 0 : i32
        %dma_start3A_76 = tpu.memref_slice %arg10[%add3A_73, %dma_start3A_75] : memref<40x128xi32, #tpu.memory_space<vmem>> -> memref<1x128xi32, #tpu.memory_space<vmem>>
        %dma_start3A_77 = tpu.memref_squeeze %dma_start3A_76 : memref<1x128xi32, #tpu.memory_space<vmem>> -> memref<128xi32, #tpu.memory_space<vmem>>
        %dma_start3A_78 = arith.constant 0 : i32
        %dma_start3A_79 = arith.constant 0 : i32
        %dma_start3A_80 = tpu.memref_slice %arg14[%dma_start3A_78, %dma_start3A_79] : memref<10000x128xf32, #tpu.memory_space<vmem_shared>> -> memref<10000x128xf32, #tpu.memory_space<vmem_shared>>
        tpu.enqueue_indirect_dma source(%arg13 : memref<128x128xf32, #tpu.memory_space<vmem>>) target(%dma_start3A_80 : memref<10000x128xf32, #tpu.memory_space<vmem_shared>>) offsets(%dma_start3A_77 : memref<128xi32, #tpu.memory_space<vmem>>) semaphore(%run_scoped3A_74 : memref<!tpu.dma_semaphore, #tpu.memory_space<semaphore_mem>>) {add = true}
        %dma_wait3A_81 = arith.constant 0 : i32
        %dma_wait3A_82 = tpu.memref_slice %arg10[%add3A_73, %dma_wait3A_81] : memref<40x128xi32, #tpu.memory_space<vmem>> -> memref<1x128xi32, #tpu.memory_space<vmem>>
        %dma_wait3A_83 = tpu.memref_squeeze %dma_wait3A_82 : memref<1x128xi32, #tpu.memory_space<vmem>> -> memref<128xi32, #tpu.memory_space<vmem>>
        %dma_wait3A_84 = arith.constant 0 : i32
        %dma_wait3A_85 = arith.constant 0 : i32
        %dma_wait3A_86 = tpu.memref_slice %arg14[%dma_wait3A_84, %dma_wait3A_85] : memref<10000x128xf32, #tpu.memory_space<vmem_shared>> -> memref<10000x128xf32, #tpu.memory_space<vmem_shared>>
        tpu.wait_indirect_dma semaphore(%run_scoped3A_74 : memref<!tpu.dma_semaphore, #tpu.memory_space<semaphore_mem>>) src(%arg13 : memref<128x128xf32, #tpu.memory_space<vmem>>) dst(%dma_wait3A_86 : memref<10000x128xf32, #tpu.memory_space<vmem_shared>>)
        tpu.yield
      }) : () -> ()
    }
    %scan3A_14 = arith.constant 39 : i32
    %dma_start3A_15 = arith.constant 0 : i32
    %dma_start3A_16 = arith.constant 0 : i32
    %dma_start3A_17 = tpu.memref_slice %arg12[%dma_start3A_15, %dma_start3A_16] : memref<128x128xf32, #tpu.memory_space<vmem>> -> memref<16x128xf32, #tpu.memory_space<vmem>>
    %dma_start3A_18 = arith.constant 9984 : i32
    %dma_start3A_19 = tpu.memref_slice %arg9[%dma_start3A_18] : memref<10000xi32, #tpu.memory_space<vmem>> -> memref<16xi32, #tpu.memory_space<vmem>>
    %dma_start3A_20 = arith.constant 0 : i32
    %dma_start3A_21 = arith.constant 0 : i32
    %dma_start3A_22 = tpu.memref_slice %arg2[%dma_start3A_20, %dma_start3A_21] : memref<10000x128xf32, #tpu.memory_space<hbm>> -> memref<10000x128xf32, #tpu.memory_space<hbm>>
    tpu.enqueue_indirect_dma source(%dma_start3A_22 : memref<10000x128xf32, #tpu.memory_space<hbm>>) target(%dma_start3A_17 : memref<16x128xf32, #tpu.memory_space<vmem>>) offsets(%dma_start3A_19 : memref<16xi32, #tpu.memory_space<vmem>>) semaphore(%arg15 : memref<!tpu.dma_semaphore, #tpu.memory_space<semaphore_mem>>)
    %dma_wait3A = arith.constant 0 : i32
    %dma_wait3A_23 = arith.constant 0 : i32
    %dma_wait3A_24 = tpu.memref_slice %arg12[%dma_wait3A, %dma_wait3A_23] : memref<128x128xf32, #tpu.memory_space<vmem>> -> memref<16x128xf32, #tpu.memory_space<vmem>>
    %dma_wait3A_25 = arith.constant 0 : i32
    %dma_wait3A_26 = arith.constant 0 : i32
    %dma_wait3A_27 = tpu.memref_slice %arg7[%dma_wait3A_25, %dma_wait3A_26] : memref<128x128xf32, #tpu.memory_space<hbm>> -> memref<16x128xf32, #tpu.memory_space<hbm>>
    %dma_wait3A_28 = arith.constant 0 : i32
    %dma_wait3A_29 = arith.constant 0 : i32
    %dma_wait3A_30 = tpu.memref_slice %arg12[%dma_wait3A_28, %dma_wait3A_29] : memref<128x128xf32, #tpu.memory_space<vmem>> -> memref<16x128xf32, #tpu.memory_space<vmem>>
    %dma_wait3A_31 = arith.constant 0 : i32
    %dma_wait3A_32 = arith.constant 0 : i32
    %dma_wait3A_33 = tpu.memref_slice %arg7[%dma_wait3A_31, %dma_wait3A_32] : memref<128x128xf32, #tpu.memory_space<hbm>> -> memref<16x128xf32, #tpu.memory_space<hbm>>
    tpu.wait_dma2 semaphore(%arg15 : memref<!tpu.dma_semaphore, #tpu.memory_space<semaphore_mem>>) src(%dma_wait3A_33 : memref<16x128xf32, #tpu.memory_space<hbm>>) dst(%dma_wait3A_30 : memref<16x128xf32, #tpu.memory_space<vmem>>)
    %run_scoped3A = arith.constant 0 : i32
    "tpu.region"() ({
      %run_scoped3A_45 = tpu.sem_alloc : memref<!tpu.dma_semaphore, #tpu.memory_space<semaphore_mem>>
      %dma_start3A_46 = arith.constant 0 : i32
      %dma_start3A_47 = arith.constant 0 : i32
      %dma_start3A_48 = tpu.memref_slice %arg12[%dma_start3A_46, %dma_start3A_47] : memref<128x128xf32, #tpu.memory_space<vmem>> -> memref<16x128xf32, #tpu.memory_space<vmem>>
      %dma_start3A_49 = arith.constant 0 : i32
      %dma_start3A_50 = tpu.memref_slice %arg11[%run_scoped3A, %dma_start3A_49] : memref<1x16xi32, #tpu.memory_space<vmem>> -> memref<1x16xi32, #tpu.memory_space<vmem>>
      %dma_start3A_51 = tpu.memref_squeeze %dma_start3A_50 : memref<1x16xi32, #tpu.memory_space<vmem>> -> memref<16xi32, #tpu.memory_space<vmem>>
      %dma_start3A_52 = arith.constant 0 : i32
      %dma_start3A_53 = arith.constant 0 : i32
      %dma_start3A_54 = tpu.memref_slice %arg14[%dma_start3A_52, %dma_start3A_53] : memref<10000x128xf32, #tpu.memory_space<vmem_shared>> -> memref<10000x128xf32, #tpu.memory_space<vmem_shared>>
      tpu.enqueue_indirect_dma source(%dma_start3A_48 : memref<16x128xf32, #tpu.memory_space<vmem>>) target(%dma_start3A_54 : memref<10000x128xf32, #tpu.memory_space<vmem_shared>>) offsets(%dma_start3A_51 : memref<16xi32, #tpu.memory_space<vmem>>) semaphore(%run_scoped3A_45 : memref<!tpu.dma_semaphore, #tpu.memory_space<semaphore_mem>>) {add = true}
      %dma_wait3A_55 = arith.constant 0 : i32
      %dma_wait3A_56 = arith.constant 0 : i32
      %dma_wait3A_57 = tpu.memref_slice %arg12[%dma_wait3A_55, %dma_wait3A_56] : memref<128x128xf32, #tpu.memory_space<vmem>> -> memref<16x128xf32, #tpu.memory_space<vmem>>
      %dma_wait3A_58 = arith.constant 0 : i32
      %dma_wait3A_59 = tpu.memref_slice %arg11[%run_scoped3A, %dma_wait3A_58] : memref<1x16xi32, #tpu.memory_space<vmem>> -> memref<1x16xi32, #tpu.memory_space<vmem>>
      %dma_wait3A_60 = tpu.memref_squeeze %dma_wait3A_59 : memref<1x16xi32, #tpu.memory_space<vmem>> -> memref<16xi32, #tpu.memory_space<vmem>>
      %dma_wait3A_61 = arith.constant 0 : i32
      %dma_wait3A_62 = arith.constant 0 : i32
      %dma_wait3A_63 = tpu.memref_slice %arg14[%dma_wait3A_61, %dma_wait3A_62] : memref<10000x128xf32, #tpu.memory_space<vmem_shared>> -> memref<10000x128xf32, #tpu.memory_space<vmem_shared>>
      tpu.wait_indirect_dma semaphore(%run_scoped3A_45 : memref<!tpu.dma_semaphore, #tpu.memory_space<semaphore_mem>>) src(%dma_wait3A_57 : memref<16x128xf32, #tpu.memory_space<vmem>>) dst(%dma_wait3A_63 : memref<10000x128xf32, #tpu.memory_space<vmem_shared>>)
      tpu.yield
    }) : () -> ()
    %barrier3A_34 = arith.constant 0 : index
    tpu.barrier barrier_id(%barrier3A_34)
    %lt3A_35 = arith.constant 15 : i32
    %lt3A_36 = arith.cmpi slt, %arg1, %lt3A_35 : i32
    %convert_element_type3A_37 = arith.extui %lt3A_36 : i1 to i32
    %cond3A_38 = arith.constant 0 : i32
    %cond3A_39 = arith.cmpi ne, %convert_element_type3A_37, %cond3A_38 : i32
    scf.if %cond3A_39 {
      %mul3A_45 = arith.constant 632 : i32
      %mul3A_46 = arith.muli %arg1, %mul3A_45 : i32
      %mul3A_47 = arith.constant 632 : i32
      %mul3A_48 = arith.muli %arg1, %mul3A_47 : i32
      "tpu.region"() ({
        %run_scoped3A_49 = tpu.sem_alloc : memref<!tpu.dma_semaphore, #tpu.memory_space<semaphore_mem>>
        %dma_start3A_50 = arith.constant 0 : i32
        %dma_start3A_51 = arith.constant 0 : i32
        %dma_start3A_52 = tpu.memref_slice %arg8[%arg0, %dma_start3A_50, %dma_start3A_51] : memref<2x10000x128xf32, #tpu.memory_space<hbm>> -> memref<1x10000x128xf32, #tpu.memory_space<hbm>>
        %dma_start3A_53 = tpu.memref_squeeze %dma_start3A_52 : memref<1x10000x128xf32, #tpu.memory_space<hbm>> -> memref<10000x128xf32, #tpu.memory_space<hbm>>
        %dma_start3A_54 = arith.constant 0 : i32
        %dma_start3A_55 = tpu.memref_slice %dma_start3A_53[%mul3A_48, %dma_start3A_54] : memref<10000x128xf32, #tpu.memory_space<hbm>> -> memref<632x128xf32, #tpu.memory_space<hbm>>
        %dma_start3A_56 = arith.constant 0 : i32
        %dma_start3A_57 = tpu.memref_slice %arg14[%mul3A_46, %dma_start3A_56] : memref<10000x128xf32, #tpu.memory_space<vmem_shared>> -> memref<632x128xf32, #tpu.memory_space<vmem_shared>>
        tpu.enqueue_dma source(%dma_start3A_57 : memref<632x128xf32, #tpu.memory_space<vmem_shared>>) target(%dma_start3A_55 : memref<632x128xf32, #tpu.memory_space<hbm>>) target_semaphore(%run_scoped3A_49 : memref<!tpu.dma_semaphore, #tpu.memory_space<semaphore_mem>>)
        %dma_wait3A_58 = arith.constant 0 : i32
        %dma_wait3A_59 = arith.constant 0 : i32
        %dma_wait3A_60 = tpu.memref_slice %arg8[%arg0, %dma_wait3A_58, %dma_wait3A_59] : memref<2x10000x128xf32, #tpu.memory_space<hbm>> -> memref<1x10000x128xf32, #tpu.memory_space<hbm>>
        %dma_wait3A_61 = tpu.memref_squeeze %dma_wait3A_60 : memref<1x10000x128xf32, #tpu.memory_space<hbm>> -> memref<10000x128xf32, #tpu.memory_space<hbm>>
        %dma_wait3A_62 = arith.constant 0 : i32
        %dma_wait3A_63 = tpu.memref_slice %dma_wait3A_61[%mul3A_48, %dma_wait3A_62] : memref<10000x128xf32, #tpu.memory_space<hbm>> -> memref<632x128xf32, #tpu.memory_space<hbm>>
        %dma_wait3A_64 = arith.constant 0 : i32
        %dma_wait3A_65 = tpu.memref_slice %arg14[%mul3A_46, %dma_wait3A_64] : memref<10000x128xf32, #tpu.memory_space<vmem_shared>> -> memref<632x128xf32, #tpu.memory_space<vmem_shared>>
        tpu.wait_dma2 semaphore(%run_scoped3A_49 : memref<!tpu.dma_semaphore, #tpu.memory_space<semaphore_mem>>) src(%dma_wait3A_65 : memref<632x128xf32, #tpu.memory_space<vmem_shared>>) dst(%dma_wait3A_63 : memref<632x128xf32, #tpu.memory_space<hbm>>)
        tpu.yield
      }) : () -> ()
    } else {
    }
    %eq3A_40 = arith.constant 15 : i32
    %eq3A_41 = arith.cmpi eq, %arg1, %eq3A_40 : i32
    %convert_element_type3A_42 = arith.extui %eq3A_41 : i1 to i32
    %cond3A_43 = arith.constant 0 : i32
    %cond3A_44 = arith.cmpi ne, %convert_element_type3A_42, %cond3A_43 : i32
    scf.if %cond3A_44 {
      "tpu.region"() ({
        %run_scoped3A_45 = tpu.sem_alloc : memref<!tpu.dma_semaphore, #tpu.memory_space<semaphore_mem>>
        %dma_start3A_46 = arith.constant 0 : i32
        %dma_start3A_47 = arith.constant 0 : i32
        %dma_start3A_48 = tpu.memref_slice %arg8[%arg0, %dma_start3A_46, %dma_start3A_47] : memref<2x10000x128xf32, #tpu.memory_space<hbm>> -> memref<1x10000x128xf32, #tpu.memory_space<hbm>>
        %dma_start3A_49 = tpu.memref_squeeze %dma_start3A_48 : memref<1x10000x128xf32, #tpu.memory_space<hbm>> -> memref<10000x128xf32, #tpu.memory_space<hbm>>
        %dma_start3A_50 = arith.constant 9480 : i32
        %dma_start3A_51 = arith.constant 0 : i32
        %dma_start3A_52 = tpu.memref_slice %dma_start3A_49[%dma_start3A_50, %dma_start3A_51] : memref<10000x128xf32, #tpu.memory_space<hbm>> -> memref<520x128xf32, #tpu.memory_space<hbm>>
        %dma_start3A_53 = arith.constant 9480 : i32
        %dma_start3A_54 = arith.constant 0 : i32
        %dma_start3A_55 = tpu.memref_slice %arg14[%dma_start3A_53, %dma_start3A_54] : memref<10000x128xf32, #tpu.memory_space<vmem_shared>> -> memref<520x128xf32, #tpu.memory_space<vmem_shared>>
        tpu.enqueue_dma source(%dma_start3A_55 : memref<520x128xf32, #tpu.memory_space<vmem_shared>>) target(%dma_start3A_52 : memref<520x128xf32, #tpu.memory_space<hbm>>) target_semaphore(%run_scoped3A_45 : memref<!tpu.dma_semaphore, #tpu.memory_space<semaphore_mem>>)
        %dma_wait3A_56 = arith.constant 0 : i32
        %dma_wait3A_57 = arith.constant 0 : i32
        %dma_wait3A_58 = tpu.memref_slice %arg8[%arg0, %dma_wait3A_56, %dma_wait3A_57] : memref<2x10000x128xf32, #tpu.memory_space<hbm>> -> memref<1x10000x128xf32, #tpu.memory_space<hbm>>
        %dma_wait3A_59 = tpu.memref_squeeze %dma_wait3A_58 : memref<1x10000x128xf32, #tpu.memory_space<hbm>> -> memref<10000x128xf32, #tpu.memory_space<hbm>>
        %dma_wait3A_60 = arith.constant 9480 : i32
        %dma_wait3A_61 = arith.constant 0 : i32
        %dma_wait3A_62 = tpu.memref_slice %dma_wait3A_59[%dma_wait3A_60, %dma_wait3A_61] : memref<10000x128xf32, #tpu.memory_space<hbm>> -> memref<520x128xf32, #tpu.memory_space<hbm>>
        %dma_wait3A_63 = arith.constant 9480 : i32
        %dma_wait3A_64 = arith.constant 0 : i32
        %dma_wait3A_65 = tpu.memref_slice %arg14[%dma_wait3A_63, %dma_wait3A_64] : memref<10000x128xf32, #tpu.memory_space<vmem_shared>> -> memref<520x128xf32, #tpu.memory_space<vmem_shared>>
        tpu.wait_dma2 semaphore(%run_scoped3A_45 : memref<!tpu.dma_semaphore, #tpu.memory_space<semaphore_mem>>) src(%dma_wait3A_65 : memref<520x128xf32, #tpu.memory_space<vmem_shared>>) dst(%dma_wait3A_62 : memref<520x128xf32, #tpu.memory_space<hbm>>)
        tpu.yield
      }) : () -> ()
    } else {
    }
    return
  }
}

#map = affine_map<(d0, d1) -> (0, 0)>
#map1 = affine_map<(d0, d1) -> (0, 0, 0)>
module attributes {stable_mosaic.version = 14 : i64} {
  func.func @eval_body(%arg0: i32, %arg1: i32, %arg2: memref<10000x128xf32, #tpu.memory_space<hbm>>, %arg3: memref<32x320xi32, #tpu.memory_space<hbm>>, %arg4: memref<32x320xi32, #tpu.memory_space<hbm>>, %arg5: memref<2x10000x128xf32, #tpu.memory_space<hbm>>, %arg6: memref<320xi32, #tpu.memory_space<vmem>>, %arg7: memref<320xi32, #tpu.memory_space<vmem>>, %arg8: memref<80x128xf32, #tpu.memory_space<vmem>>, %arg9: memref<80x128xf32, #tpu.memory_space<vmem>>, %arg10: memref<80x128xf32, #tpu.memory_space<vmem>>, %arg11: memref<80x128xf32, #tpu.memory_space<vmem>>, %arg12: memref<80x128xf32, #tpu.memory_space<vmem>>, %arg13: memref<80x128xf32, #tpu.memory_space<vmem>>, %arg14: memref<80x128xf32, #tpu.memory_space<vmem>>, %arg15: memref<80x128xf32, #tpu.memory_space<vmem>>, %arg16: memref<!tpu.dma_semaphore, #tpu.memory_space<semaphore_mem>>, %arg17: memref<!tpu.dma_semaphore, #tpu.memory_space<semaphore_mem>>, %arg18: memref<!tpu.dma_semaphore, #tpu.memory_space<semaphore_mem>>, %arg19: memref<!tpu.dma_semaphore, #tpu.memory_space<semaphore_mem>>, %arg20: memref<!tpu.dma_semaphore, #tpu.memory_space<semaphore_mem>>, %arg21: memref<!tpu.dma_semaphore, #tpu.memory_space<semaphore_mem>>, %arg22: memref<!tpu.dma_semaphore, #tpu.memory_space<semaphore_mem>>, %arg23: memref<!tpu.dma_semaphore, #tpu.memory_space<semaphore_mem>>) attributes {dimension_semantics = [#tpu.dimension_semantics<core_parallel>, #tpu.dimension_semantics<subcore_parallel>], iteration_bounds = array<i64: 2, 16>, scalar_prefetch = 0 : i64, scratch_operands = 18 : i64, tpu.core_type = #tpu.core_type<sc_vector_subcore>, window_params = [{transform_indices = #map}, {transform_indices = #map}, {transform_indices = #map}, {transform_indices = #map1}]} {
    %mul3A = arith.constant 16 : i32
    %mul3A_0 = arith.muli %arg0, %mul3A : i32
    %add3A = arith.addi %mul3A_0, %arg1 : i32
    "tpu.region"() ({
      %run_scoped3A_116 = tpu.sem_alloc : memref<!tpu.dma_semaphore, #tpu.memory_space<semaphore_mem>>
      %dma_start3A_117 = arith.constant 0 : i32
      %dma_start3A_118 = tpu.memref_slice %arg3[%add3A, %dma_start3A_117] : memref<32x320xi32, #tpu.memory_space<hbm>> -> memref<1x320xi32, #tpu.memory_space<hbm>>
      %dma_start3A_119 = tpu.memref_squeeze %dma_start3A_118 : memref<1x320xi32, #tpu.memory_space<hbm>> -> memref<320xi32, #tpu.memory_space<hbm>>
      %dma_start3A_120 = arith.constant 0 : i32
      %dma_start3A_121 = tpu.memref_slice %arg3[%add3A, %dma_start3A_120] : memref<32x320xi32, #tpu.memory_space<hbm>> -> memref<1x320xi32, #tpu.memory_space<hbm>>
      %dma_start3A_122 = tpu.memref_squeeze %dma_start3A_121 : memref<1x320xi32, #tpu.memory_space<hbm>> -> memref<320xi32, #tpu.memory_space<hbm>>
      tpu.enqueue_dma source(%dma_start3A_122 : memref<320xi32, #tpu.memory_space<hbm>>) target(%arg6 : memref<320xi32, #tpu.memory_space<vmem>>) target_semaphore(%run_scoped3A_116 : memref<!tpu.dma_semaphore, #tpu.memory_space<semaphore_mem>>)
      %dma_wait3A_123 = arith.constant 0 : i32
      %dma_wait3A_124 = tpu.memref_slice %arg3[%add3A, %dma_wait3A_123] : memref<32x320xi32, #tpu.memory_space<hbm>> -> memref<1x320xi32, #tpu.memory_space<hbm>>
      %dma_wait3A_125 = tpu.memref_squeeze %dma_wait3A_124 : memref<1x320xi32, #tpu.memory_space<hbm>> -> memref<320xi32, #tpu.memory_space<hbm>>
      %dma_wait3A_126 = arith.constant 0 : i32
      %dma_wait3A_127 = tpu.memref_slice %arg3[%add3A, %dma_wait3A_126] : memref<32x320xi32, #tpu.memory_space<hbm>> -> memref<1x320xi32, #tpu.memory_space<hbm>>
      %dma_wait3A_128 = tpu.memref_squeeze %dma_wait3A_127 : memref<1x320xi32, #tpu.memory_space<hbm>> -> memref<320xi32, #tpu.memory_space<hbm>>
      tpu.wait_dma2 semaphore(%run_scoped3A_116 : memref<!tpu.dma_semaphore, #tpu.memory_space<semaphore_mem>>) src(%dma_wait3A_128 : memref<320xi32, #tpu.memory_space<hbm>>) dst(%arg6 : memref<320xi32, #tpu.memory_space<vmem>>)
      tpu.yield
    }) : () -> ()
    "tpu.region"() ({
      %run_scoped3A_116 = tpu.sem_alloc : memref<!tpu.dma_semaphore, #tpu.memory_space<semaphore_mem>>
      %dma_start3A_117 = arith.constant 0 : i32
      %dma_start3A_118 = tpu.memref_slice %arg4[%add3A, %dma_start3A_117] : memref<32x320xi32, #tpu.memory_space<hbm>> -> memref<1x320xi32, #tpu.memory_space<hbm>>
      %dma_start3A_119 = tpu.memref_squeeze %dma_start3A_118 : memref<1x320xi32, #tpu.memory_space<hbm>> -> memref<320xi32, #tpu.memory_space<hbm>>
      %dma_start3A_120 = arith.constant 0 : i32
      %dma_start3A_121 = tpu.memref_slice %arg4[%add3A, %dma_start3A_120] : memref<32x320xi32, #tpu.memory_space<hbm>> -> memref<1x320xi32, #tpu.memory_space<hbm>>
      %dma_start3A_122 = tpu.memref_squeeze %dma_start3A_121 : memref<1x320xi32, #tpu.memory_space<hbm>> -> memref<320xi32, #tpu.memory_space<hbm>>
      tpu.enqueue_dma source(%dma_start3A_122 : memref<320xi32, #tpu.memory_space<hbm>>) target(%arg7 : memref<320xi32, #tpu.memory_space<vmem>>) target_semaphore(%run_scoped3A_116 : memref<!tpu.dma_semaphore, #tpu.memory_space<semaphore_mem>>)
      %dma_wait3A_123 = arith.constant 0 : i32
      %dma_wait3A_124 = tpu.memref_slice %arg4[%add3A, %dma_wait3A_123] : memref<32x320xi32, #tpu.memory_space<hbm>> -> memref<1x320xi32, #tpu.memory_space<hbm>>
      %dma_wait3A_125 = tpu.memref_squeeze %dma_wait3A_124 : memref<1x320xi32, #tpu.memory_space<hbm>> -> memref<320xi32, #tpu.memory_space<hbm>>
      %dma_wait3A_126 = arith.constant 0 : i32
      %dma_wait3A_127 = tpu.memref_slice %arg4[%add3A, %dma_wait3A_126] : memref<32x320xi32, #tpu.memory_space<hbm>> -> memref<1x320xi32, #tpu.memory_space<hbm>>
      %dma_wait3A_128 = tpu.memref_squeeze %dma_wait3A_127 : memref<1x320xi32, #tpu.memory_space<hbm>> -> memref<320xi32, #tpu.memory_space<hbm>>
      tpu.wait_dma2 semaphore(%run_scoped3A_116 : memref<!tpu.dma_semaphore, #tpu.memory_space<semaphore_mem>>) src(%dma_wait3A_128 : memref<320xi32, #tpu.memory_space<hbm>>) dst(%arg7 : memref<320xi32, #tpu.memory_space<vmem>>)
      tpu.yield
    }) : () -> ()
    %dma_start3A = arith.constant 0 : i32
    %dma_start3A_1 = tpu.memref_slice %arg6[%dma_start3A] : memref<320xi32, #tpu.memory_space<vmem>> -> memref<80xi32, #tpu.memory_space<vmem>>
    %dma_start3A_2 = arith.constant 0 : i32
    %dma_start3A_3 = arith.constant 0 : i32
    %dma_start3A_4 = tpu.memref_slice %arg2[%dma_start3A_2, %dma_start3A_3] : memref<10000x128xf32, #tpu.memory_space<hbm>> -> memref<10000x128xf32, #tpu.memory_space<hbm>>
    tpu.enqueue_indirect_dma source(%dma_start3A_4 : memref<10000x128xf32, #tpu.memory_space<hbm>>) target(%arg8 : memref<80x128xf32, #tpu.memory_space<vmem>>) offsets(%dma_start3A_1 : memref<80xi32, #tpu.memory_space<vmem>>) semaphore(%arg16 : memref<!tpu.dma_semaphore, #tpu.memory_space<semaphore_mem>>)
    %dma_start3A_5 = arith.constant 0 : i32
    %dma_start3A_6 = tpu.memref_slice %arg7[%dma_start3A_5] : memref<320xi32, #tpu.memory_space<vmem>> -> memref<80xi32, #tpu.memory_space<vmem>>
    %dma_start3A_7 = arith.constant 0 : i32
    %dma_start3A_8 = arith.constant 0 : i32
    %dma_start3A_9 = tpu.memref_slice %arg2[%dma_start3A_7, %dma_start3A_8] : memref<10000x128xf32, #tpu.memory_space<hbm>> -> memref<10000x128xf32, #tpu.memory_space<hbm>>
    tpu.enqueue_indirect_dma source(%dma_start3A_9 : memref<10000x128xf32, #tpu.memory_space<hbm>>) target(%arg9 : memref<80x128xf32, #tpu.memory_space<vmem>>) offsets(%dma_start3A_6 : memref<80xi32, #tpu.memory_space<vmem>>) semaphore(%arg17 : memref<!tpu.dma_semaphore, #tpu.memory_space<semaphore_mem>>)
    %dma_start3A_10 = arith.constant 80 : i32
    %dma_start3A_11 = tpu.memref_slice %arg6[%dma_start3A_10] : memref<320xi32, #tpu.memory_space<vmem>> -> memref<80xi32, #tpu.memory_space<vmem>>
    %dma_start3A_12 = arith.constant 0 : i32
    %dma_start3A_13 = arith.constant 0 : i32
    %dma_start3A_14 = tpu.memref_slice %arg2[%dma_start3A_12, %dma_start3A_13] : memref<10000x128xf32, #tpu.memory_space<hbm>> -> memref<10000x128xf32, #tpu.memory_space<hbm>>
    tpu.enqueue_indirect_dma source(%dma_start3A_14 : memref<10000x128xf32, #tpu.memory_space<hbm>>) target(%arg10 : memref<80x128xf32, #tpu.memory_space<vmem>>) offsets(%dma_start3A_11 : memref<80xi32, #tpu.memory_space<vmem>>) semaphore(%arg18 : memref<!tpu.dma_semaphore, #tpu.memory_space<semaphore_mem>>)
    %dma_start3A_15 = arith.constant 80 : i32
    %dma_start3A_16 = tpu.memref_slice %arg7[%dma_start3A_15] : memref<320xi32, #tpu.memory_space<vmem>> -> memref<80xi32, #tpu.memory_space<vmem>>
    %dma_start3A_17 = arith.constant 0 : i32
    %dma_start3A_18 = arith.constant 0 : i32
    %dma_start3A_19 = tpu.memref_slice %arg2[%dma_start3A_17, %dma_start3A_18] : memref<10000x128xf32, #tpu.memory_space<hbm>> -> memref<10000x128xf32, #tpu.memory_space<hbm>>
    tpu.enqueue_indirect_dma source(%dma_start3A_19 : memref<10000x128xf32, #tpu.memory_space<hbm>>) target(%arg11 : memref<80x128xf32, #tpu.memory_space<vmem>>) offsets(%dma_start3A_16 : memref<80xi32, #tpu.memory_space<vmem>>) semaphore(%arg19 : memref<!tpu.dma_semaphore, #tpu.memory_space<semaphore_mem>>)
    %dma_start3A_20 = arith.constant 160 : i32
    %dma_start3A_21 = tpu.memref_slice %arg6[%dma_start3A_20] : memref<320xi32, #tpu.memory_space<vmem>> -> memref<80xi32, #tpu.memory_space<vmem>>
    %dma_start3A_22 = arith.constant 0 : i32
    %dma_start3A_23 = arith.constant 0 : i32
    %dma_start3A_24 = tpu.memref_slice %arg2[%dma_start3A_22, %dma_start3A_23] : memref<10000x128xf32, #tpu.memory_space<hbm>> -> memref<10000x128xf32, #tpu.memory_space<hbm>>
    tpu.enqueue_indirect_dma source(%dma_start3A_24 : memref<10000x128xf32, #tpu.memory_space<hbm>>) target(%arg12 : memref<80x128xf32, #tpu.memory_space<vmem>>) offsets(%dma_start3A_21 : memref<80xi32, #tpu.memory_space<vmem>>) semaphore(%arg20 : memref<!tpu.dma_semaphore, #tpu.memory_space<semaphore_mem>>)
    %dma_start3A_25 = arith.constant 160 : i32
    %dma_start3A_26 = tpu.memref_slice %arg7[%dma_start3A_25] : memref<320xi32, #tpu.memory_space<vmem>> -> memref<80xi32, #tpu.memory_space<vmem>>
    %dma_start3A_27 = arith.constant 0 : i32
    %dma_start3A_28 = arith.constant 0 : i32
    %dma_start3A_29 = tpu.memref_slice %arg2[%dma_start3A_27, %dma_start3A_28] : memref<10000x128xf32, #tpu.memory_space<hbm>> -> memref<10000x128xf32, #tpu.memory_space<hbm>>
    tpu.enqueue_indirect_dma source(%dma_start3A_29 : memref<10000x128xf32, #tpu.memory_space<hbm>>) target(%arg13 : memref<80x128xf32, #tpu.memory_space<vmem>>) offsets(%dma_start3A_26 : memref<80xi32, #tpu.memory_space<vmem>>) semaphore(%arg21 : memref<!tpu.dma_semaphore, #tpu.memory_space<semaphore_mem>>)
    %dma_start3A_30 = arith.constant 240 : i32
    %dma_start3A_31 = tpu.memref_slice %arg6[%dma_start3A_30] : memref<320xi32, #tpu.memory_space<vmem>> -> memref<80xi32, #tpu.memory_space<vmem>>
    %dma_start3A_32 = arith.constant 0 : i32
    %dma_start3A_33 = arith.constant 0 : i32
    %dma_start3A_34 = tpu.memref_slice %arg2[%dma_start3A_32, %dma_start3A_33] : memref<10000x128xf32, #tpu.memory_space<hbm>> -> memref<10000x128xf32, #tpu.memory_space<hbm>>
    tpu.enqueue_indirect_dma source(%dma_start3A_34 : memref<10000x128xf32, #tpu.memory_space<hbm>>) target(%arg14 : memref<80x128xf32, #tpu.memory_space<vmem>>) offsets(%dma_start3A_31 : memref<80xi32, #tpu.memory_space<vmem>>) semaphore(%arg22 : memref<!tpu.dma_semaphore, #tpu.memory_space<semaphore_mem>>)
    %dma_start3A_35 = arith.constant 240 : i32
    %dma_start3A_36 = tpu.memref_slice %arg7[%dma_start3A_35] : memref<320xi32, #tpu.memory_space<vmem>> -> memref<80xi32, #tpu.memory_space<vmem>>
    %dma_start3A_37 = arith.constant 0 : i32
    %dma_start3A_38 = arith.constant 0 : i32
    %dma_start3A_39 = tpu.memref_slice %arg2[%dma_start3A_37, %dma_start3A_38] : memref<10000x128xf32, #tpu.memory_space<hbm>> -> memref<10000x128xf32, #tpu.memory_space<hbm>>
    tpu.enqueue_indirect_dma source(%dma_start3A_39 : memref<10000x128xf32, #tpu.memory_space<hbm>>) target(%arg15 : memref<80x128xf32, #tpu.memory_space<vmem>>) offsets(%dma_start3A_36 : memref<80xi32, #tpu.memory_space<vmem>>) semaphore(%arg23 : memref<!tpu.dma_semaphore, #tpu.memory_space<semaphore_mem>>)
    %mul3A_40 = arith.constant 320 : i32
    %mul3A_41 = arith.muli %add3A, %mul3A_40 : i32
    %add3A_42 = arith.constant 0 : i32
    %add3A_43 = arith.addi %mul3A_41, %add3A_42 : i32
    %dma_wait3A = arith.constant 0 : i32
    %dma_wait3A_44 = arith.constant 0 : i32
    %dma_wait3A_45 = tpu.memref_slice %arg2[%dma_wait3A, %dma_wait3A_44] : memref<10000x128xf32, #tpu.memory_space<hbm>> -> memref<80x128xf32, #tpu.memory_space<hbm>>
    %dma_wait3A_46 = arith.constant 0 : i32
    %dma_wait3A_47 = arith.constant 0 : i32
    %dma_wait3A_48 = tpu.memref_slice %arg2[%dma_wait3A_46, %dma_wait3A_47] : memref<10000x128xf32, #tpu.memory_space<hbm>> -> memref<80x128xf32, #tpu.memory_space<hbm>>
    tpu.wait_dma2 semaphore(%arg16 : memref<!tpu.dma_semaphore, #tpu.memory_space<semaphore_mem>>) src(%dma_wait3A_48 : memref<80x128xf32, #tpu.memory_space<hbm>>) dst(%arg8 : memref<80x128xf32, #tpu.memory_space<vmem>>)
    %dma_wait3A_49 = arith.constant 0 : i32
    %dma_wait3A_50 = arith.constant 0 : i32
    %dma_wait3A_51 = tpu.memref_slice %arg2[%dma_wait3A_49, %dma_wait3A_50] : memref<10000x128xf32, #tpu.memory_space<hbm>> -> memref<80x128xf32, #tpu.memory_space<hbm>>
    %dma_wait3A_52 = arith.constant 0 : i32
    %dma_wait3A_53 = arith.constant 0 : i32
    %dma_wait3A_54 = tpu.memref_slice %arg2[%dma_wait3A_52, %dma_wait3A_53] : memref<10000x128xf32, #tpu.memory_space<hbm>> -> memref<80x128xf32, #tpu.memory_space<hbm>>
    tpu.wait_dma2 semaphore(%arg17 : memref<!tpu.dma_semaphore, #tpu.memory_space<semaphore_mem>>) src(%dma_wait3A_54 : memref<80x128xf32, #tpu.memory_space<hbm>>) dst(%arg9 : memref<80x128xf32, #tpu.memory_space<vmem>>)
    %run_scoped3A = arith.constant 0 : i32
    "tpu.region"() ({
      %run_scoped3A_116 = tpu.sem_alloc : memref<!tpu.dma_semaphore, #tpu.memory_space<semaphore_mem>>
      %dma_start3A_117 = arith.constant 0 : i32
      %dma_start3A_118 = arith.constant 0 : i32
      %dma_start3A_119 = tpu.memref_slice %arg5[%run_scoped3A, %dma_start3A_117, %dma_start3A_118] : memref<2x10000x128xf32, #tpu.memory_space<hbm>> -> memref<1x10000x128xf32, #tpu.memory_space<hbm>>
      %dma_start3A_120 = tpu.memref_squeeze %dma_start3A_119 : memref<1x10000x128xf32, #tpu.memory_space<hbm>> -> memref<10000x128xf32, #tpu.memory_space<hbm>>
      %dma_start3A_121 = arith.constant 0 : i32
      %dma_start3A_122 = tpu.memref_slice %dma_start3A_120[%add3A_43, %dma_start3A_121] : memref<10000x128xf32, #tpu.memory_space<hbm>> -> memref<80x128xf32, #tpu.memory_space<hbm>>
      %dma_start3A_123 = arith.constant 0 : i32
      %dma_start3A_124 = arith.constant 0 : i32
      %dma_start3A_125 = tpu.memref_slice %arg5[%run_scoped3A, %dma_start3A_123, %dma_start3A_124] : memref<2x10000x128xf32, #tpu.memory_space<hbm>> -> memref<1x10000x128xf32, #tpu.memory_space<hbm>>
      %dma_start3A_126 = tpu.memref_squeeze %dma_start3A_125 : memref<1x10000x128xf32, #tpu.memory_space<hbm>> -> memref<10000x128xf32, #tpu.memory_space<hbm>>
      %dma_start3A_127 = arith.constant 0 : i32
      %dma_start3A_128 = tpu.memref_slice %dma_start3A_126[%add3A_43, %dma_start3A_127] : memref<10000x128xf32, #tpu.memory_space<hbm>> -> memref<80x128xf32, #tpu.memory_space<hbm>>
      tpu.enqueue_dma source(%arg8 : memref<80x128xf32, #tpu.memory_space<vmem>>) target(%dma_start3A_128 : memref<80x128xf32, #tpu.memory_space<hbm>>) target_semaphore(%run_scoped3A_116 : memref<!tpu.dma_semaphore, #tpu.memory_space<semaphore_mem>>)
      %dma_wait3A_129 = arith.constant 0 : i32
      %dma_wait3A_130 = arith.constant 0 : i32
      %dma_wait3A_131 = tpu.memref_slice %arg5[%run_scoped3A, %dma_wait3A_129, %dma_wait3A_130] : memref<2x10000x128xf32, #tpu.memory_space<hbm>> -> memref<1x10000x128xf32, #tpu.memory_space<hbm>>
      %dma_wait3A_132 = tpu.memref_squeeze %dma_wait3A_131 : memref<1x10000x128xf32, #tpu.memory_space<hbm>> -> memref<10000x128xf32, #tpu.memory_space<hbm>>
      %dma_wait3A_133 = arith.constant 0 : i32
      %dma_wait3A_134 = tpu.memref_slice %dma_wait3A_132[%add3A_43, %dma_wait3A_133] : memref<10000x128xf32, #tpu.memory_space<hbm>> -> memref<80x128xf32, #tpu.memory_space<hbm>>
      %dma_wait3A_135 = arith.constant 0 : i32
      %dma_wait3A_136 = arith.constant 0 : i32
      %dma_wait3A_137 = tpu.memref_slice %arg5[%run_scoped3A, %dma_wait3A_135, %dma_wait3A_136] : memref<2x10000x128xf32, #tpu.memory_space<hbm>> -> memref<1x10000x128xf32, #tpu.memory_space<hbm>>
      %dma_wait3A_138 = tpu.memref_squeeze %dma_wait3A_137 : memref<1x10000x128xf32, #tpu.memory_space<hbm>> -> memref<10000x128xf32, #tpu.memory_space<hbm>>
      %dma_wait3A_139 = arith.constant 0 : i32
      %dma_wait3A_140 = tpu.memref_slice %dma_wait3A_138[%add3A_43, %dma_wait3A_139] : memref<10000x128xf32, #tpu.memory_space<hbm>> -> memref<80x128xf32, #tpu.memory_space<hbm>>
      tpu.wait_dma2 semaphore(%run_scoped3A_116 : memref<!tpu.dma_semaphore, #tpu.memory_space<semaphore_mem>>) src(%arg8 : memref<80x128xf32, #tpu.memory_space<vmem>>) dst(%dma_wait3A_140 : memref<80x128xf32, #tpu.memory_space<hbm>>)
      tpu.yield
    }) : () -> ()
    %run_scoped3A_55 = arith.constant 1 : i32
    "tpu.region"() ({
      %run_scoped3A_116 = tpu.sem_alloc : memref<!tpu.dma_semaphore, #tpu.memory_space<semaphore_mem>>
      %dma_start3A_117 = arith.constant 0 : i32
      %dma_start3A_118 = arith.constant 0 : i32
      %dma_start3A_119 = tpu.memref_slice %arg5[%run_scoped3A_55, %dma_start3A_117, %dma_start3A_118] : memref<2x10000x128xf32, #tpu.memory_space<hbm>> -> memref<1x10000x128xf32, #tpu.memory_space<hbm>>
      %dma_start3A_120 = tpu.memref_squeeze %dma_start3A_119 : memref<1x10000x128xf32, #tpu.memory_space<hbm>> -> memref<10000x128xf32, #tpu.memory_space<hbm>>
      %dma_start3A_121 = arith.constant 0 : i32
      %dma_start3A_122 = tpu.memref_slice %dma_start3A_120[%add3A_43, %dma_start3A_121] : memref<10000x128xf32, #tpu.memory_space<hbm>> -> memref<80x128xf32, #tpu.memory_space<hbm>>
      %dma_start3A_123 = arith.constant 0 : i32
      %dma_start3A_124 = arith.constant 0 : i32
      %dma_start3A_125 = tpu.memref_slice %arg5[%run_scoped3A_55, %dma_start3A_123, %dma_start3A_124] : memref<2x10000x128xf32, #tpu.memory_space<hbm>> -> memref<1x10000x128xf32, #tpu.memory_space<hbm>>
      %dma_start3A_126 = tpu.memref_squeeze %dma_start3A_125 : memref<1x10000x128xf32, #tpu.memory_space<hbm>> -> memref<10000x128xf32, #tpu.memory_space<hbm>>
      %dma_start3A_127 = arith.constant 0 : i32
      %dma_start3A_128 = tpu.memref_slice %dma_start3A_126[%add3A_43, %dma_start3A_127] : memref<10000x128xf32, #tpu.memory_space<hbm>> -> memref<80x128xf32, #tpu.memory_space<hbm>>
      tpu.enqueue_dma source(%arg9 : memref<80x128xf32, #tpu.memory_space<vmem>>) target(%dma_start3A_128 : memref<80x128xf32, #tpu.memory_space<hbm>>) target_semaphore(%run_scoped3A_116 : memref<!tpu.dma_semaphore, #tpu.memory_space<semaphore_mem>>)
      %dma_wait3A_129 = arith.constant 0 : i32
      %dma_wait3A_130 = arith.constant 0 : i32
      %dma_wait3A_131 = tpu.memref_slice %arg5[%run_scoped3A_55, %dma_wait3A_129, %dma_wait3A_130] : memref<2x10000x128xf32, #tpu.memory_space<hbm>> -> memref<1x10000x128xf32, #tpu.memory_space<hbm>>
      %dma_wait3A_132 = tpu.memref_squeeze %dma_wait3A_131 : memref<1x10000x128xf32, #tpu.memory_space<hbm>> -> memref<10000x128xf32, #tpu.memory_space<hbm>>
      %dma_wait3A_133 = arith.constant 0 : i32
      %dma_wait3A_134 = tpu.memref_slice %dma_wait3A_132[%add3A_43, %dma_wait3A_133] : memref<10000x128xf32, #tpu.memory_space<hbm>> -> memref<80x128xf32, #tpu.memory_space<hbm>>
      %dma_wait3A_135 = arith.constant 0 : i32
      %dma_wait3A_136 = arith.constant 0 : i32
      %dma_wait3A_137 = tpu.memref_slice %arg5[%run_scoped3A_55, %dma_wait3A_135, %dma_wait3A_136] : memref<2x10000x128xf32, #tpu.memory_space<hbm>> -> memref<1x10000x128xf32, #tpu.memory_space<hbm>>
      %dma_wait3A_138 = tpu.memref_squeeze %dma_wait3A_137 : memref<1x10000x128xf32, #tpu.memory_space<hbm>> -> memref<10000x128xf32, #tpu.memory_space<hbm>>
      %dma_wait3A_139 = arith.constant 0 : i32
      %dma_wait3A_140 = tpu.memref_slice %dma_wait3A_138[%add3A_43, %dma_wait3A_139] : memref<10000x128xf32, #tpu.memory_space<hbm>> -> memref<80x128xf32, #tpu.memory_space<hbm>>
      tpu.wait_dma2 semaphore(%run_scoped3A_116 : memref<!tpu.dma_semaphore, #tpu.memory_space<semaphore_mem>>) src(%arg9 : memref<80x128xf32, #tpu.memory_space<vmem>>) dst(%dma_wait3A_140 : memref<80x128xf32, #tpu.memory_space<hbm>>)
      tpu.yield
    }) : () -> ()
    %mul3A_56 = arith.constant 320 : i32
    %mul3A_57 = arith.muli %add3A, %mul3A_56 : i32
    %add3A_58 = arith.constant 80 : i32
    %add3A_59 = arith.addi %mul3A_57, %add3A_58 : i32
    %dma_wait3A_60 = arith.constant 0 : i32
    %dma_wait3A_61 = arith.constant 0 : i32
    %dma_wait3A_62 = tpu.memref_slice %arg2[%dma_wait3A_60, %dma_wait3A_61] : memref<10000x128xf32, #tpu.memory_space<hbm>> -> memref<80x128xf32, #tpu.memory_space<hbm>>
    %dma_wait3A_63 = arith.constant 0 : i32
    %dma_wait3A_64 = arith.constant 0 : i32
    %dma_wait3A_65 = tpu.memref_slice %arg2[%dma_wait3A_63, %dma_wait3A_64] : memref<10000x128xf32, #tpu.memory_space<hbm>> -> memref<80x128xf32, #tpu.memory_space<hbm>>
    tpu.wait_dma2 semaphore(%arg18 : memref<!tpu.dma_semaphore, #tpu.memory_space<semaphore_mem>>) src(%dma_wait3A_65 : memref<80x128xf32, #tpu.memory_space<hbm>>) dst(%arg10 : memref<80x128xf32, #tpu.memory_space<vmem>>)
    %dma_wait3A_66 = arith.constant 0 : i32
    %dma_wait3A_67 = arith.constant 0 : i32
    %dma_wait3A_68 = tpu.memref_slice %arg2[%dma_wait3A_66, %dma_wait3A_67] : memref<10000x128xf32, #tpu.memory_space<hbm>> -> memref<80x128xf32, #tpu.memory_space<hbm>>
    %dma_wait3A_69 = arith.constant 0 : i32
    %dma_wait3A_70 = arith.constant 0 : i32
    %dma_wait3A_71 = tpu.memref_slice %arg2[%dma_wait3A_69, %dma_wait3A_70] : memref<10000x128xf32, #tpu.memory_space<hbm>> -> memref<80x128xf32, #tpu.memory_space<hbm>>
    tpu.wait_dma2 semaphore(%arg19 : memref<!tpu.dma_semaphore, #tpu.memory_space<semaphore_mem>>) src(%dma_wait3A_71 : memref<80x128xf32, #tpu.memory_space<hbm>>) dst(%arg11 : memref<80x128xf32, #tpu.memory_space<vmem>>)
    %lt3A = arith.constant 31 : i32
    %lt3A_72 = arith.cmpi slt, %add3A, %lt3A : i32
    %convert_element_type3A = arith.extui %lt3A_72 : i1 to i32
    %cond3A = arith.constant 0 : i32
    %cond3A_73 = arith.cmpi ne, %convert_element_type3A, %cond3A : i32
    scf.if %cond3A_73 {
      %run_scoped3A_116 = arith.constant 0 : i32
      "tpu.region"() ({
        %run_scoped3A_118 = tpu.sem_alloc : memref<!tpu.dma_semaphore, #tpu.memory_space<semaphore_mem>>
        %dma_start3A_119 = arith.constant 0 : i32
        %dma_start3A_120 = arith.constant 0 : i32
        %dma_start3A_121 = tpu.memref_slice %arg5[%run_scoped3A_116, %dma_start3A_119, %dma_start3A_120] : memref<2x10000x128xf32, #tpu.memory_space<hbm>> -> memref<1x10000x128xf32, #tpu.memory_space<hbm>>
        %dma_start3A_122 = tpu.memref_squeeze %dma_start3A_121 : memref<1x10000x128xf32, #tpu.memory_space<hbm>> -> memref<10000x128xf32, #tpu.memory_space<hbm>>
        %dma_start3A_123 = arith.constant 0 : i32
        %dma_start3A_124 = tpu.memref_slice %dma_start3A_122[%add3A_59, %dma_start3A_123] : memref<10000x128xf32, #tpu.memory_space<hbm>> -> memref<80x128xf32, #tpu.memory_space<hbm>>
        %dma_start3A_125 = arith.constant 0 : i32
        %dma_start3A_126 = arith.constant 0 : i32
        %dma_start3A_127 = tpu.memref_slice %arg5[%run_scoped3A_116, %dma_start3A_125, %dma_start3A_126] : memref<2x10000x128xf32, #tpu.memory_space<hbm>> -> memref<1x10000x128xf32, #tpu.memory_space<hbm>>
        %dma_start3A_128 = tpu.memref_squeeze %dma_start3A_127 : memref<1x10000x128xf32, #tpu.memory_space<hbm>> -> memref<10000x128xf32, #tpu.memory_space<hbm>>
        %dma_start3A_129 = arith.constant 0 : i32
        %dma_start3A_130 = tpu.memref_slice %dma_start3A_128[%add3A_59, %dma_start3A_129] : memref<10000x128xf32, #tpu.memory_space<hbm>> -> memref<80x128xf32, #tpu.memory_space<hbm>>
        tpu.enqueue_dma source(%arg10 : memref<80x128xf32, #tpu.memory_space<vmem>>) target(%dma_start3A_130 : memref<80x128xf32, #tpu.memory_space<hbm>>) target_semaphore(%run_scoped3A_118 : memref<!tpu.dma_semaphore, #tpu.memory_space<semaphore_mem>>)
        %dma_wait3A_131 = arith.constant 0 : i32
        %dma_wait3A_132 = arith.constant 0 : i32
        %dma_wait3A_133 = tpu.memref_slice %arg5[%run_scoped3A_116, %dma_wait3A_131, %dma_wait3A_132] : memref<2x10000x128xf32, #tpu.memory_space<hbm>> -> memref<1x10000x128xf32, #tpu.memory_space<hbm>>
        %dma_wait3A_134 = tpu.memref_squeeze %dma_wait3A_133 : memref<1x10000x128xf32, #tpu.memory_space<hbm>> -> memref<10000x128xf32, #tpu.memory_space<hbm>>
        %dma_wait3A_135 = arith.constant 0 : i32
        %dma_wait3A_136 = tpu.memref_slice %dma_wait3A_134[%add3A_59, %dma_wait3A_135] : memref<10000x128xf32, #tpu.memory_space<hbm>> -> memref<80x128xf32, #tpu.memory_space<hbm>>
        %dma_wait3A_137 = arith.constant 0 : i32
        %dma_wait3A_138 = arith.constant 0 : i32
        %dma_wait3A_139 = tpu.memref_slice %arg5[%run_scoped3A_116, %dma_wait3A_137, %dma_wait3A_138] : memref<2x10000x128xf32, #tpu.memory_space<hbm>> -> memref<1x10000x128xf32, #tpu.memory_space<hbm>>
        %dma_wait3A_140 = tpu.memref_squeeze %dma_wait3A_139 : memref<1x10000x128xf32, #tpu.memory_space<hbm>> -> memref<10000x128xf32, #tpu.memory_space<hbm>>
        %dma_wait3A_141 = arith.constant 0 : i32
        %dma_wait3A_142 = tpu.memref_slice %dma_wait3A_140[%add3A_59, %dma_wait3A_141] : memref<10000x128xf32, #tpu.memory_space<hbm>> -> memref<80x128xf32, #tpu.memory_space<hbm>>
        tpu.wait_dma2 semaphore(%run_scoped3A_118 : memref<!tpu.dma_semaphore, #tpu.memory_space<semaphore_mem>>) src(%arg10 : memref<80x128xf32, #tpu.memory_space<vmem>>) dst(%dma_wait3A_142 : memref<80x128xf32, #tpu.memory_space<hbm>>)
        tpu.yield
      }) : () -> ()
      %run_scoped3A_117 = arith.constant 1 : i32
      "tpu.region"() ({
        %run_scoped3A_118 = tpu.sem_alloc : memref<!tpu.dma_semaphore, #tpu.memory_space<semaphore_mem>>
        %dma_start3A_119 = arith.constant 0 : i32
        %dma_start3A_120 = arith.constant 0 : i32
        %dma_start3A_121 = tpu.memref_slice %arg5[%run_scoped3A_117, %dma_start3A_119, %dma_start3A_120] : memref<2x10000x128xf32, #tpu.memory_space<hbm>> -> memref<1x10000x128xf32, #tpu.memory_space<hbm>>
        %dma_start3A_122 = tpu.memref_squeeze %dma_start3A_121 : memref<1x10000x128xf32, #tpu.memory_space<hbm>> -> memref<10000x128xf32, #tpu.memory_space<hbm>>
        %dma_start3A_123 = arith.constant 0 : i32
        %dma_start3A_124 = tpu.memref_slice %dma_start3A_122[%add3A_59, %dma_start3A_123] : memref<10000x128xf32, #tpu.memory_space<hbm>> -> memref<80x128xf32, #tpu.memory_space<hbm>>
        %dma_start3A_125 = arith.constant 0 : i32
        %dma_start3A_126 = arith.constant 0 : i32
        %dma_start3A_127 = tpu.memref_slice %arg5[%run_scoped3A_117, %dma_start3A_125, %dma_start3A_126] : memref<2x10000x128xf32, #tpu.memory_space<hbm>> -> memref<1x10000x128xf32, #tpu.memory_space<hbm>>
        %dma_start3A_128 = tpu.memref_squeeze %dma_start3A_127 : memref<1x10000x128xf32, #tpu.memory_space<hbm>> -> memref<10000x128xf32, #tpu.memory_space<hbm>>
        %dma_start3A_129 = arith.constant 0 : i32
        %dma_start3A_130 = tpu.memref_slice %dma_start3A_128[%add3A_59, %dma_start3A_129] : memref<10000x128xf32, #tpu.memory_space<hbm>> -> memref<80x128xf32, #tpu.memory_space<hbm>>
        tpu.enqueue_dma source(%arg11 : memref<80x128xf32, #tpu.memory_space<vmem>>) target(%dma_start3A_130 : memref<80x128xf32, #tpu.memory_space<hbm>>) target_semaphore(%run_scoped3A_118 : memref<!tpu.dma_semaphore, #tpu.memory_space<semaphore_mem>>)
        %dma_wait3A_131 = arith.constant 0 : i32
        %dma_wait3A_132 = arith.constant 0 : i32
        %dma_wait3A_133 = tpu.memref_slice %arg5[%run_scoped3A_117, %dma_wait3A_131, %dma_wait3A_132] : memref<2x10000x128xf32, #tpu.memory_space<hbm>> -> memref<1x10000x128xf32, #tpu.memory_space<hbm>>
        %dma_wait3A_134 = tpu.memref_squeeze %dma_wait3A_133 : memref<1x10000x128xf32, #tpu.memory_space<hbm>> -> memref<10000x128xf32, #tpu.memory_space<hbm>>
        %dma_wait3A_135 = arith.constant 0 : i32
        %dma_wait3A_136 = tpu.memref_slice %dma_wait3A_134[%add3A_59, %dma_wait3A_135] : memref<10000x128xf32, #tpu.memory_space<hbm>> -> memref<80x128xf32, #tpu.memory_space<hbm>>
        %dma_wait3A_137 = arith.constant 0 : i32
        %dma_wait3A_138 = arith.constant 0 : i32
        %dma_wait3A_139 = tpu.memref_slice %arg5[%run_scoped3A_117, %dma_wait3A_137, %dma_wait3A_138] : memref<2x10000x128xf32, #tpu.memory_space<hbm>> -> memref<1x10000x128xf32, #tpu.memory_space<hbm>>
        %dma_wait3A_140 = tpu.memref_squeeze %dma_wait3A_139 : memref<1x10000x128xf32, #tpu.memory_space<hbm>> -> memref<10000x128xf32, #tpu.memory_space<hbm>>
        %dma_wait3A_141 = arith.constant 0 : i32
        %dma_wait3A_142 = tpu.memref_slice %dma_wait3A_140[%add3A_59, %dma_wait3A_141] : memref<10000x128xf32, #tpu.memory_space<hbm>> -> memref<80x128xf32, #tpu.memory_space<hbm>>
        tpu.wait_dma2 semaphore(%run_scoped3A_118 : memref<!tpu.dma_semaphore, #tpu.memory_space<semaphore_mem>>) src(%arg11 : memref<80x128xf32, #tpu.memory_space<vmem>>) dst(%dma_wait3A_142 : memref<80x128xf32, #tpu.memory_space<hbm>>)
        tpu.yield
      }) : () -> ()
    } else {
    }
    %mul3A_74 = arith.constant 320 : i32
    %mul3A_75 = arith.muli %add3A, %mul3A_74 : i32
    %add3A_76 = arith.constant 160 : i32
    %add3A_77 = arith.addi %mul3A_75, %add3A_76 : i32
    %dma_wait3A_78 = arith.constant 0 : i32
    %dma_wait3A_79 = arith.constant 0 : i32
    %dma_wait3A_80 = tpu.memref_slice %arg2[%dma_wait3A_78, %dma_wait3A_79] : memref<10000x128xf32, #tpu.memory_space<hbm>> -> memref<80x128xf32, #tpu.memory_space<hbm>>
    %dma_wait3A_81 = arith.constant 0 : i32
    %dma_wait3A_82 = arith.constant 0 : i32
    %dma_wait3A_83 = tpu.memref_slice %arg2[%dma_wait3A_81, %dma_wait3A_82] : memref<10000x128xf32, #tpu.memory_space<hbm>> -> memref<80x128xf32, #tpu.memory_space<hbm>>
    tpu.wait_dma2 semaphore(%arg20 : memref<!tpu.dma_semaphore, #tpu.memory_space<semaphore_mem>>) src(%dma_wait3A_83 : memref<80x128xf32, #tpu.memory_space<hbm>>) dst(%arg12 : memref<80x128xf32, #tpu.memory_space<vmem>>)
    %dma_wait3A_84 = arith.constant 0 : i32
    %dma_wait3A_85 = arith.constant 0 : i32
    %dma_wait3A_86 = tpu.memref_slice %arg2[%dma_wait3A_84, %dma_wait3A_85] : memref<10000x128xf32, #tpu.memory_space<hbm>> -> memref<80x128xf32, #tpu.memory_space<hbm>>
    %dma_wait3A_87 = arith.constant 0 : i32
    %dma_wait3A_88 = arith.constant 0 : i32
    %dma_wait3A_89 = tpu.memref_slice %arg2[%dma_wait3A_87, %dma_wait3A_88] : memref<10000x128xf32, #tpu.memory_space<hbm>> -> memref<80x128xf32, #tpu.memory_space<hbm>>
    tpu.wait_dma2 semaphore(%arg21 : memref<!tpu.dma_semaphore, #tpu.memory_space<semaphore_mem>>) src(%dma_wait3A_89 : memref<80x128xf32, #tpu.memory_space<hbm>>) dst(%arg13 : memref<80x128xf32, #tpu.memory_space<vmem>>)
    %lt3A_90 = arith.constant 31 : i32
    %lt3A_91 = arith.cmpi slt, %add3A, %lt3A_90 : i32
    %convert_element_type3A_92 = arith.extui %lt3A_91 : i1 to i32
    %cond3A_93 = arith.constant 0 : i32
    %cond3A_94 = arith.cmpi ne, %convert_element_type3A_92, %cond3A_93 : i32
    scf.if %cond3A_94 {
      %run_scoped3A_116 = arith.constant 0 : i32
      "tpu.region"() ({
        %run_scoped3A_118 = tpu.sem_alloc : memref<!tpu.dma_semaphore, #tpu.memory_space<semaphore_mem>>
        %dma_start3A_119 = arith.constant 0 : i32
        %dma_start3A_120 = arith.constant 0 : i32
        %dma_start3A_121 = tpu.memref_slice %arg5[%run_scoped3A_116, %dma_start3A_119, %dma_start3A_120] : memref<2x10000x128xf32, #tpu.memory_space<hbm>> -> memref<1x10000x128xf32, #tpu.memory_space<hbm>>
        %dma_start3A_122 = tpu.memref_squeeze %dma_start3A_121 : memref<1x10000x128xf32, #tpu.memory_space<hbm>> -> memref<10000x128xf32, #tpu.memory_space<hbm>>
        %dma_start3A_123 = arith.constant 0 : i32
        %dma_start3A_124 = tpu.memref_slice %dma_start3A_122[%add3A_77, %dma_start3A_123] : memref<10000x128xf32, #tpu.memory_space<hbm>> -> memref<80x128xf32, #tpu.memory_space<hbm>>
        %dma_start3A_125 = arith.constant 0 : i32
        %dma_start3A_126 = arith.constant 0 : i32
        %dma_start3A_127 = tpu.memref_slice %arg5[%run_scoped3A_116, %dma_start3A_125, %dma_start3A_126] : memref<2x10000x128xf32, #tpu.memory_space<hbm>> -> memref<1x10000x128xf32, #tpu.memory_space<hbm>>
        %dma_start3A_128 = tpu.memref_squeeze %dma_start3A_127 : memref<1x10000x128xf32, #tpu.memory_space<hbm>> -> memref<10000x128xf32, #tpu.memory_space<hbm>>
        %dma_start3A_129 = arith.constant 0 : i32
        %dma_start3A_130 = tpu.memref_slice %dma_start3A_128[%add3A_77, %dma_start3A_129] : memref<10000x128xf32, #tpu.memory_space<hbm>> -> memref<80x128xf32, #tpu.memory_space<hbm>>
        tpu.enqueue_dma source(%arg12 : memref<80x128xf32, #tpu.memory_space<vmem>>) target(%dma_start3A_130 : memref<80x128xf32, #tpu.memory_space<hbm>>) target_semaphore(%run_scoped3A_118 : memref<!tpu.dma_semaphore, #tpu.memory_space<semaphore_mem>>)
        %dma_wait3A_131 = arith.constant 0 : i32
        %dma_wait3A_132 = arith.constant 0 : i32
        %dma_wait3A_133 = tpu.memref_slice %arg5[%run_scoped3A_116, %dma_wait3A_131, %dma_wait3A_132] : memref<2x10000x128xf32, #tpu.memory_space<hbm>> -> memref<1x10000x128xf32, #tpu.memory_space<hbm>>
        %dma_wait3A_134 = tpu.memref_squeeze %dma_wait3A_133 : memref<1x10000x128xf32, #tpu.memory_space<hbm>> -> memref<10000x128xf32, #tpu.memory_space<hbm>>
        %dma_wait3A_135 = arith.constant 0 : i32
        %dma_wait3A_136 = tpu.memref_slice %dma_wait3A_134[%add3A_77, %dma_wait3A_135] : memref<10000x128xf32, #tpu.memory_space<hbm>> -> memref<80x128xf32, #tpu.memory_space<hbm>>
        %dma_wait3A_137 = arith.constant 0 : i32
        %dma_wait3A_138 = arith.constant 0 : i32
        %dma_wait3A_139 = tpu.memref_slice %arg5[%run_scoped3A_116, %dma_wait3A_137, %dma_wait3A_138] : memref<2x10000x128xf32, #tpu.memory_space<hbm>> -> memref<1x10000x128xf32, #tpu.memory_space<hbm>>
        %dma_wait3A_140 = tpu.memref_squeeze %dma_wait3A_139 : memref<1x10000x128xf32, #tpu.memory_space<hbm>> -> memref<10000x128xf32, #tpu.memory_space<hbm>>
        %dma_wait3A_141 = arith.constant 0 : i32
        %dma_wait3A_142 = tpu.memref_slice %dma_wait3A_140[%add3A_77, %dma_wait3A_141] : memref<10000x128xf32, #tpu.memory_space<hbm>> -> memref<80x128xf32, #tpu.memory_space<hbm>>
        tpu.wait_dma2 semaphore(%run_scoped3A_118 : memref<!tpu.dma_semaphore, #tpu.memory_space<semaphore_mem>>) src(%arg12 : memref<80x128xf32, #tpu.memory_space<vmem>>) dst(%dma_wait3A_142 : memref<80x128xf32, #tpu.memory_space<hbm>>)
        tpu.yield
      }) : () -> ()
      %run_scoped3A_117 = arith.constant 1 : i32
      "tpu.region"() ({
        %run_scoped3A_118 = tpu.sem_alloc : memref<!tpu.dma_semaphore, #tpu.memory_space<semaphore_mem>>
        %dma_start3A_119 = arith.constant 0 : i32
        %dma_start3A_120 = arith.constant 0 : i32
        %dma_start3A_121 = tpu.memref_slice %arg5[%run_scoped3A_117, %dma_start3A_119, %dma_start3A_120] : memref<2x10000x128xf32, #tpu.memory_space<hbm>> -> memref<1x10000x128xf32, #tpu.memory_space<hbm>>
        %dma_start3A_122 = tpu.memref_squeeze %dma_start3A_121 : memref<1x10000x128xf32, #tpu.memory_space<hbm>> -> memref<10000x128xf32, #tpu.memory_space<hbm>>
        %dma_start3A_123 = arith.constant 0 : i32
        %dma_start3A_124 = tpu.memref_slice %dma_start3A_122[%add3A_77, %dma_start3A_123] : memref<10000x128xf32, #tpu.memory_space<hbm>> -> memref<80x128xf32, #tpu.memory_space<hbm>>
        %dma_start3A_125 = arith.constant 0 : i32
        %dma_start3A_126 = arith.constant 0 : i32
        %dma_start3A_127 = tpu.memref_slice %arg5[%run_scoped3A_117, %dma_start3A_125, %dma_start3A_126] : memref<2x10000x128xf32, #tpu.memory_space<hbm>> -> memref<1x10000x128xf32, #tpu.memory_space<hbm>>
        %dma_start3A_128 = tpu.memref_squeeze %dma_start3A_127 : memref<1x10000x128xf32, #tpu.memory_space<hbm>> -> memref<10000x128xf32, #tpu.memory_space<hbm>>
        %dma_start3A_129 = arith.constant 0 : i32
        %dma_start3A_130 = tpu.memref_slice %dma_start3A_128[%add3A_77, %dma_start3A_129] : memref<10000x128xf32, #tpu.memory_space<hbm>> -> memref<80x128xf32, #tpu.memory_space<hbm>>
        tpu.enqueue_dma source(%arg13 : memref<80x128xf32, #tpu.memory_space<vmem>>) target(%dma_start3A_130 : memref<80x128xf32, #tpu.memory_space<hbm>>) target_semaphore(%run_scoped3A_118 : memref<!tpu.dma_semaphore, #tpu.memory_space<semaphore_mem>>)
        %dma_wait3A_131 = arith.constant 0 : i32
        %dma_wait3A_132 = arith.constant 0 : i32
        %dma_wait3A_133 = tpu.memref_slice %arg5[%run_scoped3A_117, %dma_wait3A_131, %dma_wait3A_132] : memref<2x10000x128xf32, #tpu.memory_space<hbm>> -> memref<1x10000x128xf32, #tpu.memory_space<hbm>>
        %dma_wait3A_134 = tpu.memref_squeeze %dma_wait3A_133 : memref<1x10000x128xf32, #tpu.memory_space<hbm>> -> memref<10000x128xf32, #tpu.memory_space<hbm>>
        %dma_wait3A_135 = arith.constant 0 : i32
        %dma_wait3A_136 = tpu.memref_slice %dma_wait3A_134[%add3A_77, %dma_wait3A_135] : memref<10000x128xf32, #tpu.memory_space<hbm>> -> memref<80x128xf32, #tpu.memory_space<hbm>>
        %dma_wait3A_137 = arith.constant 0 : i32
        %dma_wait3A_138 = arith.constant 0 : i32
        %dma_wait3A_139 = tpu.memref_slice %arg5[%run_scoped3A_117, %dma_wait3A_137, %dma_wait3A_138] : memref<2x10000x128xf32, #tpu.memory_space<hbm>> -> memref<1x10000x128xf32, #tpu.memory_space<hbm>>
        %dma_wait3A_140 = tpu.memref_squeeze %dma_wait3A_139 : memref<1x10000x128xf32, #tpu.memory_space<hbm>> -> memref<10000x128xf32, #tpu.memory_space<hbm>>
        %dma_wait3A_141 = arith.constant 0 : i32
        %dma_wait3A_142 = tpu.memref_slice %dma_wait3A_140[%add3A_77, %dma_wait3A_141] : memref<10000x128xf32, #tpu.memory_space<hbm>> -> memref<80x128xf32, #tpu.memory_space<hbm>>
        tpu.wait_dma2 semaphore(%run_scoped3A_118 : memref<!tpu.dma_semaphore, #tpu.memory_space<semaphore_mem>>) src(%arg13 : memref<80x128xf32, #tpu.memory_space<vmem>>) dst(%dma_wait3A_142 : memref<80x128xf32, #tpu.memory_space<hbm>>)
        tpu.yield
      }) : () -> ()
    } else {
    }
    %mul3A_95 = arith.constant 320 : i32
    %mul3A_96 = arith.muli %add3A, %mul3A_95 : i32
    %add3A_97 = arith.constant 240 : i32
    %add3A_98 = arith.addi %mul3A_96, %add3A_97 : i32
    %dma_wait3A_99 = arith.constant 0 : i32
    %dma_wait3A_100 = arith.constant 0 : i32
    %dma_wait3A_101 = tpu.memref_slice %arg2[%dma_wait3A_99, %dma_wait3A_100] : memref<10000x128xf32, #tpu.memory_space<hbm>> -> memref<80x128xf32, #tpu.memory_space<hbm>>
    %dma_wait3A_102 = arith.constant 0 : i32
    %dma_wait3A_103 = arith.constant 0 : i32
    %dma_wait3A_104 = tpu.memref_slice %arg2[%dma_wait3A_102, %dma_wait3A_103] : memref<10000x128xf32, #tpu.memory_space<hbm>> -> memref<80x128xf32, #tpu.memory_space<hbm>>
    tpu.wait_dma2 semaphore(%arg22 : memref<!tpu.dma_semaphore, #tpu.memory_space<semaphore_mem>>) src(%dma_wait3A_104 : memref<80x128xf32, #tpu.memory_space<hbm>>) dst(%arg14 : memref<80x128xf32, #tpu.memory_space<vmem>>)
    %dma_wait3A_105 = arith.constant 0 : i32
    %dma_wait3A_106 = arith.constant 0 : i32
    %dma_wait3A_107 = tpu.memref_slice %arg2[%dma_wait3A_105, %dma_wait3A_106] : memref<10000x128xf32, #tpu.memory_space<hbm>> -> memref<80x128xf32, #tpu.memory_space<hbm>>
    %dma_wait3A_108 = arith.constant 0 : i32
    %dma_wait3A_109 = arith.constant 0 : i32
    %dma_wait3A_110 = tpu.memref_slice %arg2[%dma_wait3A_108, %dma_wait3A_109] : memref<10000x128xf32, #tpu.memory_space<hbm>> -> memref<80x128xf32, #tpu.memory_space<hbm>>
    tpu.wait_dma2 semaphore(%arg23 : memref<!tpu.dma_semaphore, #tpu.memory_space<semaphore_mem>>) src(%dma_wait3A_110 : memref<80x128xf32, #tpu.memory_space<hbm>>) dst(%arg15 : memref<80x128xf32, #tpu.memory_space<vmem>>)
    %lt3A_111 = arith.constant 31 : i32
    %lt3A_112 = arith.cmpi slt, %add3A, %lt3A_111 : i32
    %convert_element_type3A_113 = arith.extui %lt3A_112 : i1 to i32
    %cond3A_114 = arith.constant 0 : i32
    %cond3A_115 = arith.cmpi ne, %convert_element_type3A_113, %cond3A_114 : i32
    scf.if %cond3A_115 {
      %run_scoped3A_116 = arith.constant 0 : i32
      "tpu.region"() ({
        %run_scoped3A_118 = tpu.sem_alloc : memref<!tpu.dma_semaphore, #tpu.memory_space<semaphore_mem>>
        %dma_start3A_119 = arith.constant 0 : i32
        %dma_start3A_120 = arith.constant 0 : i32
        %dma_start3A_121 = tpu.memref_slice %arg5[%run_scoped3A_116, %dma_start3A_119, %dma_start3A_120] : memref<2x10000x128xf32, #tpu.memory_space<hbm>> -> memref<1x10000x128xf32, #tpu.memory_space<hbm>>
        %dma_start3A_122 = tpu.memref_squeeze %dma_start3A_121 : memref<1x10000x128xf32, #tpu.memory_space<hbm>> -> memref<10000x128xf32, #tpu.memory_space<hbm>>
        %dma_start3A_123 = arith.constant 0 : i32
        %dma_start3A_124 = tpu.memref_slice %dma_start3A_122[%add3A_98, %dma_start3A_123] : memref<10000x128xf32, #tpu.memory_space<hbm>> -> memref<80x128xf32, #tpu.memory_space<hbm>>
        %dma_start3A_125 = arith.constant 0 : i32
        %dma_start3A_126 = arith.constant 0 : i32
        %dma_start3A_127 = tpu.memref_slice %arg5[%run_scoped3A_116, %dma_start3A_125, %dma_start3A_126] : memref<2x10000x128xf32, #tpu.memory_space<hbm>> -> memref<1x10000x128xf32, #tpu.memory_space<hbm>>
        %dma_start3A_128 = tpu.memref_squeeze %dma_start3A_127 : memref<1x10000x128xf32, #tpu.memory_space<hbm>> -> memref<10000x128xf32, #tpu.memory_space<hbm>>
        %dma_start3A_129 = arith.constant 0 : i32
        %dma_start3A_130 = tpu.memref_slice %dma_start3A_128[%add3A_98, %dma_start3A_129] : memref<10000x128xf32, #tpu.memory_space<hbm>> -> memref<80x128xf32, #tpu.memory_space<hbm>>
        tpu.enqueue_dma source(%arg14 : memref<80x128xf32, #tpu.memory_space<vmem>>) target(%dma_start3A_130 : memref<80x128xf32, #tpu.memory_space<hbm>>) target_semaphore(%run_scoped3A_118 : memref<!tpu.dma_semaphore, #tpu.memory_space<semaphore_mem>>)
        %dma_wait3A_131 = arith.constant 0 : i32
        %dma_wait3A_132 = arith.constant 0 : i32
        %dma_wait3A_133 = tpu.memref_slice %arg5[%run_scoped3A_116, %dma_wait3A_131, %dma_wait3A_132] : memref<2x10000x128xf32, #tpu.memory_space<hbm>> -> memref<1x10000x128xf32, #tpu.memory_space<hbm>>
        %dma_wait3A_134 = tpu.memref_squeeze %dma_wait3A_133 : memref<1x10000x128xf32, #tpu.memory_space<hbm>> -> memref<10000x128xf32, #tpu.memory_space<hbm>>
        %dma_wait3A_135 = arith.constant 0 : i32
        %dma_wait3A_136 = tpu.memref_slice %dma_wait3A_134[%add3A_98, %dma_wait3A_135] : memref<10000x128xf32, #tpu.memory_space<hbm>> -> memref<80x128xf32, #tpu.memory_space<hbm>>
        %dma_wait3A_137 = arith.constant 0 : i32
        %dma_wait3A_138 = arith.constant 0 : i32
        %dma_wait3A_139 = tpu.memref_slice %arg5[%run_scoped3A_116, %dma_wait3A_137, %dma_wait3A_138] : memref<2x10000x128xf32, #tpu.memory_space<hbm>> -> memref<1x10000x128xf32, #tpu.memory_space<hbm>>
        %dma_wait3A_140 = tpu.memref_squeeze %dma_wait3A_139 : memref<1x10000x128xf32, #tpu.memory_space<hbm>> -> memref<10000x128xf32, #tpu.memory_space<hbm>>
        %dma_wait3A_141 = arith.constant 0 : i32
        %dma_wait3A_142 = tpu.memref_slice %dma_wait3A_140[%add3A_98, %dma_wait3A_141] : memref<10000x128xf32, #tpu.memory_space<hbm>> -> memref<80x128xf32, #tpu.memory_space<hbm>>
        tpu.wait_dma2 semaphore(%run_scoped3A_118 : memref<!tpu.dma_semaphore, #tpu.memory_space<semaphore_mem>>) src(%arg14 : memref<80x128xf32, #tpu.memory_space<vmem>>) dst(%dma_wait3A_142 : memref<80x128xf32, #tpu.memory_space<hbm>>)
        tpu.yield
      }) : () -> ()
      %run_scoped3A_117 = arith.constant 1 : i32
      "tpu.region"() ({
        %run_scoped3A_118 = tpu.sem_alloc : memref<!tpu.dma_semaphore, #tpu.memory_space<semaphore_mem>>
        %dma_start3A_119 = arith.constant 0 : i32
        %dma_start3A_120 = arith.constant 0 : i32
        %dma_start3A_121 = tpu.memref_slice %arg5[%run_scoped3A_117, %dma_start3A_119, %dma_start3A_120] : memref<2x10000x128xf32, #tpu.memory_space<hbm>> -> memref<1x10000x128xf32, #tpu.memory_space<hbm>>
        %dma_start3A_122 = tpu.memref_squeeze %dma_start3A_121 : memref<1x10000x128xf32, #tpu.memory_space<hbm>> -> memref<10000x128xf32, #tpu.memory_space<hbm>>
        %dma_start3A_123 = arith.constant 0 : i32
        %dma_start3A_124 = tpu.memref_slice %dma_start3A_122[%add3A_98, %dma_start3A_123] : memref<10000x128xf32, #tpu.memory_space<hbm>> -> memref<80x128xf32, #tpu.memory_space<hbm>>
        %dma_start3A_125 = arith.constant 0 : i32
        %dma_start3A_126 = arith.constant 0 : i32
        %dma_start3A_127 = tpu.memref_slice %arg5[%run_scoped3A_117, %dma_start3A_125, %dma_start3A_126] : memref<2x10000x128xf32, #tpu.memory_space<hbm>> -> memref<1x10000x128xf32, #tpu.memory_space<hbm>>
        %dma_start3A_128 = tpu.memref_squeeze %dma_start3A_127 : memref<1x10000x128xf32, #tpu.memory_space<hbm>> -> memref<10000x128xf32, #tpu.memory_space<hbm>>
        %dma_start3A_129 = arith.constant 0 : i32
        %dma_start3A_130 = tpu.memref_slice %dma_start3A_128[%add3A_98, %dma_start3A_129] : memref<10000x128xf32, #tpu.memory_space<hbm>> -> memref<80x128xf32, #tpu.memory_space<hbm>>
        tpu.enqueue_dma source(%arg15 : memref<80x128xf32, #tpu.memory_space<vmem>>) target(%dma_start3A_130 : memref<80x128xf32, #tpu.memory_space<hbm>>) target_semaphore(%run_scoped3A_118 : memref<!tpu.dma_semaphore, #tpu.memory_space<semaphore_mem>>)
        %dma_wait3A_131 = arith.constant 0 : i32
        %dma_wait3A_132 = arith.constant 0 : i32
        %dma_wait3A_133 = tpu.memref_slice %arg5[%run_scoped3A_117, %dma_wait3A_131, %dma_wait3A_132] : memref<2x10000x128xf32, #tpu.memory_space<hbm>> -> memref<1x10000x128xf32, #tpu.memory_space<hbm>>
        %dma_wait3A_134 = tpu.memref_squeeze %dma_wait3A_133 : memref<1x10000x128xf32, #tpu.memory_space<hbm>> -> memref<10000x128xf32, #tpu.memory_space<hbm>>
        %dma_wait3A_135 = arith.constant 0 : i32
        %dma_wait3A_136 = tpu.memref_slice %dma_wait3A_134[%add3A_98, %dma_wait3A_135] : memref<10000x128xf32, #tpu.memory_space<hbm>> -> memref<80x128xf32, #tpu.memory_space<hbm>>
        %dma_wait3A_137 = arith.constant 0 : i32
        %dma_wait3A_138 = arith.constant 0 : i32
        %dma_wait3A_139 = tpu.memref_slice %arg5[%run_scoped3A_117, %dma_wait3A_137, %dma_wait3A_138] : memref<2x10000x128xf32, #tpu.memory_space<hbm>> -> memref<1x10000x128xf32, #tpu.memory_space<hbm>>
        %dma_wait3A_140 = tpu.memref_squeeze %dma_wait3A_139 : memref<1x10000x128xf32, #tpu.memory_space<hbm>> -> memref<10000x128xf32, #tpu.memory_space<hbm>>
        %dma_wait3A_141 = arith.constant 0 : i32
        %dma_wait3A_142 = tpu.memref_slice %dma_wait3A_140[%add3A_98, %dma_wait3A_141] : memref<10000x128xf32, #tpu.memory_space<hbm>> -> memref<80x128xf32, #tpu.memory_space<hbm>>
        tpu.wait_dma2 semaphore(%run_scoped3A_118 : memref<!tpu.dma_semaphore, #tpu.memory_space<semaphore_mem>>) src(%arg15 : memref<80x128xf32, #tpu.memory_space<vmem>>) dst(%dma_wait3A_142 : memref<80x128xf32, #tpu.memory_space<hbm>>)
        tpu.yield
      }) : () -> ()
    } else {
    }
    return
  }
}

module attributes {stable_mosaic.version = 14 : i64} {
  func.func @_tc_lin_relu(%arg0: memref<10000x128xf32, #tpu.memory_space<vmem>>, %arg1: memref<128x128xf32, #tpu.memory_space<vmem>>, %arg2: memref<1x128xf32, #tpu.memory_space<vmem>>, %arg3: memref<10000x128xf32, #tpu.memory_space<vmem>>) attributes {dimension_semantics = [], scalar_prefetch = 0 : i64, scratch_operands = 0 : i64, tpu.core_type = #tpu.core_type<tc>} {
    %get3A = arith.constant 0 : index
    %get3A_0 = arith.constant 0 : index
    %get3A_1 = vector.load %arg0[%get3A, %get3A_0] : memref<10000x128xf32, #tpu.memory_space<vmem>>, vector<10000x128xf32>
    %get3A_2 = arith.constant 0 : index
    %get3A_3 = arith.constant 0 : index
    %get3A_4 = vector.load %arg1[%get3A_2, %get3A_3] : memref<128x128xf32, #tpu.memory_space<vmem>>, vector<128x128xf32>
    %dot_general3A = arith.constant dense<0.000000e+00> : vector<10000x128xf32>
    %dot_general3A_5 = tpu.matmul %get3A_1, %get3A_4, %dot_general3A {dimension_numbers = #tpu.dot_dimension_numbers<[1], [0], [0], [1], [0, 0, 1, 1], [], []>, transpose_lhs_hint = false} : vector<10000x128xf32>, vector<128x128xf32>, vector<10000x128xf32> -> vector<10000x128xf32>
    %get3A_6 = arith.constant 0 : index
    %get3A_7 = arith.constant 0 : index
    %get3A_8 = vector.load %arg2[%get3A_6, %get3A_7] : memref<1x128xf32, #tpu.memory_space<vmem>>, vector<1x128xf32>
    %add3A = vector.broadcast %get3A_8 : vector<1x128xf32> to vector<10000x128xf32>
    %add3A_9 = arith.addf %dot_general3A_5, %add3A : vector<10000x128xf32>
    %max3A = arith.constant 0.000000e+00 : f32
    %max3A_10 = vector.broadcast %max3A : f32 to vector<10000x128xf32>
    %max3A_11 = arith.maximumf %add3A_9, %max3A_10 : vector<10000x128xf32>
    %swap3A = arith.constant 0 : index
    %swap3A_12 = arith.constant 0 : index
    %swap3A_13 = vector.load %arg3[%swap3A, %swap3A_12] : memref<10000x128xf32, #tpu.memory_space<vmem>>, vector<10000x128xf32>
    tpu.vector_store %arg3[%swap3A, %swap3A_12], %max3A_11 {strides = array<i32>} : memref<10000x128xf32, #tpu.memory_space<vmem>>, vector<10000x128xf32>,
    return
  }
}

module attributes {stable_mosaic.version = 14 : i64} {
  func.func @_tc_agg_lin(%arg0: memref<2x10000x128xf32, #tpu.memory_space<vmem>>, %arg1: memref<10000x128xf32, #tpu.memory_space<vmem>>, %arg2: memref<128x128xf32, #tpu.memory_space<vmem>>, %arg3: memref<128x128xf32, #tpu.memory_space<vmem>>, %arg4: memref<1x128xf32, #tpu.memory_space<vmem>>, %arg5: memref<128x128xf32, #tpu.memory_space<vmem>>, %arg6: memref<1x128xf32, #tpu.memory_space<vmem>>, %arg7: memref<10000x128xf32, #tpu.memory_space<vmem>>, %arg8: memref<10000x128xf32, #tpu.memory_space<vmem>>) attributes {dimension_semantics = [], scalar_prefetch = 0 : i64, scratch_operands = 0 : i64, tpu.core_type = #tpu.core_type<tc>} {
    %get3A = arith.constant 0 : index
    %get3A_0 = arith.constant 0 : index
    %get3A_1 = arith.constant 0 : index
    %get3A_2 = vector.load %arg0[%get3A, %get3A_0, %get3A_1] : memref<2x10000x128xf32, #tpu.memory_space<vmem>>, vector<1x10000x128xf32>
    %get3A_3 = vector.shape_cast %get3A_2 : vector<1x10000x128xf32> to vector<10000x128xf32>
    %get3A_4 = arith.constant 1 : index
    %get3A_5 = arith.constant 0 : index
    %get3A_6 = arith.constant 0 : index
    %get3A_7 = vector.load %arg0[%get3A_4, %get3A_5, %get3A_6] : memref<2x10000x128xf32, #tpu.memory_space<vmem>>, vector<1x10000x128xf32>
    %get3A_8 = vector.shape_cast %get3A_7 : vector<1x10000x128xf32> to vector<10000x128xf32>
    %add3A = arith.addf %get3A_3, %get3A_8 : vector<10000x128xf32>
    %get3A_9 = arith.constant 0 : index
    %get3A_10 = arith.constant 0 : index
    %get3A_11 = vector.load %arg2[%get3A_9, %get3A_10] : memref<128x128xf32, #tpu.memory_space<vmem>>, vector<128x128xf32>
    %dot_general3A = arith.constant dense<0.000000e+00> : vector<10000x128xf32>
    %dot_general3A_12 = tpu.matmul %add3A, %get3A_11, %dot_general3A {dimension_numbers = #tpu.dot_dimension_numbers<[1], [0], [0], [1], [0, 0, 1, 1], [], []>, transpose_lhs_hint = false} : vector<10000x128xf32>, vector<128x128xf32>, vector<10000x128xf32> -> vector<10000x128xf32>
    %get3A_13 = arith.constant 0 : index
    %get3A_14 = arith.constant 0 : index
    %get3A_15 = vector.load %arg1[%get3A_13, %get3A_14] : memref<10000x128xf32, #tpu.memory_space<vmem>>, vector<10000x128xf32>
    %get3A_16 = arith.constant 0 : index
    %get3A_17 = arith.constant 0 : index
    %get3A_18 = vector.load %arg3[%get3A_16, %get3A_17] : memref<128x128xf32, #tpu.memory_space<vmem>>, vector<128x128xf32>
    %dot_general3A_19 = arith.constant dense<0.000000e+00> : vector<10000x128xf32>
    %dot_general3A_20 = tpu.matmul %get3A_15, %get3A_18, %dot_general3A_19 {dimension_numbers = #tpu.dot_dimension_numbers<[1], [0], [0], [1], [0, 0, 1, 1], [], []>, transpose_lhs_hint = false} : vector<10000x128xf32>, vector<128x128xf32>, vector<10000x128xf32> -> vector<10000x128xf32>
    %add3A_21 = arith.addf %dot_general3A_12, %dot_general3A_20 : vector<10000x128xf32>
    %get3A_22 = arith.constant 0 : index
    %get3A_23 = arith.constant 0 : index
    %get3A_24 = vector.load %arg4[%get3A_22, %get3A_23] : memref<1x128xf32, #tpu.memory_space<vmem>>, vector<1x128xf32>
    %add3A_25 = vector.broadcast %get3A_24 : vector<1x128xf32> to vector<10000x128xf32>
    %add3A_26 = arith.addf %add3A_21, %add3A_25 : vector<10000x128xf32>
    %max3A = arith.constant 0.000000e+00 : f32
    %max3A_27 = vector.broadcast %max3A : f32 to vector<10000x128xf32>
    %max3A_28 = arith.maximumf %add3A_26, %max3A_27 : vector<10000x128xf32>
    %mul3A = arith.mulf %max3A_28, %max3A_28 : vector<10000x128xf32>
    %reduce_sum3A = arith.constant dense<0.000000e+00> : vector<10000xf32>
    %reduce_sum3A_29 = vector.multi_reduction <add>, %mul3A, %reduce_sum3A [1] : vector<10000x128xf32> to vector<10000xf32>
    %broadcast_in_dim3A = vector.shape_cast %reduce_sum3A_29 : vector<10000xf32> to vector<10000x1xf32>
    %sqrt3A = math.sqrt %broadcast_in_dim3A : vector<10000x1xf32>
    %max3A_30 = arith.constant 9.99999996E-13 : f32
    %max3A_31 = vector.broadcast %max3A_30 : f32 to vector<10000x1xf32>
    %max3A_32 = arith.maximumf %sqrt3A, %max3A_31 : vector<10000x1xf32>
    %div3A = vector.broadcast %max3A_32 : vector<10000x1xf32> to vector<10000x128xf32>
    %div3A_33 = arith.divf %max3A_28, %div3A : vector<10000x128xf32>
    %swap3A = arith.constant 0 : index
    %swap3A_34 = arith.constant 0 : index
    %swap3A_35 = vector.load %arg7[%swap3A, %swap3A_34] : memref<10000x128xf32, #tpu.memory_space<vmem>>, vector<10000x128xf32>
    tpu.vector_store %arg7[%swap3A, %swap3A_34], %div3A_33 {strides = array<i32>} : memref<10000x128xf32, #tpu.memory_space<vmem>>, vector<10000x128xf32>,
    %get3A_36 = arith.constant 0 : index
    %get3A_37 = arith.constant 0 : index
    %get3A_38 = vector.load %arg5[%get3A_36, %get3A_37] : memref<128x128xf32, #tpu.memory_space<vmem>>, vector<128x128xf32>
    %dot_general3A_39 = arith.constant dense<0.000000e+00> : vector<10000x128xf32>
    %dot_general3A_40 = tpu.matmul %div3A_33, %get3A_38, %dot_general3A_39 {dimension_numbers = #tpu.dot_dimension_numbers<[1], [0], [0], [1], [0, 0, 1, 1], [], []>, transpose_lhs_hint = false} : vector<10000x128xf32>, vector<128x128xf32>, vector<10000x128xf32> -> vector<10000x128xf32>
    %get3A_41 = arith.constant 0 : index
    %get3A_42 = arith.constant 0 : index
    %get3A_43 = vector.load %arg6[%get3A_41, %get3A_42] : memref<1x128xf32, #tpu.memory_space<vmem>>, vector<1x128xf32>
    %add3A_44 = vector.broadcast %get3A_43 : vector<1x128xf32> to vector<10000x128xf32>
    %add3A_45 = arith.addf %dot_general3A_40, %add3A_44 : vector<10000x128xf32>
    %max3A_46 = arith.constant 0.000000e+00 : f32
    %max3A_47 = vector.broadcast %max3A_46 : f32 to vector<10000x128xf32>
    %max3A_48 = arith.maximumf %add3A_45, %max3A_47 : vector<10000x128xf32>
    %swap3A_49 = arith.constant 0 : index
    %swap3A_50 = arith.constant 0 : index
    %swap3A_51 = vector.load %arg8[%swap3A_49, %swap3A_50] : memref<10000x128xf32, #tpu.memory_space<vmem>>, vector<10000x128xf32>
    tpu.vector_store %arg8[%swap3A_49, %swap3A_50], %max3A_48 {strides = array<i32>} : memref<10000x128xf32, #tpu.memory_space<vmem>>, vector<10000x128xf32>,
    return
  }
}

module attributes {stable_mosaic.version = 14 : i64} {
  func.func @_tc_agg(%arg0: memref<2x10000x128xf32, #tpu.memory_space<vmem>>, %arg1: memref<10000x128xf32, #tpu.memory_space<vmem>>, %arg2: memref<128x128xf32, #tpu.memory_space<vmem>>, %arg3: memref<128x128xf32, #tpu.memory_space<vmem>>, %arg4: memref<1x128xf32, #tpu.memory_space<vmem>>, %arg5: memref<10000x128xf32, #tpu.memory_space<vmem>>) attributes {dimension_semantics = [], scalar_prefetch = 0 : i64, scratch_operands = 0 : i64, tpu.core_type = #tpu.core_type<tc>} {
    %get3A = arith.constant 0 : index
    %get3A_0 = arith.constant 0 : index
    %get3A_1 = arith.constant 0 : index
    %get3A_2 = vector.load %arg0[%get3A, %get3A_0, %get3A_1] : memref<2x10000x128xf32, #tpu.memory_space<vmem>>, vector<1x10000x128xf32>
    %get3A_3 = vector.shape_cast %get3A_2 : vector<1x10000x128xf32> to vector<10000x128xf32>
    %get3A_4 = arith.constant 1 : index
    %get3A_5 = arith.constant 0 : index
    %get3A_6 = arith.constant 0 : index
    %get3A_7 = vector.load %arg0[%get3A_4, %get3A_5, %get3A_6] : memref<2x10000x128xf32, #tpu.memory_space<vmem>>, vector<1x10000x128xf32>
    %get3A_8 = vector.shape_cast %get3A_7 : vector<1x10000x128xf32> to vector<10000x128xf32>
    %add3A = arith.addf %get3A_3, %get3A_8 : vector<10000x128xf32>
    %get3A_9 = arith.constant 0 : index
    %get3A_10 = arith.constant 0 : index
    %get3A_11 = vector.load %arg2[%get3A_9, %get3A_10] : memref<128x128xf32, #tpu.memory_space<vmem>>, vector<128x128xf32>
    %dot_general3A = arith.constant dense<0.000000e+00> : vector<10000x128xf32>
    %dot_general3A_12 = tpu.matmul %add3A, %get3A_11, %dot_general3A {dimension_numbers = #tpu.dot_dimension_numbers<[1], [0], [0], [1], [0, 0, 1, 1], [], []>, transpose_lhs_hint = false} : vector<10000x128xf32>, vector<128x128xf32>, vector<10000x128xf32> -> vector<10000x128xf32>
    %get3A_13 = arith.constant 0 : index
    %get3A_14 = arith.constant 0 : index
    %get3A_15 = vector.load %arg1[%get3A_13, %get3A_14] : memref<10000x128xf32, #tpu.memory_space<vmem>>, vector<10000x128xf32>
    %get3A_16 = arith.constant 0 : index
    %get3A_17 = arith.constant 0 : index
    %get3A_18 = vector.load %arg3[%get3A_16, %get3A_17] : memref<128x128xf32, #tpu.memory_space<vmem>>, vector<128x128xf32>
    %dot_general3A_19 = arith.constant dense<0.000000e+00> : vector<10000x128xf32>
    %dot_general3A_20 = tpu.matmul %get3A_15, %get3A_18, %dot_general3A_19 {dimension_numbers = #tpu.dot_dimension_numbers<[1], [0], [0], [1], [0, 0, 1, 1], [], []>, transpose_lhs_hint = false} : vector<10000x128xf32>, vector<128x128xf32>, vector<10000x128xf32> -> vector<10000x128xf32>
    %add3A_21 = arith.addf %dot_general3A_12, %dot_general3A_20 : vector<10000x128xf32>
    %get3A_22 = arith.constant 0 : index
    %get3A_23 = arith.constant 0 : index
    %get3A_24 = vector.load %arg4[%get3A_22, %get3A_23] : memref<1x128xf32, #tpu.memory_space<vmem>>, vector<1x128xf32>
    %add3A_25 = vector.broadcast %get3A_24 : vector<1x128xf32> to vector<10000x128xf32>
    %add3A_26 = arith.addf %add3A_21, %add3A_25 : vector<10000x128xf32>
    %max3A = arith.constant 0.000000e+00 : f32
    %max3A_27 = vector.broadcast %max3A : f32 to vector<10000x128xf32>
    %max3A_28 = arith.maximumf %add3A_26, %max3A_27 : vector<10000x128xf32>
    %mul3A = arith.mulf %max3A_28, %max3A_28 : vector<10000x128xf32>
    %reduce_sum3A = arith.constant dense<0.000000e+00> : vector<10000xf32>
    %reduce_sum3A_29 = vector.multi_reduction <add>, %mul3A, %reduce_sum3A [1] : vector<10000x128xf32> to vector<10000xf32>
    %broadcast_in_dim3A = vector.shape_cast %reduce_sum3A_29 : vector<10000xf32> to vector<10000x1xf32>
    %sqrt3A = math.sqrt %broadcast_in_dim3A : vector<10000x1xf32>
    %max3A_30 = arith.constant 9.99999996E-13 : f32
    %max3A_31 = vector.broadcast %max3A_30 : f32 to vector<10000x1xf32>
    %max3A_32 = arith.maximumf %sqrt3A, %max3A_31 : vector<10000x1xf32>
    %div3A = vector.broadcast %max3A_32 : vector<10000x1xf32> to vector<10000x128xf32>
    %div3A_33 = arith.divf %max3A_28, %div3A : vector<10000x128xf32>
    %swap3A = arith.constant 0 : index
    %swap3A_34 = arith.constant 0 : index
    %swap3A_35 = vector.load %arg5[%swap3A, %swap3A_34] : memref<10000x128xf32, #tpu.memory_space<vmem>>, vector<10000x128xf32>
    tpu.vector_store %arg5[%swap3A, %swap3A_34], %div3A_33 {strides = array<i32>} : memref<10000x128xf32, #tpu.memory_space<vmem>>, vector<10000x128xf32>,
    return
  }
}

module attributes {stable_mosaic.version = 14 : i64} {
  func.func @_tc_head(%arg0: memref<2x10000x128xf32, #tpu.memory_space<vmem>>, %arg1: memref<256x128xf32, #tpu.memory_space<vmem>>, %arg2: memref<128x2xf32, #tpu.memory_space<vmem>>, %arg3: memref<1x128xf32, #tpu.memory_space<vmem>>, %arg4: memref<1x2xf32, #tpu.memory_space<vmem>>, %arg5: memref<10000x2xf32, #tpu.memory_space<vmem>>) attributes {dimension_semantics = [], scalar_prefetch = 0 : i64, scratch_operands = 0 : i64, tpu.core_type = #tpu.core_type<tc>} {
    %get3A = arith.constant 0 : index
    %get3A_0 = arith.constant 0 : index
    %get3A_1 = vector.load %arg1[%get3A, %get3A_0] : memref<256x128xf32, #tpu.memory_space<vmem>>, vector<256x128xf32>
    %get3A_2 = arith.constant 0 : index
    %get3A_3 = arith.constant 0 : index
    %get3A_4 = vector.load %arg2[%get3A_2, %get3A_3] : memref<128x2xf32, #tpu.memory_space<vmem>>, vector<128x2xf32>
    %dot_general3A = arith.constant dense<0.000000e+00> : vector<256x2xf32>
    %dot_general3A_5 = tpu.matmul %get3A_1, %get3A_4, %dot_general3A {dimension_numbers = #tpu.dot_dimension_numbers<[1], [0], [0], [1], [0, 0, 1, 1], [], []>, transpose_lhs_hint = false} : vector<256x128xf32>, vector<128x2xf32>, vector<256x2xf32> -> vector<256x2xf32>
    %get3A_6 = arith.constant 0 : index
    %get3A_7 = arith.constant 0 : index
    %get3A_8 = vector.load %arg3[%get3A_6, %get3A_7] : memref<1x128xf32, #tpu.memory_space<vmem>>, vector<1x128xf32>
    %get3A_9 = arith.constant 0 : index
    %get3A_10 = arith.constant 0 : index
    %get3A_11 = vector.load %arg2[%get3A_9, %get3A_10] : memref<128x2xf32, #tpu.memory_space<vmem>>, vector<128x2xf32>
    %dot_general3A_12 = arith.constant dense<0.000000e+00> : vector<1x2xf32>
    %dot_general3A_13 = tpu.matmul %get3A_8, %get3A_11, %dot_general3A_12 {dimension_numbers = #tpu.dot_dimension_numbers<[1], [0], [0], [1], [0, 0, 1, 1], [], []>, transpose_lhs_hint = false} : vector<1x128xf32>, vector<128x2xf32>, vector<1x2xf32> -> vector<1x2xf32>
    %get3A_14 = arith.constant 0 : index
    %get3A_15 = arith.constant 0 : index
    %get3A_16 = vector.load %arg4[%get3A_14, %get3A_15] : memref<1x2xf32, #tpu.memory_space<vmem>>, vector<1x2xf32>
    %add3A = arith.addf %dot_general3A_13, %get3A_16 : vector<1x2xf32>
    %get3A_17 = arith.constant 0 : index
    %get3A_18 = arith.constant 0 : index
    %get3A_19 = arith.constant 0 : index
    %get3A_20 = vector.load %arg0[%get3A_17, %get3A_18, %get3A_19] : memref<2x10000x128xf32, #tpu.memory_space<vmem>>, vector<1x10000x128xf32>
    %get3A_21 = vector.shape_cast %get3A_20 : vector<1x10000x128xf32> to vector<10000x128xf32>
    %slice3A = vector.extract_strided_slice %dot_general3A_5 {offsets = [0, 0], sizes = [128, 2], strides = [1, 1]} : vector<256x2xf32> to vector<128x2xf32>
    %dot_general3A_22 = arith.constant dense<0.000000e+00> : vector<10000x2xf32>
    %dot_general3A_23 = tpu.matmul %get3A_21, %slice3A, %dot_general3A_22 {dimension_numbers = #tpu.dot_dimension_numbers<[1], [0], [0], [1], [0, 0, 1, 1], [], []>, transpose_lhs_hint = false} : vector<10000x128xf32>, vector<128x2xf32>, vector<10000x2xf32> -> vector<10000x2xf32>
    %get3A_24 = arith.constant 1 : index
    %get3A_25 = arith.constant 0 : index
    %get3A_26 = arith.constant 0 : index
    %get3A_27 = vector.load %arg0[%get3A_24, %get3A_25, %get3A_26] : memref<2x10000x128xf32, #tpu.memory_space<vmem>>, vector<1x10000x128xf32>
    %get3A_28 = vector.shape_cast %get3A_27 : vector<1x10000x128xf32> to vector<10000x128xf32>
    %slice3A_29 = vector.extract_strided_slice %dot_general3A_5 {offsets = [128, 0], sizes = [128, 2], strides = [1, 1]} : vector<256x2xf32> to vector<128x2xf32>
    %dot_general3A_30 = arith.constant dense<0.000000e+00> : vector<10000x2xf32>
    %dot_general3A_31 = tpu.matmul %get3A_28, %slice3A_29, %dot_general3A_30 {dimension_numbers = #tpu.dot_dimension_numbers<[1], [0], [0], [1], [0, 0, 1, 1], [], []>, transpose_lhs_hint = false} : vector<10000x128xf32>, vector<128x2xf32>, vector<10000x2xf32> -> vector<10000x2xf32>
    %add3A_32 = arith.addf %dot_general3A_23, %dot_general3A_31 : vector<10000x2xf32>
    %add3A_33 = vector.broadcast %add3A : vector<1x2xf32> to vector<10000x2xf32>
    %add3A_34 = arith.addf %add3A_32, %add3A_33 : vector<10000x2xf32>
    %slice3A_35 = vector.extract_strided_slice %add3A_34 {offsets = [0, 0], sizes = [10000, 1], strides = [1, 1]} : vector<10000x2xf32> to vector<10000x1xf32>
    %slice3A_36 = vector.extract_strided_slice %add3A_34 {offsets = [0, 1], sizes = [10000, 1], strides = [1, 1]} : vector<10000x2xf32> to vector<10000x1xf32>
    %max3A = arith.maximumf %slice3A_35, %slice3A_36 : vector<10000x1xf32>
    %sub3A = arith.subf %slice3A_35, %max3A : vector<10000x1xf32>
    %exp3A = math.exp %sub3A : vector<10000x1xf32>
    %sub3A_37 = arith.subf %slice3A_36, %max3A : vector<10000x1xf32>
    %exp3A_38 = math.exp %sub3A_37 : vector<10000x1xf32>
    %add3A_39 = arith.addf %exp3A, %exp3A_38 : vector<10000x1xf32>
    %log3A = math.log %add3A_39 : vector<10000x1xf32>
    %add3A_40 = arith.addf %max3A, %log3A : vector<10000x1xf32>
    %sub3A_41 = arith.subf %slice3A_35, %add3A_40 : vector<10000x1xf32>
    %sub3A_42 = arith.subf %slice3A_36, %add3A_40 : vector<10000x1xf32>
    %concatenate3A = tpu.concatenate %sub3A_41, %sub3A_42 in 1 : vector<10000x1xf32>, vector<10000x1xf32> -> vector<10000x2xf32>
    %swap3A = arith.constant 0 : index
    %swap3A_43 = arith.constant 0 : index
    %swap3A_44 = vector.load %arg5[%swap3A, %swap3A_43] : memref<10000x2xf32, #tpu.memory_space<vmem>>, vector<10000x2xf32>
    tpu.vector_store %arg5[%swap3A, %swap3A_43], %concatenate3A {strides = array<i32>} : memref<10000x2xf32, #tpu.memory_space<vmem>>, vector<10000x2xf32>,
    return
  }
}

</mosaic_0001>

<sc_bundles>
// kernel: kernel.12.cloned.1.call-start
scs
__scs_entry_jumppad:
0x0: {  	(pc) =	sbr.rel $0x88, $3  }
0x1: {  	(tag) =	ssettag $0x0;
	lr =	simm.s32 $0x1  }
0x2: {  	[smem:$0x3F92] =	sst lr;
	_ =	strace $0xD0000000  }
0x3: {  	_ = 	snop  }
0x4: {  	_ = 	snop  }
0x5: {  	_ = 	snop  }
0x6: {  	_ = 	snop  }
0x7: {  	_ = 	snop  }
__scs_overlays_trampoline_lowered:
0x8: {  	[smem:$0x3FA1] =	sst s0  }
0x9: {  	[smem:$0x3FA2] =	sst s1  }
0xa: {  	[smem:$0x3FA3] =	sst s2  }
0xb: {  	[smem:$0x3FA4] =	sst s3  }
0xc: {  	[smem:$0x3FA5] =	sst s4  }
0xd: {  	[smem:$0x3FA6] =	sst s5  }
0xe: {  	[smem:$0x3FA7] =	sst s6  }
0xf: {  	[smem:$0x3FA8] =	sst s7  }
0x10: {  	[smem:$0x3FA9] =	sst s8  }
0x11: {  	[smem:$0x3FAA] =	sst s9;
	s0 =	simm.s32 @!p0 $0x0  }
0x12: {  	s1 =	sld [smem:$0x3F90];
	s0 =	simm.s32 @p0 $0x1  }
0x13: {  	[smem:$0x3FAB] =	sst s0;
	s0 =	simm.s32 @!p1 $0x0  }
0x14: {  	s2 =	sld [smem:$0x3F8F];
	s0 =	simm.s32 @p1 $0x1  }
0x15: {  	[smem:$0x3FAC] =	sst s0;
	s0 =	simm.s32 @!p2 $0x0  }
0x16: {  	s3 =	sld [smem:$0x3FDB];
	s0 =	simm.s32 @p2 $0x1  }
0x17: {  	s4 =	simm.s32 $0x1BF5;
	[smem:$0x3FAE] =	sst s0  }
0x18: {  	s0 =	sld [smem:$0x3F91];
	_ =	swait.ge [sflag:s4], $0x0  }
0x19: {  	s7 =	sld [smem:$0x3F92]  }
0x1a: {  	s8 =	sadd.s32 $0xFFFFE003, lr  }
0x1b: {  	s9 =	sadd.s32 $0xFFFFFEF7, lr;
	s5 =	simm.s32 $0xFFFFFFFF;
	p2 =	slt.u32 s8, $0xFFFFF086  }
0x1c: {  	p1 =	slt.u32 s9, $0xF7A;
	s5 =	simm.s32 @!p2 $0x0  }
0x1d: {  	s5 =	simm.s32 @p1 $0x1;
	p0 =	seq.s32 s7, s2  }
0x1e: {  	s7 =	smul.u32 @!p0 $0xF7A, s2;
	p2 =	seq.s32 @!p0 s5, $0x0  }
0x1f: {  	s9 =	smul.u32 $0xF7A, s1;
	s8 =	simm.s32 @!p0 $0x1BF5;
	p2 =	por !p2, p0  }
0x20: {  	[sflag:s8] =	ssyncset.s32 @!p0 $0xFFFFF086;
	s6 =	sadd.s32 @!p0 s3, s7;
	s7 =	simm.s32 @!p0 $0x108  }
0x21: {  	s3 =	sadd.s32 s3, s9;
	s6 =	sadd.s32 @!p0 $0x88, s6;
	s7 =	simm.s32 @p2 $0x1082  }
0x22: {  	[simem:s7], [sflag:s8] =	dma.local @!p0 [hbm:s6], $0xF7A  }
0x23: {  	s9 =	sor.u32 $0xD0000000, s2;
	s6 =	simm.s32 $0x108;
	_ =	swait.ge @!p0 [sflag:s8], $0x0  }
0x24: {  	s3 =	sadd.s32 $0x88, s3;
	s6 =	simm.s32 @!p1 $0x1082;
	[sflag:s4] =	ssyncset.s32 $0xFFFFF086  }
0x25: {  	[simem:s6], [sflag:s4] =	dma.local [hbm:s3], $0xF7A  }
0x26: {  	[smem:$0x3F92] =	sst s1;
	(tag) =	ssettag s2;
	_ =	strace s9  }
0x27: {  	s1 =	sld [smem:$0x3FA2]  }
0x28: {  	s2 =	sld [smem:$0x3FA3]  }
0x29: {  	s4 =	sld [smem:$0x3FA5]  }
0x2a: {  	p0 =	seq.s32 s5, $0x0;
	s5 =	sld [smem:$0x3FA6]  }
0x2b: {  	s6 =	sld [smem:$0x3FA7]  }
0x2c: {  	s7 =	sld [smem:$0x3FA8]  }
0x2d: {  	s3 =	simm.s32 $0x108;
	s8 =	sld [smem:$0x3FA9]  }
0x2e: {  	s3 =	simm.s32 @!p0 $0x1082;
	s9 =	sld [smem:$0x3FAA]  }
0x2f: {  	lr =	sadd.s32 s0, s3;
	s0 =	sld [smem:$0x3FA1]  }
0x30: {  	s3 =	sld [smem:$0x3FA4]  }
0x31: {  	[smem:$0x3FAD] =	sst s10  }
0x32: {  	s10 =	sld [smem:$0x3FAB];
	_ =	sdelay $0x3  }
0x33: {  	p0 =	seq.s32 s10, $0x1;
	s10 =	sld [smem:$0x3FAD];
	_ =	sdelay $0x3  }
0x34: {  	[smem:$0x3FAD] =	sst s10  }
0x35: {  	s10 =	sld [smem:$0x3FAC];
	_ =	sdelay $0x3  }
0x36: {  	p1 =	seq.s32 s10, $0x1;
	s10 =	sld [smem:$0x3FAD];
	_ =	sdelay $0x3  }
0x37: {  	[smem:$0x3FAD] =	sst s10  }
0x38: {  	s10 =	sld [smem:$0x3FAE]  }
0x39: {  	_ = 	snop;
	(pc) =	sbr.ind lr, $3  }
0x3a: {  	_ = 	snop  }
0x3b: {  	_ = 	snop  }
0x3c: {  	p2 =	seq.s32 s10, $0x1;
	s10 =	sld [smem:$0x3FAD]  }
0x3d: {  	_ =	shalt  }
0x3e: {  	_ =	shalt  }
0x3f: {  	_ =	shalt  }
0x40: {  	_ =	shalt  }
0x41: {  	_ =	shalt  }
0x42: {  	_ =	shalt  }
0x43: {  	_ =	shalt  }
0x44: {  	_ =	shalt  }
0x45: {  	_ =	shalt  }
0x46: {  	_ =	shalt  }
0x47: {  	_ =	shalt  }
0x48: {  	_ =	shalt  }
0x49: {  	_ =	shalt  }
0x4a: {  	_ =	shalt  }
0x4b: {  	_ =	shalt  }
0x4c: {  	_ =	shalt  }
0x4d: {  	_ =	shalt  }
0x4e: {  	_ =	shalt  }
0x4f: {  	_ =	shalt  }
0x50: {  	_ =	shalt  }
0x51: {  	_ =	shalt  }
0x52: {  	_ =	shalt  }
0x53: {  	_ =	shalt  }
0x54: {  	_ =	shalt  }
0x55: {  	_ =	shalt  }
0x56: {  	_ =	shalt  }
0x57: {  	_ =	shalt  }
0x58: {  	_ =	shalt  }
0x59: {  	_ =	shalt  }
0x5a: {  	_ =	shalt  }
0x5b: {  	_ =	shalt  }
0x5c: {  	_ =	shalt  }
0x5d: {  	_ =	shalt  }
0x5e: {  	_ =	shalt  }
0x5f: {  	_ =	shalt  }
0x60: {  	_ =	shalt  }
0x61: {  	_ =	shalt  }
0x62: {  	_ =	shalt  }
0x63: {  	_ =	shalt  }
0x64: {  	_ =	shalt  }
0x65: {  	_ =	shalt  }
0x66: {  	_ =	shalt  }
0x67: {  	_ =	shalt  }
0x68: {  	_ =	shalt  }
0x69: {  	_ =	shalt  }
0x6a: {  	_ =	shalt  }
0x6b: {  	_ =	shalt  }
0x6c: {  	_ =	shalt  }
0x6d: {  	_ =	shalt  }
0x6e: {  	_ =	shalt  }
0x6f: {  	_ =	shalt  }
0x70: {  	_ =	shalt  }
0x71: {  	_ =	shalt  }
0x72: {  	_ =	shalt  }
0x73: {  	_ =	shalt  }
0x74: {  	_ =	shalt  }
0x75: {  	_ =	shalt  }
0x76: {  	_ =	shalt  }
0x77: {  	_ =	shalt  }
0x78: {  	_ =	shalt  }
0x79: {  	_ =	shalt  }
0x7a: {  	_ =	shalt  }
0x7b: {  	_ =	shalt  }
0x7c: {  	_ =	shalt  }
0x7d: {  	_ =	shalt  }
0x7e: {  	_ =	shalt  }
0x7f: {  	_ =	shalt  }
0x80: {  	_ =	shalt  }
0x81: {  	_ =	shalt  }
0x82: {  	_ =	shalt  }
0x83: {  	_ =	shalt  }
0x84: {  	_ =	shalt  }
0x85: {  	_ =	shalt  }
0x86: {  	_ =	shalt  }
0x87: {  	_ =	shalt  }
.Lfunc_end0:
.L_simem_size_0:
called_computation.1_lowered:
.L_overlay_start_0:
0x88: {  	s2 =	sld [smem:$0x3FD9]  }
0x89: {  	s3 =	sld [smem:$0x3FFE];
	_ =	sdelay $0x1  }
0x8a: {  	s1 =	srdreg.scid  }
0x8b: {  	s0 =	sand.u32 $0x1, s1  }
0x8c: {  	s16 =	sshll.u32 s0, $0xA;
	s2 =	sadd.s32 s3, s2  }
0x8d: {  	s2 =	sadd.s32 s2, s16  }
0x8e: {  	[smem:$0x3FB9] =	sst s2  }
0x8f: {  	_ = 	snop  }
0x90: {  	(tm) =	ssettm $0x1  }
0x91: {  	s17 =	sld [smem:$0x3FFB];
	_ =	sdelay $0x3  }
0x92: {  	_ =	strace s17  }
0x93: {  	s2 =	sld [smem:$0x3FFC];
	_ =	sdelay $0x3  }
0x94: {  	_ =	strace s2  }
0x95: {  	s2 =	sld [smem:$0x3FFD];
	_ =	sdelay $0x3  }
0x96: {  	_ =	strace s2  }
0x97: {  	_ =	strace $0x8FFFFFFF  }
0x98: {  	s18 =	sld [smem:$0x3FDB];
	_ =	sdelay $0x1  }
0x99: {  	s19 =	simm.s32 $_scs_section_size  }
0x9a: {  	s4 =	simm.s32 $_size__tile_overlayer_lowered;
	s5 =	simm.s32 $_tile_overlayer_lowered  }
0x9b: {  	s22 =	simm.s32 $0x1BFF;
	s21 =	sshll.u32 s5, $0x1;
	s2 =	sadd.s32 s19, s18  }
0x9c: {  	s6 =	simm.s32 $0x0;
	s20 =	sshll.u32 s4, $0x1;
	s4 =	sadd.s32 s21, s2  }
0x9d: {  	[timem:s6], [sflag:s22] =	dma.local [hbm:s4], s20  }
0x9e: {  	_ =	swait.ge [sflag:s22], s20  }
0x9f: {  	s3 =	ssub.s32 $0x0, s20;
	[sflag:s22] =	ssyncset.done $0x0  }
0xa0: {  	[sflag:s22] =	ssyncadd.s32 s3;
	_ =	sdelay $0x1  }
0xa1: {  	s23 =	simm.s32 $0x1B8B  }
0xa2: {  	_ =	swait.ge [sflag:s23], $0x1  }
0xa3: {  	[sflag:s23] =	ssyncset.done $0x0  }
0xa4: {  	s25 =	simm.s32 $0x1B8E;
	s24 =	sld [smem:$0x3FFE];
	[sflag:s23] =	ssyncadd.s32 $0xFFFFFFFF  }
0xa5: {  	s26 =	simm.s32 $execute0_lowered;
	[smem:$0x3FD2] =	sst s25  }
0xa6: {  	s4 =	sshll.u32 s26, $0x1;
	_ =	strace $0x80000049;
	[dreg:$0x1] =	wrdreg $0xFFFFFFFF  }
0xa7: {  	s28 =	simm.s32 $_size_execute0_lowered;
	s2 =	sadd.s32 s2, s4;
	[dreg:$0x0] =	wrdreg $0x0  }
0xa8: {  	s4 =	sshll.u32 s28, $0x1;
	[dreg:$0x2] =	wrdreg s2  }
0xa9: {  	[dreg:$0x3] =	wrdreg s4  }
0xaa: {  	[dreg:$0x4] =	wrdreg $0xC0  }
0xab: {  	_ =	task [dreg:s6], $0x5FFFF  }
0xac: {  	[dreg:$0x1] =	wrdreg $0xFFFFFFFF  }
0xad: {  	[dreg:$0x0] =	wrdreg $0x60  }
0xae: {  	[dreg:$0x2] =	wrdreg s24  }
0xaf: {  	[dreg:$0x3] =	wrdreg $0xBC000  }
0xb0: {  	[dreg:$0x4] =	wrdreg $0x9  }
0xb1: {  	_ =	task.clear_ibuf [dreg:s6], $0x5FFFF;
	_ =	strace $0x90000049  }
0xb2: {  	s29 =	simm.s32 $0x9;
	_ =	strace $0x8000004B  }
0xb3: {  	_ =	swait.ge [sflag:s29], $0x1  }
0xb4: {  	[sflag:s29] =	ssyncadd.s32 $0xFFFFFFFF  }
0xb5: {  	_ =	strace $0x9000004B  }
0xb6: {  	_ =	sfence  }
0xb7: {  	s30 =	sld [smem:$0x0];
	_ =	sdelay $0x2  }
0xb8: {  	s31 =	sshll.u32 s1, $0xD;
	s1 =	sshrl.u32 s1, $0x2  }
0xb9: {  	s3 =	sand.u32 $0x4000, s31;
	s1 =	sadd.s32 s1, s30  }
0xba: {  	s0 =	sor.u32 s3, s0;
	s1 =	sshll.u32 s1, $0x11  }
0xbb: {  	s0 =	sor.u32 s1, s0  }
0xbc: {  	s0 =	sadd.s32 $0x8F2B, s0  }
0xbd: {  	[sflag:s0] =	ssyncadd.remote.s32 $0x1  }
0xbe: {  	_ =	sfence.sel $0xFFFF  }
0xbf: {  	[dreg:$0x0] =	wrdreg $0xFFFFFFFF;
	(pc) =	sbr.abs _section_cstart, $3  }
0xc0: {  	[dreg:$0x1] =	wrdreg $0xFFFFFFFF  }
0xc1: {  	_ =	task.clear_ibuf [dreg:s6], $0x2FFFF;
	_ =	strace $0x9FFFFFFF  }
0xc2: {  	(tm) =	ssettm $0x7FFFFFFF  }
0xc3: {  	_ =	shalt  }
tec
execute0_lowered:
.L_overlay_start_1:
0x0: {  	(tag) =	ssettag $0x1  }
0x1: {  	s0 =	srdreg.scid;
	s6 =	rddreg [dreg:$0x0]  }
0x2: {  	s14 =	stileid.u32;
	s2 =	rddreg [dreg:$0x1]  }
0x3: {  	s13 =	simm.s32 $0x3;
	s15 =	simm.s32 $0x3B80;
	s19 =	simm.s32 $0x3C00  }
0x4: {  	s21 =	simm.s32 $0x7C00;
	s22 =	simm.s32 $0x1;
	s23 =	simm.s32 $0x2  }
0x5: {  	s29 =	simm.s32 $0x10;
	s30 =	simm.s32 $0x2700;
	s31 =	simm.s32 $0x0  }
0x6: {  	s0 =	sand.u32 $0x1, s0;
	s5 =	sshll.u32 s14, $0x7;
	s11 =	smul.u32 $0x4F000, s14  }
0x7: {  	s12 =	sadd.s32 $0x128400, s2;
	s25 =	smul.u32 $0x2780, s14;
	p0 =	seq.s32 s14, $0xF  }
0x8: {  	s1 =	sshll.u32 s0, $0x4;
	s5 =	sand.u32 $0x380, s5;
	s9 =	smul.u32 $0x27100, s0  }
0x9: {  	s0 =	ssub.s32 $0x2, s0;
	s16 =	sshrl.u32 @p0 s12, $0x3;
	s1 =	sor.u32 s14, s1  }
0xa: {  	s10 =	sshrl.u32 s0, $0x1;
	s28 =	sshrl.u32 s11, $0x2;
	s11 =	simm.s32 $0x80  }
0xb: {  	s3 =	sshrl.u32 s1, $0x3;
	s7 =	smul.u32 $0x500, s1;
	s1 =	sshll.u32 s1, $0x4  }
0xc: {  	s9 =	sadd.s32 s9, s6;
	s0 =	ssub.s32 s0, s10;
	s4 =	smul.u32 $0x13C00, s3  }
0xd: {  	s3 =	simm.s32 $0x0;
	s1 =	sadd.s32 s1, s6;
	s9 =	sadd.s32 $0x40600, s9  }
0xe: {  	s10 =	smax.u32 s0, $0x1;
	s0 =	sshll.u32 @!p0 s14, $0x6;
	[smem:$0x7FF] =	sst s3  }
0xf: {  	s7 =	sadd.s32 s7, s6;
	s17 =	sor.u32 @!p0 $0x1C03, s0;
	s5 =	sor.u32 s5, s4  }
0x10: {  	s25 =	sadd.s32 @!p0 s25, s9;
	s4 =	sadd.s32 $0x16C00, s6;
	s5 =	sshrl.u32 s5, $0x3  }
0x11: {  	s7 =	sadd.s32 $0xCC00, s7;
	s8 =	sadd.s32 s5, s6;
	s5 =	sadd.s32 $0x3DE00, s6  }
0x12: {  	s6 =	sadd.s32 $0x2E00, s8;
	s8 =	sadd.s32 $0x2C00, s1;
	s1 =	sadd.s32 s28, s2  }
0x13: {  	_ =	strace $0x8000004A;
	s20 =	sadd.s32 $0x280, s7;
	s18 =	sshrl.u32 @!p0 s1, $0x3  }
.LBB2_1:
0x14: {  	s0 =	simm.s32 $0x400  }
0x15: {  	[tilespmem:s3], [sflag:$0x3] =	stream.strided.gather [hbm4b:s6+s11], $0x2780, s0, s11, $0x38;
	[tilespmem:$0x1F480] =	vst v63  }
0x16: {  	_ =	swait.ge [sflag:s13], $0x2780  }
0x17: {  	[sflag:s13] =	ssyncset.done $0x0  }
0x18: {  	s24 =	simm.s32 $0x2780;
	[sflag:s13] =	ssyncadd.s32 $0xFFFFD880  }
0x19: {  	[tilespmem:s24], [sflag:$0x3] =	stream.linear.gather [hbm4b:s7+s3], $0x1400, $0x38;
	[tilespmem:$0x1F480] =	vst v63  }
0x1a: {  	_ =	swait.ge [sflag:s13], $0x1400  }
0x1b: {  	[sflag:s13] =	ssyncset.done $0x0  }
0x1c: {  	[sflag:s13] =	ssyncadd.s32 $0xFFFFEC00  }
0x1d: {  	[tilespmem:s15], [sflag:$0x3] =	stream.linear.gather [hbm4b:s8+s3], $0x80, $0x38;
	[tilespmem:$0x1F480] =	vst v63  }
0x1e: {  	_ =	swait.ge [sflag:s13], $0x80  }
0x1f: {  	[sflag:s13] =	ssyncset.done $0x0  }
0x20: {  	s0 =	simm.s32 @p0 $0x1FC3;
	[sflag:s13] =	ssyncadd.s32 $0xFFFFFF80  }
0x21: {  	[spmem:s16], [sflag:s0] =	dma.local @p0 [hbm:s5], $0x2080  }
0x22: {  	s0 =	simm.s32 @p0 $0x3  }
0x23: {  	_ =	swait.ge @p0 [sflag:s0], $0x2080  }
0x24: {  	[sflag:s0] =	ssyncset.done @p0 $0x0  }
0x25: {  	[sflag:s0] =	ssyncadd.s32 @p0 $0xFFFFDF80;
	s0 =	simm.s32 @!p0 $0x3  }
0x26: {  	[spmem:s18], [sflag:s17] =	dma.local @!p0 [hbm:s5], $0x2780  }
0x27: {  	_ =	swait.ge @!p0 [sflag:s0], $0x2780  }
0x28: {  	[sflag:s0] =	ssyncset.done @!p0 $0x0  }
0x29: {  	[sflag:s0] =	ssyncadd.s32 @!p0 $0xFFFFD880  }
0x2a: {  	p1 =	por $0x1, $0x1;
	[bflag:$0x0] =	sbarrier.arrive $0xFFFF  }
0x2b: {  	[tilespmem:s19], [sflag:$0x1] =	stream.indirect.gather [hbm4b:s4+s11], $0x80, s3, s11, $0xb8;
	[tilespmem:$0x1F480] =	vst v63  }
0x2c: {  	s1 =	simm.s32 @!p1 $0x2780;
	s12 =	simm.s32 @!p1 $0x3;
	s0 =	simm.s32 @!p1 $0x0  }
0x2d: {  	[tilespmem:s1], [sflag:$0x3] =	stream.linear.gather @!p1 [hbm4b:s20+s0], $0x1400, $0x38;
	[tilespmem:$0x1F480] =	vst v63  }
0x2e: {  	_ =	swait.ge @!p1 [sflag:s12], $0x1400  }
0x2f: {  	s26 =	simm.s32 $0x80;
	s0 =	simm.s32 $0xFFFFB000;
	[sflag:s12] =	ssyncset.done @!p1 $0x0  }
0x30: {  	s1 =	simm.s32 $0x0;
	[sflag:s12] =	ssyncadd.s32 @!p1 $0xFFFFEC00;
	p1 =	por $0x0, $0x0  }
0x31: {  	[tilespmem:s21], [sflag:$0x2] =	stream.indirect.gather [hbm4b:s4+s11], $0x80, s26, s11, $0xb8;
	[tilespmem:$0x1F480] =	vst v63  }
0x32: {  	s1 =	smov.u32 @p1 s0;
	_ =	swait.ge [sflag:s22], $0x4000  }
0x33: {  	s0 =	sshra.s32 s1, $0x2;
	[sflag:s22] =	ssyncset.done $0x0  }
0x34: {  	s1 =	sadd.s32 $0x2780, s0;
	[sflag:s22] =	ssyncadd.s32 $0xFFFFC000  }
0x35: {  	[spmem:s2] =	stream.indirect.scatter.add.f32 [tilespmem:s19], [sflag:$0x3], $0x80, s1, s11, $0xb8;
	[tilespmem:$0x1F480] =	vst v63  }
0x36: {  	_ =	swait.ge [sflag:s13], $0x4000  }
0x37: {  	[sflag:s13] =	ssyncset.done $0x0  }
0x38: {  	s28 =	simm.s32 $0x100;
	[sflag:s13] =	ssyncadd.s32 $0xFFFFC000  }
0x39: {  	[tilespmem:s19], [sflag:$0x1] =	stream.indirect.gather [hbm4b:s4+s11], $0x80, s28, s11, $0xb8;
	[tilespmem:$0x1F480] =	vst v63  }
0x3a: {  	_ =	swait.ge [sflag:s23], $0x4000  }
0x3b: {  	p2 =	por $0x1, $0x1;
	[sflag:s23] =	ssyncset.done $0x0  }
0x3c: {  	s12 =	simm.s32 $0x800;
	s0 =	sadd.s32 $0x2800, s0;
	[sflag:s23] =	ssyncadd.s32 $0xFFFFC000  }
0x3d: {  	[spmem:s2] =	stream.indirect.scatter.add.f32 [tilespmem:s21], [sflag:$0x3], $0x80, s0, s11, $0xb8;
	[tilespmem:$0x1F480] =	vst v63  }
0x3e: {  	s1 =	simm.s32 $0x400;
	s0 =	simm.s32 $0x1;
	_ =	swait.ge [sflag:s13], $0x4000  }
.LBB2_2:
0x3f: {  	s14 =	simm.s32 @!p2 $0x0  }
0x40: {  	s24 =	simm.s32 @!p2 $0x2780;
	[sflag:s13] =	ssyncset.done $0x0;
	s26 =	smov.u32 s12  }
0x41: {  	s12 =	sadd.s32 $0x400, s12;
	s28 =	simm.s32 @!p2 $0x3;
	[sflag:s13] =	ssyncadd.s32 $0xFFFFC000  }
0x42: {  	[tilespmem:s24], [sflag:$0x3] =	stream.linear.gather @!p2 [hbm4b:s20+s14], $0x1400, $0x38;
	[tilespmem:$0x1F480] =	vst v63  }
0x43: {  	p1 =	sne.s32 s12, $0x9800;
	_ =	swait.ge @!p2 [sflag:s28], $0x1400  }
0x44: {  	s14 =	sshra.s32 s1, $0x2;
	s24 =	sadd.s32 $0xFFFFB000, s1;
	[sflag:s28] =	ssyncset.done @!p2 $0x0  }
0x45: {  	[sflag:s28] =	ssyncadd.s32 @!p2 $0xFFFFEC00;
	p2 =	sgt.u32 s0, $0x13;
	s28 =	sadd.s32 $0x80, s14  }
0x46: {  	[tilespmem:s21], [sflag:$0x2] =	stream.indirect.gather [hbm4b:s4+s11], $0x80, s28, s11, $0xb8;
	[tilespmem:$0x1F480] =	vst v63  }
0x47: {  	s28 =	smov.u32 s1  }
0x48: {  	s1 =	smov.u32 s26;
	_ =	swait.ge [sflag:s22], $0x4000;
	s28 =	smov.u32 @p2 s24  }
0x49: {  	[sflag:s22] =	ssyncset.done $0x0;
	s24 =	sshra.s32 s28, $0x2  }
0x4a: {  	[sflag:s22] =	ssyncadd.s32 $0xFFFFC000;
	s26 =	sadd.s32 $0x2780, s24  }
0x4b: {  	[spmem:s2] =	stream.indirect.scatter.add.f32 [tilespmem:s19], [sflag:$0x3], $0x80, s26, s11, $0xb8;
	[tilespmem:$0x1F480] =	vst v63  }
0x4c: {  	_ =	swait.ge [sflag:s13], $0x4000  }
0x4d: {  	[sflag:s13] =	ssyncset.done $0x0  }
0x4e: {  	s14 =	sadd.s32 $0x100, s14;
	[sflag:s13] =	ssyncadd.s32 $0xFFFFC000  }
0x4f: {  	[tilespmem:s19], [sflag:$0x1] =	stream.indirect.gather [hbm4b:s4+s11], $0x80, s14, s11, $0xb8;
	[tilespmem:$0x1F480] =	vst v63  }
.Ltmp0:
0x50: {  	_ =	swait.ge [sflag:s23], $0x4000;
	(pc) =	sbr.rel @p1 .LBB2_2-.Ltmp0, $4  }
0x51: {  	[sflag:s23] =	ssyncset.done $0x0  }
0x52: {  	s14 =	sadd.s32 $0x2800, s24;
	[sflag:s23] =	ssyncadd.s32 $0xFFFFC000  }
0x53: {  	[spmem:s2] =	stream.indirect.scatter.add.f32 [tilespmem:s21], [sflag:$0x3], $0x80, s14, s11, $0xb8;
	[tilespmem:$0x1F480] =	vst v63  }
0x54: {  	s0 =	sadd.s32 $0x1, s0;
	p2 =	sne.s32 s1, $0x5000;
	_ =	swait.ge [sflag:s13], $0x4000  }
0x55: {  	[sflag:s13] =	ssyncset.done $0x0  }
0x56: {  	s12 =	simm.s32 @!p2 $0x0;
	s14 =	simm.s32 @!p2 $0x2780;
	[sflag:s13] =	ssyncadd.s32 $0xFFFFC000  }
0x57: {  	[tilespmem:s14], [sflag:$0x3] =	stream.linear.gather @!p2 [hbm4b:s20+s12], $0x1400, $0x38;
	[tilespmem:$0x1F480] =	vst v63  }
0x58: {  	s12 =	simm.s32 @!p2 $0x3  }
0x59: {  	_ =	swait.ge @!p2 [sflag:s12], $0x1400  }
0x5a: {  	s26 =	sshra.s32 s1, $0x2;
	p1 =	sgt.u32 s0, $0x13;
	[sflag:s12] =	ssyncset.done @!p2 $0x0  }
0x5b: {  	s0 =	sadd.s32 $0xFFFFB000, s1;
	s28 =	sadd.s32 $0x80, s26;
	[sflag:s12] =	ssyncadd.s32 @!p2 $0xFFFFEC00  }
0x5c: {  	[tilespmem:s21], [sflag:$0x2] =	stream.indirect.gather [hbm4b:s4+s11], $0x80, s28, s11, $0xb8;
	[tilespmem:$0x1F480] =	vst v63  }
0x5d: {  	s1 =	smov.u32 @p1 s0;
	_ =	swait.ge [sflag:s22], $0x4000  }
0x5e: {  	s0 =	sshra.s32 s1, $0x2;
	[sflag:s22] =	ssyncset.done $0x0  }
0x5f: {  	s1 =	sadd.s32 $0x2780, s0;
	[sflag:s22] =	ssyncadd.s32 $0xFFFFC000  }
0x60: {  	[spmem:s2] =	stream.indirect.scatter.add.f32 [tilespmem:s19], [sflag:$0x3], $0x80, s1, s11, $0xb8;
	[tilespmem:$0x1F480] =	vst v63  }
0x61: {  	_ =	swait.ge [sflag:s13], $0x4000  }
0x62: {  	[sflag:s13] =	ssyncset.done $0x0  }
0x63: {  	s14 =	sadd.s32 $0x100, s26;
	[sflag:s13] =	ssyncadd.s32 $0xFFFFC000  }
0x64: {  	[tilespmem:s19], [sflag:$0x1] =	stream.indirect.gather [hbm4b:s4+s11], $0x80, s14, s11, $0xb8;
	[tilespmem:$0x1F480] =	vst v63  }
0x65: {  	_ =	swait.ge [sflag:s23], $0x4000  }
0x66: {  	[sflag:s23] =	ssyncset.done $0x0  }
0x67: {  	s0 =	sadd.s32 $0x2800, s0;
	[sflag:s23] =	ssyncadd.s32 $0xFFFFC000  }
0x68: {  	[spmem:s2] =	stream.indirect.scatter.add.f32 [tilespmem:s21], [sflag:$0x3], $0x80, s0, s11, $0xb8;
	[tilespmem:$0x1F480] =	vst v63  }
0x69: {  	_ =	swait.ge [sflag:s13], $0x4000  }
0x6a: {  	[sflag:s13] =	ssyncset.done $0x0  }
0x6b: {  	s24 =	simm.s32 $0x2680;
	[sflag:s13] =	ssyncadd.s32 $0xFFFFC000  }
0x6c: {  	[tilespmem:s21], [sflag:$0x2] =	stream.indirect.gather [hbm4b:s4+s11], $0x80, s24, s11, $0xb8;
	[tilespmem:$0x1F480] =	vst v63  }
0x6d: {  	_ =	swait.ge [sflag:s22], $0x4000  }
0x6e: {  	[sflag:s22] =	ssyncset.done $0x0  }
0x6f: {  	s26 =	simm.s32 $0x3980;
	[sflag:s22] =	ssyncadd.s32 $0xFFFFC000  }
0x70: {  	[spmem:s2] =	stream.indirect.scatter.add.f32 [tilespmem:s19], [sflag:$0x3], $0x80, s26, s11, $0xb8;
	[tilespmem:$0x1F480] =	vst v63  }
0x71: {  	_ =	swait.ge [sflag:s13], $0x4000  }
0x72: {  	[sflag:s13] =	ssyncset.done $0x0  }
0x73: {  	[sflag:s13] =	ssyncadd.s32 $0xFFFFC000  }
0x74: {  	_ =	swait.ge [sflag:s23], $0x4000  }
0x75: {  	[sflag:s23] =	ssyncset.done $0x0  }
0x76: {  	s28 =	simm.s32 $0x3A00;
	[sflag:s23] =	ssyncadd.s32 $0xFFFFC000  }
0x77: {  	[spmem:s2] =	stream.indirect.scatter.add.f32 [tilespmem:s21], [sflag:$0x3], $0x80, s28, s11, $0xb8;
	[tilespmem:$0x1F480] =	vst v63  }
0x78: {  	_ =	swait.ge [sflag:s13], $0x4000  }
0x79: {  	[sflag:s13] =	ssyncset.done $0x0  }
0x7a: {  	[sflag:s13] =	ssyncadd.s32 $0xFFFFC000  }
0x7b: {  	[tilespmem:s19], [sflag:$0x1] =	stream.indirect.gather [hbm4b:s4+s29], $0x80, s30, s29, $0xb8;
	[tilespmem:$0x1F480] =	vst v63  }
0x7c: {  	_ =	swait.ge [sflag:s22], $0x800  }
0x7d: {  	[sflag:s22] =	ssyncset.done $0x0  }
0x7e: {  	[sflag:s22] =	ssyncadd.s32 $0xFFFFF800  }
0x7f: {  	[spmem:s2] =	stream.indirect.scatter.add.f32 [tilespmem:s19], [sflag:$0x3], $0x80, s15, s29, $0xb8;
	[tilespmem:$0x1F480] =	vst v63  }
0x80: {  	_ =	swait.ge [sflag:s13], $0x800  }
0x81: {  	[sflag:s13] =	ssyncset.done $0x0  }
0x82: {  	[sflag:s13] =	ssyncadd.s32 $0xFFFFF800  }
0x83: {  	s1 =	simm.s32 @p0 $0x1FC3;
	s0 =	sadd.s32 @p0 $0x25080, s9;
	[bflag:$0x0] =	sbarrier.arrive $0xFFFF  }
0x84: {  	[hbm:s0], [sflag:s1] =	dma.local @p0 [spmem:s16], $0x2080  }
0x85: {  	s0 =	simm.s32 @p0 $0x3  }
0x86: {  	s31 =	sadd.s32 $0x1, s31;
	_ =	swait.ge @p0 [sflag:s0], $0x2080  }
0x87: {  	p1 =	sne.s32 s31, s10;
	[sflag:s0] =	ssyncset.done @p0 $0x0  }
.Ltmp1:
0x88: {  	[sflag:s0] =	ssyncadd.s32 @p0 $0xFFFFDF80;
	s0 =	simm.s32 @!p0 $0x3;
	(pc) =	sbr.rel @p1 .LBB2_1-.Ltmp1, $4  }
0x89: {  	[hbm:s25], [sflag:s17] =	dma.local @!p0 [spmem:s18], $0x2780  }
0x8a: {  	_ =	swait.ge @!p0 [sflag:s0], $0x2780  }
0x8b: {  	[sflag:s0] =	ssyncset.done @!p0 $0x0  }
0x8c: {  	[sflag:s0] =	ssyncadd.s32 @!p0 $0xFFFFD880  }
0x8d: {  	_ =	sfence.sel $0x180000  }
0x8e: {  	[bflag:$0x0] =	sbarrier.arrive $0xFFFF  }
0x8f: {  	_ =	strace $0x9000004A  }
0x90: {  	s0 =	stileid.u32;
	[bflag:$0x2] =	sbarrier.arrive $0xFFFF  }
0x91: {  	p0 =	sne.s32 s0, $0x0;
	s0 =	rddreg [dreg:$0x2]  }
0x92: {  	s0 =	sadd.s32 @!p0 $0x100000, s0  }
0x93: {  	[sflag:s0] =	ssyncadd.tile.s32 @!p0 $0x1;
	_ =	shalt  }
.Lfunc_end2:
_tile_overlayer_lowered:
.L_overlay_start_2:
0x94: {  	(tag) =	ssettag $0x2  }
0x95: {  	s0 =	rddreg [dreg:$0x0];
	s2 =	stileid.u32  }
0x96: {  	s1 =	rddreg [dreg:$0x1];
	p0 =	sne.s32 s2, $0x0  }
0x97: {  	s3 =	rddreg [dreg:$0x2];
	[bflag:$0x3] =	sbarrier.arrive $0xFFFF;
	s2 =	simm.s32 @!p0 $0x1C03  }
0x98: {  	[timem:s3], [sflag:s2] =	dma.local @!p0 [hbm:s0], s1  }
0x99: {  	s0 =	simm.s32 @!p0 $0x3  }
0x9a: {  	_ =	swait.ge @!p0 [sflag:s0], s1  }
0x9b: {  	s1 =	ssub.s32 @!p0 $0x0, s1;
	[sflag:s0] =	ssyncset.done @!p0 $0x0  }
0x9c: {  	[sflag:s0] =	ssyncadd.s32 @!p0 s1  }
0x9d: {  	[bflag:$0x3] =	sbarrier.arrive $0xFFFF  }
0x9e: {  	_ =	shalt  }

// kernel: kernel.15.cloned.1.call-start
scs
__scs_entry_jumppad:
0x0: {  	(pc) =	sbr.rel $0x88, $3  }
0x1: {  	(tag) =	ssettag $0x0;
	lr =	simm.s32 $0x1  }
0x2: {  	[smem:$0x3F92] =	sst lr;
	_ =	strace $0xD0000000  }
0x3: {  	_ = 	snop  }
0x4: {  	_ = 	snop  }
0x5: {  	_ = 	snop  }
0x6: {  	_ = 	snop  }
0x7: {  	_ = 	snop  }
__scs_overlays_trampoline_lowered:
0x8: {  	[smem:$0x3FA1] =	sst s0  }
0x9: {  	[smem:$0x3FA2] =	sst s1  }
0xa: {  	[smem:$0x3FA3] =	sst s2  }
0xb: {  	[smem:$0x3FA4] =	sst s3  }
0xc: {  	[smem:$0x3FA5] =	sst s4  }
0xd: {  	[smem:$0x3FA6] =	sst s5  }
0xe: {  	[smem:$0x3FA7] =	sst s6  }
0xf: {  	[smem:$0x3FA8] =	sst s7  }
0x10: {  	[smem:$0x3FA9] =	sst s8  }
0x11: {  	[smem:$0x3FAA] =	sst s9;
	s0 =	simm.s32 @!p0 $0x0  }
0x12: {  	s1 =	sld [smem:$0x3F90];
	s0 =	simm.s32 @p0 $0x1  }
0x13: {  	[smem:$0x3FAB] =	sst s0;
	s0 =	simm.s32 @!p1 $0x0  }
0x14: {  	s2 =	sld [smem:$0x3F8F];
	s0 =	simm.s32 @p1 $0x1  }
0x15: {  	[smem:$0x3FAC] =	sst s0;
	s0 =	simm.s32 @!p2 $0x0  }
0x16: {  	s3 =	sld [smem:$0x3FDB];
	s0 =	simm.s32 @p2 $0x1  }
0x17: {  	s4 =	simm.s32 $0x1BF5;
	[smem:$0x3FAE] =	sst s0  }
0x18: {  	s0 =	sld [smem:$0x3F91];
	_ =	swait.ge [sflag:s4], $0x0  }
0x19: {  	s7 =	sld [smem:$0x3F92]  }
0x1a: {  	s8 =	sadd.s32 $0xFFFFE003, lr  }
0x1b: {  	s9 =	sadd.s32 $0xFFFFFEF7, lr;
	s5 =	simm.s32 $0xFFFFFFFF;
	p2 =	slt.u32 s8, $0xFFFFF086  }
0x1c: {  	p1 =	slt.u32 s9, $0xF7A;
	s5 =	simm.s32 @!p2 $0x0  }
0x1d: {  	s5 =	simm.s32 @p1 $0x1;
	p0 =	seq.s32 s7, s2  }
0x1e: {  	s7 =	smul.u32 @!p0 $0xF7A, s2;
	p2 =	seq.s32 @!p0 s5, $0x0  }
0x1f: {  	s9 =	smul.u32 $0xF7A, s1;
	s8 =	simm.s32 @!p0 $0x1BF5;
	p2 =	por !p2, p0  }
0x20: {  	[sflag:s8] =	ssyncset.s32 @!p0 $0xFFFFF086;
	s6 =	sadd.s32 @!p0 s3, s7;
	s7 =	simm.s32 @!p0 $0x108  }
0x21: {  	s3 =	sadd.s32 s3, s9;
	s6 =	sadd.s32 @!p0 $0x88, s6;
	s7 =	simm.s32 @p2 $0x1082  }
0x22: {  	[simem:s7], [sflag:s8] =	dma.local @!p0 [hbm:s6], $0xF7A  }
0x23: {  	s9 =	sor.u32 $0xD0000000, s2;
	s6 =	simm.s32 $0x108;
	_ =	swait.ge @!p0 [sflag:s8], $0x0  }
0x24: {  	s3 =	sadd.s32 $0x88, s3;
	s6 =	simm.s32 @!p1 $0x1082;
	[sflag:s4] =	ssyncset.s32 $0xFFFFF086  }
0x25: {  	[simem:s6], [sflag:s4] =	dma.local [hbm:s3], $0xF7A  }
0x26: {  	[smem:$0x3F92] =	sst s1;
	(tag) =	ssettag s2;
	_ =	strace s9  }
0x27: {  	s1 =	sld [smem:$0x3FA2]  }
0x28: {  	s2 =	sld [smem:$0x3FA3]  }
0x29: {  	s4 =	sld [smem:$0x3FA5]  }
0x2a: {  	p0 =	seq.s32 s5, $0x0;
	s5 =	sld [smem:$0x3FA6]  }
0x2b: {  	s6 =	sld [smem:$0x3FA7]  }
0x2c: {  	s7 =	sld [smem:$0x3FA8]  }
0x2d: {  	s3 =	simm.s32 $0x108;
	s8 =	sld [smem:$0x3FA9]  }
0x2e: {  	s3 =	simm.s32 @!p0 $0x1082;
	s9 =	sld [smem:$0x3FAA]  }
0x2f: {  	lr =	sadd.s32 s0, s3;
	s0 =	sld [smem:$0x3FA1]  }
0x30: {  	s3 =	sld [smem:$0x3FA4]  }
0x31: {  	[smem:$0x3FAD] =	sst s10  }
0x32: {  	s10 =	sld [smem:$0x3FAB];
	_ =	sdelay $0x3  }
0x33: {  	p0 =	seq.s32 s10, $0x1;
	s10 =	sld [smem:$0x3FAD];
	_ =	sdelay $0x3  }
0x34: {  	[smem:$0x3FAD] =	sst s10  }
0x35: {  	s10 =	sld [smem:$0x3FAC];
	_ =	sdelay $0x3  }
0x36: {  	p1 =	seq.s32 s10, $0x1;
	s10 =	sld [smem:$0x3FAD];
	_ =	sdelay $0x3  }
0x37: {  	[smem:$0x3FAD] =	sst s10  }
0x38: {  	s10 =	sld [smem:$0x3FAE]  }
0x39: {  	_ = 	snop;
	(pc) =	sbr.ind lr, $3  }
0x3a: {  	_ = 	snop  }
0x3b: {  	_ = 	snop  }
0x3c: {  	p2 =	seq.s32 s10, $0x1;
	s10 =	sld [smem:$0x3FAD]  }
0x3d: {  	_ =	shalt  }
0x3e: {  	_ =	shalt  }
0x3f: {  	_ =	shalt  }
0x40: {  	_ =	shalt  }
0x41: {  	_ =	shalt  }
0x42: {  	_ =	shalt  }
0x43: {  	_ =	shalt  }
0x44: {  	_ =	shalt  }
0x45: {  	_ =	shalt  }
0x46: {  	_ =	shalt  }
0x47: {  	_ =	shalt  }
0x48: {  	_ =	shalt  }
0x49: {  	_ =	shalt  }
0x4a: {  	_ =	shalt  }
0x4b: {  	_ =	shalt  }
0x4c: {  	_ =	shalt  }
0x4d: {  	_ =	shalt  }
0x4e: {  	_ =	shalt  }
0x4f: {  	_ =	shalt  }
0x50: {  	_ =	shalt  }
0x51: {  	_ =	shalt  }
0x52: {  	_ =	shalt  }
0x53: {  	_ =	shalt  }
0x54: {  	_ =	shalt  }
0x55: {  	_ =	shalt  }
0x56: {  	_ =	shalt  }
0x57: {  	_ =	shalt  }
0x58: {  	_ =	shalt  }
0x59: {  	_ =	shalt  }
0x5a: {  	_ =	shalt  }
0x5b: {  	_ =	shalt  }
0x5c: {  	_ =	shalt  }
0x5d: {  	_ =	shalt  }
0x5e: {  	_ =	shalt  }
0x5f: {  	_ =	shalt  }
0x60: {  	_ =	shalt  }
0x61: {  	_ =	shalt  }
0x62: {  	_ =	shalt  }
0x63: {  	_ =	shalt  }
0x64: {  	_ =	shalt  }
0x65: {  	_ =	shalt  }
0x66: {  	_ =	shalt  }
0x67: {  	_ =	shalt  }
0x68: {  	_ =	shalt  }
0x69: {  	_ =	shalt  }
0x6a: {  	_ =	shalt  }
0x6b: {  	_ =	shalt  }
0x6c: {  	_ =	shalt  }
0x6d: {  	_ =	shalt  }
0x6e: {  	_ =	shalt  }
0x6f: {  	_ =	shalt  }
0x70: {  	_ =	shalt  }
0x71: {  	_ =	shalt  }
0x72: {  	_ =	shalt  }
0x73: {  	_ =	shalt  }
0x74: {  	_ =	shalt  }
0x75: {  	_ =	shalt  }
0x76: {  	_ =	shalt  }
0x77: {  	_ =	shalt  }
0x78: {  	_ =	shalt  }
0x79: {  	_ =	shalt  }
0x7a: {  	_ =	shalt  }
0x7b: {  	_ =	shalt  }
0x7c: {  	_ =	shalt  }
0x7d: {  	_ =	shalt  }
0x7e: {  	_ =	shalt  }
0x7f: {  	_ =	shalt  }
0x80: {  	_ =	shalt  }
0x81: {  	_ =	shalt  }
0x82: {  	_ =	shalt  }
0x83: {  	_ =	shalt  }
0x84: {  	_ =	shalt  }
0x85: {  	_ =	shalt  }
0x86: {  	_ =	shalt  }
0x87: {  	_ =	shalt  }
.Lfunc_end0:
.L_simem_size_0:
called_computation.2_lowered:
.L_overlay_start_0:
0x88: {  	s2 =	sld [smem:$0x3FD9]  }
0x89: {  	s3 =	sld [smem:$0x3FFE];
	_ =	sdelay $0x1  }
0x8a: {  	s1 =	srdreg.scid  }
0x8b: {  	s0 =	sand.u32 $0x1, s1  }
0x8c: {  	s16 =	sshll.u32 s0, $0xA;
	s2 =	sadd.s32 s3, s2  }
0x8d: {  	s2 =	sadd.s32 s2, s16  }
0x8e: {  	[smem:$0x3FB9] =	sst s2  }
0x8f: {  	_ = 	snop  }
0x90: {  	(tm) =	ssettm $0x1  }
0x91: {  	s17 =	sld [smem:$0x3FFB];
	_ =	sdelay $0x3  }
0x92: {  	_ =	strace s17  }
0x93: {  	s2 =	sld [smem:$0x3FFC];
	_ =	sdelay $0x3  }
0x94: {  	_ =	strace s2  }
0x95: {  	s2 =	sld [smem:$0x3FFD];
	_ =	sdelay $0x3  }
0x96: {  	_ =	strace s2  }
0x97: {  	_ =	strace $0x8FFFFFFF  }
0x98: {  	s18 =	sld [smem:$0x3FDB];
	_ =	sdelay $0x1  }
0x99: {  	s19 =	simm.s32 $_scs_section_size  }
0x9a: {  	s4 =	simm.s32 $_size__tile_overlayer_lowered;
	s5 =	simm.s32 $_tile_overlayer_lowered  }
0x9b: {  	s22 =	simm.s32 $0x1BFF;
	s21 =	sshll.u32 s5, $0x1;
	s2 =	sadd.s32 s19, s18  }
0x9c: {  	s6 =	simm.s32 $0x0;
	s20 =	sshll.u32 s4, $0x1;
	s4 =	sadd.s32 s21, s2  }
0x9d: {  	[timem:s6], [sflag:s22] =	dma.local [hbm:s4], s20  }
0x9e: {  	_ =	swait.ge [sflag:s22], s20  }
0x9f: {  	s3 =	ssub.s32 $0x0, s20;
	[sflag:s22] =	ssyncset.done $0x0  }
0xa0: {  	[sflag:s22] =	ssyncadd.s32 s3;
	_ =	sdelay $0x1  }
0xa1: {  	s23 =	simm.s32 $0x1B8B  }
0xa2: {  	_ =	swait.ge [sflag:s23], $0x1  }
0xa3: {  	[sflag:s23] =	ssyncset.done $0x0  }
0xa4: {  	s25 =	simm.s32 $0x1B8E;
	s24 =	sld [smem:$0x3FFE];
	[sflag:s23] =	ssyncadd.s32 $0xFFFFFFFF  }
0xa5: {  	s26 =	simm.s32 $execute0_lowered;
	[smem:$0x3FD2] =	sst s25  }
0xa6: {  	s4 =	sshll.u32 s26, $0x1;
	_ =	strace $0x8000004C;
	[dreg:$0x1] =	wrdreg $0xFFFFFFFF  }
0xa7: {  	s28 =	simm.s32 $_size_execute0_lowered;
	s2 =	sadd.s32 s2, s4;
	[dreg:$0x0] =	wrdreg $0x0  }
0xa8: {  	s4 =	sshll.u32 s28, $0x1;
	[dreg:$0x2] =	wrdreg s2  }
0xa9: {  	[dreg:$0x3] =	wrdreg s4  }
0xaa: {  	[dreg:$0x4] =	wrdreg $0xC0  }
0xab: {  	_ =	task [dreg:s6], $0x5FFFF  }
0xac: {  	[dreg:$0x1] =	wrdreg $0xFFFFFFFF  }
0xad: {  	[dreg:$0x0] =	wrdreg $0x60  }
0xae: {  	[dreg:$0x2] =	wrdreg s24  }
0xaf: {  	[dreg:$0x3] =	wrdreg $0x9  }
0xb0: {  	_ =	task.clear_ibuf [dreg:s6], $0x4FFFF;
	_ =	strace $0x9000004C  }
0xb1: {  	s29 =	simm.s32 $0x9;
	_ =	strace $0x8000004E  }
0xb2: {  	_ =	swait.ge [sflag:s29], $0x1  }
0xb3: {  	[sflag:s29] =	ssyncadd.s32 $0xFFFFFFFF  }
0xb4: {  	_ =	strace $0x9000004E  }
0xb5: {  	_ =	sfence  }
0xb6: {  	s30 =	sld [smem:$0x0];
	_ =	sdelay $0x2  }
0xb7: {  	s31 =	sshll.u32 s1, $0xD;
	s1 =	sshrl.u32 s1, $0x2  }
0xb8: {  	s3 =	sand.u32 $0x4000, s31;
	s1 =	sadd.s32 s1, s30  }
0xb9: {  	s0 =	sor.u32 s3, s0;
	s1 =	sshll.u32 s1, $0x11  }
0xba: {  	s0 =	sor.u32 s1, s0  }
0xbb: {  	s0 =	sadd.s32 $0x8F2B, s0  }
0xbc: {  	[sflag:s0] =	ssyncadd.remote.s32 $0x1  }
0xbd: {  	_ =	sfence.sel $0xFFFF  }
0xbe: {  	[dreg:$0x0] =	wrdreg $0xFFFFFFFF;
	(pc) =	sbr.abs _section_cstart, $3  }
0xbf: {  	[dreg:$0x1] =	wrdreg $0xFFFFFFFF  }
0xc0: {  	_ =	task.clear_ibuf [dreg:s6], $0x2FFFF;
	_ =	strace $0x9FFFFFFF  }
0xc1: {  	(tm) =	ssettm $0x7FFFFFFF  }
tec
execute0_lowered:
.L_overlay_start_1:
0x0: {  	(tag) =	ssettag $0x1  }
0x1: {  	s0 =	srdreg.scid  }
0x2: {  	s0 =	sand.u32 $0x1, s0  }
0x3: {  	s2 =	stileid.u32;
	s1 =	sshll.u32 s0, $0x4  }
0x4: {  	s16 =	sor.u32 s2, s1;
	s2 =	sshll.u32 s2, $0x7  }
0x5: {  	s13 =	rddreg [dreg:$0x0];
	s3 =	sand.u32 $0x380, s2;
	s2 =	simm.s32 $0x0  }
0x6: {  	s6 =	simm.s32 $0xA0;
	[smem:$0x7FF] =	sst s2  }
0x7: {  	s7 =	simm.s32 $0xA300;
	_ =	strace $0x8000004D;
	[dreg:$0xb] =	wrdreg s6  }
0x8: {  	s8 =	simm.s32 $0x220;
	s9 =	simm.s32 $0xCB00;
	[dreg:$0xc] =	wrdreg s7  }
0x9: {  	s10 =	simm.s32 $0xF0;
	s11 =	simm.s32 $0xF300;
	[dreg:$0xd] =	wrdreg s8  }
0xa: {  	s12 =	simm.s32 $0x270;
	s24 =	smul.u32 $0xA000, s16;
	[dreg:$0xe] =	wrdreg s9  }
0xb: {  	s1 =	sshrl.u32 s16, $0x3;
	s14 =	smul.u32 $0x1400, s16;
	[dreg:$0xf] =	wrdreg s10  }
0xc: {  	s4 =	sadd.s32 $0x29E00, s13;
	s1 =	smul.u32 $0xC00, s1;
	[dreg:$0x10] =	wrdreg s11  }
0xd: {  	s17 =	simm.s32 $0x11B00;
	s25 =	sadd.s32 s4, s14;
	[dreg:$0x11] =	wrdreg s12  }
0xe: {  	[dreg:$0x12] =	wrdreg s17;
	s1 =	sor.u32 s3, s1;
	s3 =	sshrl.u32 s24, $0x3  }
0xf: {  	[dreg:$0x4] =	wrdreg s25;
	s20 =	sadd.s32 $0x500, s3  }
0x10: {  	s19 =	sadd.s32 $0xA00, s3;
	s24 =	sadd.s32 $0xF00, s3;
	s3 =	simm.s32 $0x5300  }
0x11: {  	s26 =	sadd.s32 s4, s20;
	[dreg:$0x8] =	wrdreg s3  }
0x12: {  	s28 =	sadd.s32 s4, s19;
	[dreg:$0x5] =	wrdreg s26  }
0x13: {  	s1 =	sshrl.u32 s1, $0x3;
	s31 =	sadd.s32 s4, s24;
	[dreg:$0x6] =	wrdreg s28  }
0x14: {  	s1 =	sadd.s32 s1, s13;
	s4 =	simm.s32 $0x1D0;
	[dreg:$0x7] =	wrdreg s31  }
0x15: {  	s5 =	sadd.s32 $0x8E800, s1;
	[dreg:$0x9] =	wrdreg s4  }
0x16: {  	s1 =	sadd.s32 $0x8EE00, s1;
	[dreg:$0x2] =	wrdreg s5  }
0x17: {  	[dreg:$0x3] =	wrdreg s1;
	s5 =	simm.s32 $0x7B00  }
0x18: {  	s15 =	simm.s32 $0x80;
	[dreg:$0xa] =	wrdreg s5  }
0x19: {  	s18 =	simm.s32 $0x400;
	s6 =	rddreg [dreg:$0x2];
	s5 =	simm.s32 $0x9  }
0x1a: {  	[tilespmem:s2], [sflag:$0x9] =	stream.strided.gather [hbm4b:s6+s15], $0x180, s18, s15, $0x38;
	[tilespmem:$0x14300] =	vst v63  }
0x1b: {  	_ =	swait.ge [sflag:s5], $0x180  }
0x1c: {  	[sflag:s5] =	ssyncset.done $0x0  }
0x1d: {  	s6 =	simm.s32 $0x180;
	s21 =	rddreg [dreg:$0x3];
	[sflag:s5] =	ssyncadd.s32 $0xFFFFFE80  }
0x1e: {  	[tilespmem:s6], [sflag:$0x9] =	stream.strided.gather [hbm4b:s21+s15], $0x180, s18, s15, $0x38;
	[tilespmem:$0x14300] =	vst v63  }
0x1f: {  	_ =	swait.ge [sflag:s5], $0x180  }
0x20: {  	s22 =	rddreg [dreg:$0x12]  }
0x21: {  	s7 =	sadd.s32 $0x2C00, s13;
	s11 =	rddreg [dreg:$0x10]  }
0x22: {  	s8 =	simm.s32 $0x50;
	s12 =	rddreg [dreg:$0x8];
	[sflag:s5] =	ssyncset.done $0x0  }
0x23: {  	s9 =	simm.s32 $0x300;
	s15 =	rddreg [dreg:$0xa];
	[sflag:s5] =	ssyncadd.s32 $0xFFFFFE80  }
0x24: {  	[tilespmem:s9], [sflag:$0x1] =	stream.indirect.gather [hbm4b:s7+s8], $0x80, s2, s8, $0xb8;
	[tilespmem:$0x14300] =	vst v63  }
0x25: {  	s10 =	simm.s32 $0x2B00;
	s17 =	rddreg [dreg:$0xc]  }
0x26: {  	[tilespmem:s10], [sflag:$0x2] =	stream.indirect.gather [hbm4b:s7+s8], $0x80, s6, s8, $0xb8;
	[tilespmem:$0x14300] =	vst v63  }
0x27: {  	s18 =	rddreg [dreg:$0xe]  }
0x28: {  	[tilespmem:s12], [sflag:$0x3] =	stream.indirect.gather [hbm4b:s7+s8], $0x80, s8, s8, $0xb8;
	[tilespmem:$0x14300] =	vst v63  }
0x29: {  	s21 =	rddreg [dreg:$0x9]  }
0x2a: {  	[tilespmem:s15], [sflag:$0x4] =	stream.indirect.gather [hbm4b:s7+s8], $0x80, s21, s8, $0xb8;
	[tilespmem:$0x14300] =	vst v63  }
0x2b: {  	s23 =	rddreg [dreg:$0xb]  }
0x2c: {  	[tilespmem:s17], [sflag:$0x5] =	stream.indirect.gather [hbm4b:s7+s8], $0x80, s23, s8, $0xb8;
	[tilespmem:$0x14300] =	vst v63  }
0x2d: {  	s25 =	rddreg [dreg:$0xd]  }
0x2e: {  	[tilespmem:s18], [sflag:$0x6] =	stream.indirect.gather [hbm4b:s7+s8], $0x80, s25, s8, $0xb8;
	[tilespmem:$0x14300] =	vst v63  }
0x2f: {  	s26 =	rddreg [dreg:$0xf]  }
0x30: {  	[tilespmem:s11], [sflag:$0x7] =	stream.indirect.gather [hbm4b:s7+s8], $0x80, s26, s8, $0xb8;
	[tilespmem:$0x14300] =	vst v63  }
0x31: {  	s28 =	rddreg [dreg:$0x11];
	s11 =	simm.s32 $0x1  }
0x32: {  	[tilespmem:s22], [sflag:$0x8] =	stream.indirect.gather [hbm4b:s7+s8], $0x80, s28, s8, $0xb8;
	[tilespmem:$0x14300] =	vst v63  }
0x33: {  	_ =	swait.ge [sflag:s11], $0x2800  }
0x34: {  	[sflag:s11] =	ssyncset.done $0x0  }
0x35: {  	s12 =	simm.s32 $0x2;
	[sflag:s11] =	ssyncadd.s32 $0xFFFFD800  }
0x36: {  	_ =	swait.ge [sflag:s12], $0x2800  }
0x37: {  	[sflag:s12] =	ssyncset.done $0x0  }
0x38: {  	s31 =	rddreg [dreg:$0x4];
	[sflag:s12] =	ssyncadd.s32 $0xFFFFD800  }
0x39: {  	[hbm4b:s31+s2] =	stream.linear.scatter [tilespmem:s9], [sflag:$0x9], $0x2800, $0x38;
	[tilespmem:$0x14300] =	vst v63  }
0x3a: {  	_ =	swait.ge [sflag:s5], $0x2800  }
0x3b: {  	s1 =	sadd.s32 $0x50F00, s13;
	[sflag:s5] =	ssyncset.done $0x0  }
0x3c: {  	s13 =	sadd.s32 s14, s1;
	[sflag:s5] =	ssyncadd.s32 $0xFFFFD800  }
0x3d: {  	[hbm4b:s13+s2] =	stream.linear.scatter [tilespmem:s10], [sflag:$0x9], $0x2800, $0x38;
	[tilespmem:$0x14300] =	vst v63  }
0x3e: {  	_ =	swait.ge [sflag:s5], $0x2800  }
0x3f: {  	[sflag:s5] =	ssyncset.done $0x0  }
0x40: {  	s14 =	simm.s32 $0x3;
	[sflag:s5] =	ssyncadd.s32 $0xFFFFD800  }
0x41: {  	_ =	swait.ge [sflag:s14], $0x2800  }
0x42: {  	[sflag:s14] =	ssyncset.done $0x0  }
0x43: {  	s15 =	simm.s32 $0x4;
	[sflag:s14] =	ssyncadd.s32 $0xFFFFD800  }
0x44: {  	_ =	swait.ge [sflag:s15], $0x2800  }
0x45: {  	p0 =	seq.s32 s16, $0x1F;
	[sflag:s15] =	ssyncset.done $0x0  }
0x46: {  	s16 =	simm.s32 @p0 $0x5;
	[sflag:s15] =	ssyncadd.s32 $0xFFFFD800  }
0x47: {  	_ =	swait.ge @p0 [sflag:s16], $0x2800  }
0x48: {  	s3 =	simm.s32 @!p0 $0x5300;
	s17 =	simm.s32 @!p0 $0x9;
	[sflag:s16] =	ssyncset.done @p0 $0x0  }
0x49: {  	s18 =	simm.s32 @!p0 $0x0;
	s21 =	rddreg [dreg:$0x5];
	[sflag:s16] =	ssyncadd.s32 @p0 $0xFFFFD800  }
0x4a: {  	[hbm4b:s21+s18] =	stream.linear.scatter @!p0 [tilespmem:s3], [sflag:$0x9], $0x2800, $0x38;
	[tilespmem:$0x14300] =	vst v63  }
0x4b: {  	_ =	swait.ge @!p0 [sflag:s17], $0x2800  }
0x4c: {  	[sflag:s17] =	ssyncset.done @!p0 $0x0  }
0x4d: {  	s20 =	sadd.s32 @!p0 s20, s1;
	s3 =	simm.s32 @!p0 $0x7B00;
	[sflag:s17] =	ssyncadd.s32 @!p0 $0xFFFFD800  }
0x4e: {  	[hbm4b:s20+s18] =	stream.linear.scatter @!p0 [tilespmem:s3], [sflag:$0x9], $0x2800, $0x38;
	[tilespmem:$0x14300] =	vst v63  }
0x4f: {  	_ =	swait.ge @!p0 [sflag:s17], $0x2800  }
0x50: {  	[sflag:s17] =	ssyncset.done @!p0 $0x0  }
0x51: {  	s22 =	simm.s32 @!p0 $0x5;
	[sflag:s17] =	ssyncadd.s32 @!p0 $0xFFFFD800  }
0x52: {  	_ =	swait.ge @!p0 [sflag:s22], $0x2800  }
0x53: {  	[sflag:s22] =	ssyncset.done @!p0 $0x0  }
0x54: {  	s23 =	simm.s32 @!p0 $0x6;
	[sflag:s22] =	ssyncadd.s32 @!p0 $0xFFFFD800  }
0x55: {  	_ =	swait.ge @!p0 [sflag:s23], $0x2800  }
0x56: {  	[sflag:s23] =	ssyncset.done @!p0 $0x0  }
0x57: {  	s3 =	simm.s32 @!p0 $0xA300;
	s25 =	rddreg [dreg:$0x6];
	[sflag:s23] =	ssyncadd.s32 @!p0 $0xFFFFD800  }
0x58: {  	[hbm4b:s25+s18] =	stream.linear.scatter @!p0 [tilespmem:s3], [sflag:$0x9], $0x2800, $0x38;
	[tilespmem:$0x14300] =	vst v63  }
0x59: {  	s26 =	simm.s32 @!p0 $0x9;
	_ =	swait.ge @!p0 [sflag:s17], $0x2800  }
0x5a: {  	s26 =	simm.s32 @p0 $0x6;
	[sflag:s17] =	ssyncset.done @!p0 $0x0  }
0x5b: {  	s25 =	sadd.s32 @!p0 s19, s1;
	s3 =	simm.s32 @!p0 $0xCB00;
	[sflag:s17] =	ssyncadd.s32 @!p0 $0xFFFFD800  }
0x5c: {  	[hbm4b:s25+s18] =	stream.linear.scatter @!p0 [tilespmem:s3], [sflag:$0x9], $0x2800, $0x38;
	[tilespmem:$0x14300] =	vst v63  }
0x5d: {  	_ =	swait.ge [sflag:s26], $0x2800  }
0x5e: {  	[sflag:s26] =	ssyncset.done $0x0  }
0x5f: {  	s29 =	simm.s32 $0x7;
	s0 =	ssub.s32 $0x2, s0;
	[sflag:s26] =	ssyncadd.s32 $0xFFFFD800  }
0x60: {  	s31 =	sshrl.u32 s0, $0x1;
	_ =	swait.ge [sflag:s29], $0x2800  }
0x61: {  	s0 =	ssub.s32 s0, s31;
	[sflag:s29] =	ssyncset.done $0x0  }
0x62: {  	s30 =	simm.s32 $0x8;
	s0 =	smax.u32 s0, $0x1;
	[sflag:s29] =	ssyncadd.s32 $0xFFFFD800  }
0x63: {  	s0 =	sadd.s32 $0xFFFFFFFF, s0;
	_ =	swait.ge [sflag:s30], $0x2800  }
0x64: {  	p1 =	sne.s32 s0, $0x0;
	s3 =	simm.s32 @!p0 $0xF300;
	[sflag:s30] =	ssyncset.done $0x0  }
.Ltmp0:
0x65: {  	s19 =	rddreg [dreg:$0x7];
	[sflag:s30] =	ssyncadd.s32 $0xFFFFD800;
	(pc) =	sbr.rel @!p1 .LBB2_2-.Ltmp0, $4  }
0x66: {  	[hbm4b:s19+s18] =	stream.linear.scatter @!p0 [tilespmem:s3], [sflag:$0x9], $0x2800, $0x38;
	[tilespmem:$0x14300] =	vst v63  }
0x67: {  	_ =	swait.ge @!p0 [sflag:s17], $0x2800  }
0x68: {  	[sflag:s17] =	ssyncset.done @!p0 $0x0  }
0x69: {  	s1 =	sadd.s32 @!p0 s24, s1;
	s3 =	simm.s32 @!p0 $0x11B00;
	[sflag:s17] =	ssyncadd.s32 @!p0 $0xFFFFD800  }
.LBB2_1:
0x6a: {  	[hbm4b:s1+s18] =	stream.linear.scatter @!p0 [tilespmem:s3], [sflag:$0x9], $0x2800, $0x38;
	[tilespmem:$0x14300] =	vst v63  }
0x6b: {  	_ =	swait.ge @!p0 [sflag:s17], $0x2800  }
0x6c: {  	s24 =	simm.s32 $0x80;
	[sflag:s17] =	ssyncset.done @!p0 $0x0  }
0x6d: {  	s4 =	simm.s32 $0x400;
	s21 =	rddreg [dreg:$0x2];
	[sflag:s17] =	ssyncadd.s32 @!p0 $0xFFFFD800  }
0x6e: {  	[tilespmem:s2], [sflag:$0x9] =	stream.strided.gather [hbm4b:s21+s24], $0x180, s4, s24, $0x38;
	[tilespmem:$0x14300] =	vst v63  }
0x6f: {  	_ =	swait.ge [sflag:s5], $0x180  }
0x70: {  	[sflag:s5] =	ssyncset.done $0x0  }
0x71: {  	s28 =	rddreg [dreg:$0x3];
	[sflag:s5] =	ssyncadd.s32 $0xFFFFFE80  }
0x72: {  	[tilespmem:s6], [sflag:$0x9] =	stream.strided.gather [hbm4b:s28+s24], $0x180, s4, s24, $0x38;
	[tilespmem:$0x14300] =	vst v63  }
0x73: {  	_ =	swait.ge [sflag:s5], $0x180  }
0x74: {  	s21 =	rddreg [dreg:$0x12]  }
0x75: {  	s24 =	rddreg [dreg:$0x10]  }
0x76: {  	[sflag:s5] =	ssyncset.done $0x0;
	s28 =	rddreg [dreg:$0x8]  }
0x77: {  	s31 =	rddreg [dreg:$0xa];
	[sflag:s5] =	ssyncadd.s32 $0xFFFFFE80  }
0x78: {  	[tilespmem:s9], [sflag:$0x1] =	stream.indirect.gather [hbm4b:s7+s8], $0x80, s2, s8, $0xb8;
	[tilespmem:$0x14300] =	vst v63  }
0x79: {  	s19 =	rddreg [dreg:$0xc]  }
0x7a: {  	[tilespmem:s10], [sflag:$0x2] =	stream.indirect.gather [hbm4b:s7+s8], $0x80, s6, s8, $0xb8;
	[tilespmem:$0x14300] =	vst v63  }
0x7b: {  	s3 =	rddreg [dreg:$0xe]  }
0x7c: {  	[tilespmem:s28], [sflag:$0x3] =	stream.indirect.gather [hbm4b:s7+s8], $0x80, s8, s8, $0xb8;
	[tilespmem:$0x14300] =	vst v63  }
0x7d: {  	s4 =	rddreg [dreg:$0x9]  }
0x7e: {  	[tilespmem:s31], [sflag:$0x4] =	stream.indirect.gather [hbm4b:s7+s8], $0x80, s4, s8, $0xb8;
	[tilespmem:$0x14300] =	vst v63  }
0x7f: {  	s28 =	rddreg [dreg:$0xb]  }
0x80: {  	[tilespmem:s19], [sflag:$0x5] =	stream.indirect.gather [hbm4b:s7+s8], $0x80, s28, s8, $0xb8;
	[tilespmem:$0x14300] =	vst v63  }
0x81: {  	s4 =	rddreg [dreg:$0xd]  }
0x82: {  	[tilespmem:s3], [sflag:$0x6] =	stream.indirect.gather [hbm4b:s7+s8], $0x80, s4, s8, $0xb8;
	[tilespmem:$0x14300] =	vst v63  }
0x83: {  	s31 =	rddreg [dreg:$0xf]  }
0x84: {  	[tilespmem:s24], [sflag:$0x7] =	stream.indirect.gather [hbm4b:s7+s8], $0x80, s31, s8, $0xb8;
	[tilespmem:$0x14300] =	vst v63  }
0x85: {  	s28 =	rddreg [dreg:$0x11]  }
0x86: {  	[tilespmem:s21], [sflag:$0x8] =	stream.indirect.gather [hbm4b:s7+s8], $0x80, s28, s8, $0xb8;
	[tilespmem:$0x14300] =	vst v63  }
0x87: {  	_ =	swait.ge [sflag:s11], $0x2800  }
0x88: {  	[sflag:s11] =	ssyncset.done $0x0  }
0x89: {  	[sflag:s11] =	ssyncadd.s32 $0xFFFFD800  }
0x8a: {  	_ =	swait.ge [sflag:s12], $0x2800  }
0x8b: {  	[sflag:s12] =	ssyncset.done $0x0  }
0x8c: {  	s31 =	rddreg [dreg:$0x4];
	[sflag:s12] =	ssyncadd.s32 $0xFFFFD800  }
0x8d: {  	[hbm4b:s31+s2] =	stream.linear.scatter [tilespmem:s9], [sflag:$0x9], $0x2800, $0x38;
	[tilespmem:$0x14300] =	vst v63  }
0x8e: {  	_ =	swait.ge [sflag:s5], $0x2800  }
0x8f: {  	[sflag:s5] =	ssyncset.done $0x0  }
0x90: {  	[sflag:s5] =	ssyncadd.s32 $0xFFFFD800  }
0x91: {  	[hbm4b:s13+s2] =	stream.linear.scatter [tilespmem:s10], [sflag:$0x9], $0x2800, $0x38;
	[tilespmem:$0x14300] =	vst v63  }
0x92: {  	_ =	swait.ge [sflag:s5], $0x2800  }
0x93: {  	[sflag:s5] =	ssyncset.done $0x0  }
0x94: {  	[sflag:s5] =	ssyncadd.s32 $0xFFFFD800  }
0x95: {  	_ =	swait.ge [sflag:s14], $0x2800  }
0x96: {  	[sflag:s14] =	ssyncset.done $0x0  }
0x97: {  	[sflag:s14] =	ssyncadd.s32 $0xFFFFD800  }
0x98: {  	_ =	swait.ge [sflag:s15], $0x2800  }
0x99: {  	[sflag:s15] =	ssyncset.done $0x0  }
0x9a: {  	[sflag:s15] =	ssyncadd.s32 $0xFFFFD800  }
0x9b: {  	_ =	swait.ge @p0 [sflag:s16], $0x2800  }
0x9c: {  	[sflag:s16] =	ssyncset.done @p0 $0x0  }
0x9d: {  	s4 =	simm.s32 @!p0 $0x5300;
	s3 =	rddreg [dreg:$0x5];
	[sflag:s16] =	ssyncadd.s32 @p0 $0xFFFFD800  }
0x9e: {  	[hbm4b:s3+s18] =	stream.linear.scatter @!p0 [tilespmem:s4], [sflag:$0x9], $0x2800, $0x38;
	[tilespmem:$0x14300] =	vst v63  }
0x9f: {  	_ =	swait.ge @!p0 [sflag:s17], $0x2800  }
0xa0: {  	[sflag:s17] =	ssyncset.done @!p0 $0x0  }
0xa1: {  	s3 =	simm.s32 @!p0 $0x7B00;
	[sflag:s17] =	ssyncadd.s32 @!p0 $0xFFFFD800  }
0xa2: {  	[hbm4b:s20+s18] =	stream.linear.scatter @!p0 [tilespmem:s3], [sflag:$0x9], $0x2800, $0x38;
	[tilespmem:$0x14300] =	vst v63  }
0xa3: {  	_ =	swait.ge @!p0 [sflag:s17], $0x2800  }
0xa4: {  	[sflag:s17] =	ssyncset.done @!p0 $0x0  }
0xa5: {  	[sflag:s17] =	ssyncadd.s32 @!p0 $0xFFFFD800  }
0xa6: {  	_ =	swait.ge @!p0 [sflag:s22], $0x2800  }
0xa7: {  	[sflag:s22] =	ssyncset.done @!p0 $0x0  }
0xa8: {  	[sflag:s22] =	ssyncadd.s32 @!p0 $0xFFFFD800  }
0xa9: {  	_ =	swait.ge @!p0 [sflag:s23], $0x2800  }
0xaa: {  	[sflag:s23] =	ssyncset.done @!p0 $0x0  }
0xab: {  	s4 =	simm.s32 @!p0 $0xA300;
	s3 =	rddreg [dreg:$0x6];
	[sflag:s23] =	ssyncadd.s32 @!p0 $0xFFFFD800  }
0xac: {  	[hbm4b:s3+s18] =	stream.linear.scatter @!p0 [tilespmem:s4], [sflag:$0x9], $0x2800, $0x38;
	[tilespmem:$0x14300] =	vst v63  }
0xad: {  	_ =	swait.ge @!p0 [sflag:s17], $0x2800  }
0xae: {  	[sflag:s17] =	ssyncset.done @!p0 $0x0  }
0xaf: {  	s3 =	simm.s32 @!p0 $0xCB00;
	[sflag:s17] =	ssyncadd.s32 @!p0 $0xFFFFD800  }
0xb0: {  	[hbm4b:s25+s18] =	stream.linear.scatter @!p0 [tilespmem:s3], [sflag:$0x9], $0x2800, $0x38;
	[tilespmem:$0x14300] =	vst v63  }
0xb1: {  	_ =	swait.ge [sflag:s26], $0x2800  }
0xb2: {  	[sflag:s26] =	ssyncset.done $0x0  }
0xb3: {  	[sflag:s26] =	ssyncadd.s32 $0xFFFFD800  }
0xb4: {  	_ =	swait.ge [sflag:s29], $0x2800  }
0xb5: {  	[sflag:s29] =	ssyncset.done $0x0  }
0xb6: {  	[sflag:s29] =	ssyncadd.s32 $0xFFFFD800  }
0xb7: {  	s0 =	sadd.s32 $0xFFFFFFFF, s0;
	_ =	swait.ge [sflag:s30], $0x2800  }
0xb8: {  	p1 =	sne.s32 s0, $0x0;
	s4 =	simm.s32 @!p0 $0xF300;
	[sflag:s30] =	ssyncset.done $0x0  }
.Ltmp1:
0xb9: {  	s3 =	rddreg [dreg:$0x7];
	[sflag:s30] =	ssyncadd.s32 $0xFFFFD800;
	(pc) =	sbr.rel @p1 .LBB2_1-.Ltmp1, $4  }
0xba: {  	[hbm4b:s3+s18] =	stream.linear.scatter @!p0 [tilespmem:s4], [sflag:$0x9], $0x2800, $0x38;
	[tilespmem:$0x14300] =	vst v63  }
0xbb: {  	_ =	swait.ge @!p0 [sflag:s17], $0x2800  }
0xbc: {  	[sflag:s17] =	ssyncset.done @!p0 $0x0  }
0xbd: {  	s3 =	simm.s32 @!p0 $0x11B00;
	[sflag:s17] =	ssyncadd.s32 @!p0 $0xFFFFD800  }
.LBB2_2:
0xbe: {  	[hbm4b:s1+s18] =	stream.linear.scatter @!p0 [tilespmem:s3], [sflag:$0x9], $0x2800, $0x38;
	[tilespmem:$0x14300] =	vst v63  }
0xbf: {  	_ =	swait.ge @!p0 [sflag:s17], $0x2800  }
0xc0: {  	[sflag:s17] =	ssyncset.done @!p0 $0x0  }
0xc1: {  	[sflag:s17] =	ssyncadd.s32 @!p0 $0xFFFFD800  }
0xc2: {  	_ =	sfence.sel $0x180000  }
0xc3: {  	[bflag:$0x0] =	sbarrier.arrive $0xFFFF  }
0xc4: {  	_ =	strace $0x9000004D  }
0xc5: {  	s0 =	stileid.u32;
	[bflag:$0x2] =	sbarrier.arrive $0xFFFF  }
0xc6: {  	p0 =	sne.s32 s0, $0x0;
	s0 =	rddreg [dreg:$0x1]  }
0xc7: {  	s0 =	sadd.s32 @!p0 $0x100000, s0  }
0xc8: {  	[sflag:s0] =	ssyncadd.tile.s32 @!p0 $0x1;
	_ =	shalt  }
.Lfunc_end2:
_tile_overlayer_lowered:
.L_overlay_start_2:
0xc9: {  	(tag) =	ssettag $0x2  }
0xca: {  	s0 =	rddreg [dreg:$0x0];
	s2 =	stileid.u32  }
0xcb: {  	s1 =	rddreg [dreg:$0x1];
	p0 =	sne.s32 s2, $0x0  }
0xcc: {  	s3 =	rddreg [dreg:$0x2];
	[bflag:$0x3] =	sbarrier.arrive $0xFFFF;
	s2 =	simm.s32 @!p0 $0x1C09  }
0xcd: {  	[timem:s3], [sflag:s2] =	dma.local @!p0 [hbm:s0], s1  }
0xce: {  	s0 =	simm.s32 @!p0 $0x9  }
0xcf: {  	_ =	swait.ge @!p0 [sflag:s0], s1  }
0xd0: {  	s1 =	ssub.s32 @!p0 $0x0, s1;
	[sflag:s0] =	ssyncset.done @!p0 $0x0  }
0xd1: {  	[sflag:s0] =	ssyncadd.s32 @!p0 s1  }
0xd2: {  	[bflag:$0x3] =	sbarrier.arrive $0xFFFF  }
0xd3: {  	_ =	shalt  }

// kernel: kernel.9.cloned.1.call-start
scs
__scs_entry_jumppad:
0x0: {  	(pc) =	sbr.rel $0x88, $3  }
0x1: {  	(tag) =	ssettag $0x0;
	lr =	simm.s32 $0x1  }
0x2: {  	[smem:$0x3F92] =	sst lr;
	_ =	strace $0xD0000000  }
0x3: {  	_ = 	snop  }
0x4: {  	_ = 	snop  }
0x5: {  	_ = 	snop  }
0x6: {  	_ = 	snop  }
0x7: {  	_ = 	snop  }
__scs_overlays_trampoline_lowered:
0x8: {  	[smem:$0x3FA1] =	sst s0  }
0x9: {  	[smem:$0x3FA2] =	sst s1  }
0xa: {  	[smem:$0x3FA3] =	sst s2  }
0xb: {  	[smem:$0x3FA4] =	sst s3  }
0xc: {  	[smem:$0x3FA5] =	sst s4  }
0xd: {  	[smem:$0x3FA6] =	sst s5  }
0xe: {  	[smem:$0x3FA7] =	sst s6  }
0xf: {  	[smem:$0x3FA8] =	sst s7  }
0x10: {  	[smem:$0x3FA9] =	sst s8  }
0x11: {  	[smem:$0x3FAA] =	sst s9;
	s0 =	simm.s32 @!p0 $0x0  }
0x12: {  	s1 =	sld [smem:$0x3F90];
	s0 =	simm.s32 @p0 $0x1  }
0x13: {  	[smem:$0x3FAB] =	sst s0;
	s0 =	simm.s32 @!p1 $0x0  }
0x14: {  	s2 =	sld [smem:$0x3F8F];
	s0 =	simm.s32 @p1 $0x1  }
0x15: {  	[smem:$0x3FAC] =	sst s0;
	s0 =	simm.s32 @!p2 $0x0  }
0x16: {  	s3 =	sld [smem:$0x3FDB];
	s0 =	simm.s32 @p2 $0x1  }
0x17: {  	s4 =	simm.s32 $0x1BF5;
	[smem:$0x3FAE] =	sst s0  }
0x18: {  	s0 =	sld [smem:$0x3F91];
	_ =	swait.ge [sflag:s4], $0x0  }
0x19: {  	s7 =	sld [smem:$0x3F92]  }
0x1a: {  	s8 =	sadd.s32 $0xFFFFE003, lr  }
0x1b: {  	s9 =	sadd.s32 $0xFFFFFEF7, lr;
	s5 =	simm.s32 $0xFFFFFFFF;
	p2 =	slt.u32 s8, $0xFFFFF086  }
0x1c: {  	p1 =	slt.u32 s9, $0xF7A;
	s5 =	simm.s32 @!p2 $0x0  }
0x1d: {  	s5 =	simm.s32 @p1 $0x1;
	p0 =	seq.s32 s7, s2  }
0x1e: {  	s7 =	smul.u32 @!p0 $0xF7A, s2;
	p2 =	seq.s32 @!p0 s5, $0x0  }
0x1f: {  	s9 =	smul.u32 $0xF7A, s1;
	s8 =	simm.s32 @!p0 $0x1BF5;
	p2 =	por !p2, p0  }
0x20: {  	[sflag:s8] =	ssyncset.s32 @!p0 $0xFFFFF086;
	s6 =	sadd.s32 @!p0 s3, s7;
	s7 =	simm.s32 @!p0 $0x108  }
0x21: {  	s3 =	sadd.s32 s3, s9;
	s6 =	sadd.s32 @!p0 $0x88, s6;
	s7 =	simm.s32 @p2 $0x1082  }
0x22: {  	[simem:s7], [sflag:s8] =	dma.local @!p0 [hbm:s6], $0xF7A  }
0x23: {  	s9 =	sor.u32 $0xD0000000, s2;
	s6 =	simm.s32 $0x108;
	_ =	swait.ge @!p0 [sflag:s8], $0x0  }
0x24: {  	s3 =	sadd.s32 $0x88, s3;
	s6 =	simm.s32 @!p1 $0x1082;
	[sflag:s4] =	ssyncset.s32 $0xFFFFF086  }
0x25: {  	[simem:s6], [sflag:s4] =	dma.local [hbm:s3], $0xF7A  }
0x26: {  	[smem:$0x3F92] =	sst s1;
	(tag) =	ssettag s2;
	_ =	strace s9  }
0x27: {  	s1 =	sld [smem:$0x3FA2]  }
0x28: {  	s2 =	sld [smem:$0x3FA3]  }
0x29: {  	s4 =	sld [smem:$0x3FA5]  }
0x2a: {  	p0 =	seq.s32 s5, $0x0;
	s5 =	sld [smem:$0x3FA6]  }
0x2b: {  	s6 =	sld [smem:$0x3FA7]  }
0x2c: {  	s7 =	sld [smem:$0x3FA8]  }
0x2d: {  	s3 =	simm.s32 $0x108;
	s8 =	sld [smem:$0x3FA9]  }
0x2e: {  	s3 =	simm.s32 @!p0 $0x1082;
	s9 =	sld [smem:$0x3FAA]  }
0x2f: {  	lr =	sadd.s32 s0, s3;
	s0 =	sld [smem:$0x3FA1]  }
0x30: {  	s3 =	sld [smem:$0x3FA4]  }
0x31: {  	[smem:$0x3FAD] =	sst s10  }
0x32: {  	s10 =	sld [smem:$0x3FAB];
	_ =	sdelay $0x3  }
0x33: {  	p0 =	seq.s32 s10, $0x1;
	s10 =	sld [smem:$0x3FAD];
	_ =	sdelay $0x3  }
0x34: {  	[smem:$0x3FAD] =	sst s10  }
0x35: {  	s10 =	sld [smem:$0x3FAC];
	_ =	sdelay $0x3  }
0x36: {  	p1 =	seq.s32 s10, $0x1;
	s10 =	sld [smem:$0x3FAD];
	_ =	sdelay $0x3  }
0x37: {  	[smem:$0x3FAD] =	sst s10  }
0x38: {  	s10 =	sld [smem:$0x3FAE]  }
0x39: {  	_ = 	snop;
	(pc) =	sbr.ind lr, $3  }
0x3a: {  	_ = 	snop  }
0x3b: {  	_ = 	snop  }
0x3c: {  	p2 =	seq.s32 s10, $0x1;
	s10 =	sld [smem:$0x3FAD]  }
0x3d: {  	_ =	shalt  }
0x3e: {  	_ =	shalt  }
0x3f: {  	_ =	shalt  }
0x40: {  	_ =	shalt  }
0x41: {  	_ =	shalt  }
0x42: {  	_ =	shalt  }
0x43: {  	_ =	shalt  }
0x44: {  	_ =	shalt  }
0x45: {  	_ =	shalt  }
0x46: {  	_ =	shalt  }
0x47: {  	_ =	shalt  }
0x48: {  	_ =	shalt  }
0x49: {  	_ =	shalt  }
0x4a: {  	_ =	shalt  }
0x4b: {  	_ =	shalt  }
0x4c: {  	_ =	shalt  }
0x4d: {  	_ =	shalt  }
0x4e: {  	_ =	shalt  }
0x4f: {  	_ =	shalt  }
0x50: {  	_ =	shalt  }
0x51: {  	_ =	shalt  }
0x52: {  	_ =	shalt  }
0x53: {  	_ =	shalt  }
0x54: {  	_ =	shalt  }
0x55: {  	_ =	shalt  }
0x56: {  	_ =	shalt  }
0x57: {  	_ =	shalt  }
0x58: {  	_ =	shalt  }
0x59: {  	_ =	shalt  }
0x5a: {  	_ =	shalt  }
0x5b: {  	_ =	shalt  }
0x5c: {  	_ =	shalt  }
0x5d: {  	_ =	shalt  }
0x5e: {  	_ =	shalt  }
0x5f: {  	_ =	shalt  }
0x60: {  	_ =	shalt  }
0x61: {  	_ =	shalt  }
0x62: {  	_ =	shalt  }
0x63: {  	_ =	shalt  }
0x64: {  	_ =	shalt  }
0x65: {  	_ =	shalt  }
0x66: {  	_ =	shalt  }
0x67: {  	_ =	shalt  }
0x68: {  	_ =	shalt  }
0x69: {  	_ =	shalt  }
0x6a: {  	_ =	shalt  }
0x6b: {  	_ =	shalt  }
0x6c: {  	_ =	shalt  }
0x6d: {  	_ =	shalt  }
0x6e: {  	_ =	shalt  }
0x6f: {  	_ =	shalt  }
0x70: {  	_ =	shalt  }
0x71: {  	_ =	shalt  }
0x72: {  	_ =	shalt  }
0x73: {  	_ =	shalt  }
0x74: {  	_ =	shalt  }
0x75: {  	_ =	shalt  }
0x76: {  	_ =	shalt  }
0x77: {  	_ =	shalt  }
0x78: {  	_ =	shalt  }
0x79: {  	_ =	shalt  }
0x7a: {  	_ =	shalt  }
0x7b: {  	_ =	shalt  }
0x7c: {  	_ =	shalt  }
0x7d: {  	_ =	shalt  }
0x7e: {  	_ =	shalt  }
0x7f: {  	_ =	shalt  }
0x80: {  	_ =	shalt  }
0x81: {  	_ =	shalt  }
0x82: {  	_ =	shalt  }
0x83: {  	_ =	shalt  }
0x84: {  	_ =	shalt  }
0x85: {  	_ =	shalt  }
0x86: {  	_ =	shalt  }
0x87: {  	_ =	shalt  }
.Lfunc_end0:
.L_simem_size_0:
called_computation_lowered:
.L_overlay_start_0:
0x88: {  	s2 =	sld [smem:$0x3FD9]  }
0x89: {  	s3 =	sld [smem:$0x3FFE];
	_ =	sdelay $0x1  }
0x8a: {  	s1 =	srdreg.scid  }
0x8b: {  	s0 =	sand.u32 $0x1, s1  }
0x8c: {  	s16 =	sshll.u32 s0, $0xA;
	s2 =	sadd.s32 s3, s2  }
0x8d: {  	s2 =	sadd.s32 s2, s16  }
0x8e: {  	[smem:$0x3FB9] =	sst s2  }
0x8f: {  	_ = 	snop  }
0x90: {  	(tm) =	ssettm $0x1  }
0x91: {  	s17 =	sld [smem:$0x3FFB];
	_ =	sdelay $0x3  }
0x92: {  	_ =	strace s17  }
0x93: {  	s2 =	sld [smem:$0x3FFC];
	_ =	sdelay $0x3  }
0x94: {  	_ =	strace s2  }
0x95: {  	s2 =	sld [smem:$0x3FFD];
	_ =	sdelay $0x3  }
0x96: {  	_ =	strace s2  }
0x97: {  	_ =	strace $0x8FFFFFFF  }
0x98: {  	s18 =	sld [smem:$0x3FDB];
	_ =	sdelay $0x1  }
0x99: {  	s19 =	simm.s32 $_scs_section_size  }
0x9a: {  	s4 =	simm.s32 $_size__tile_overlayer_lowered;
	s5 =	simm.s32 $_tile_overlayer_lowered  }
0x9b: {  	s22 =	simm.s32 $0x1BFF;
	s21 =	sshll.u32 s5, $0x1;
	s2 =	sadd.s32 s19, s18  }
0x9c: {  	s6 =	simm.s32 $0x0;
	s20 =	sshll.u32 s4, $0x1;
	s4 =	sadd.s32 s21, s2  }
0x9d: {  	[timem:s6], [sflag:s22] =	dma.local [hbm:s4], s20  }
0x9e: {  	_ =	swait.ge [sflag:s22], s20  }
0x9f: {  	s3 =	ssub.s32 $0x0, s20;
	[sflag:s22] =	ssyncset.done $0x0  }
0xa0: {  	[sflag:s22] =	ssyncadd.s32 s3;
	_ =	sdelay $0x1  }
0xa1: {  	s23 =	simm.s32 $0x1B8B  }
0xa2: {  	_ =	swait.ge [sflag:s23], $0x1  }
0xa3: {  	[sflag:s23] =	ssyncset.done $0x0  }
0xa4: {  	s25 =	simm.s32 $0x1B8E;
	s24 =	sld [smem:$0x3FFE];
	[sflag:s23] =	ssyncadd.s32 $0xFFFFFFFF  }
0xa5: {  	s26 =	simm.s32 $execute0_lowered;
	[smem:$0x3FD2] =	sst s25  }
0xa6: {  	s4 =	sshll.u32 s26, $0x1;
	_ =	strace $0x80000046;
	[dreg:$0x1] =	wrdreg $0xFFFFFFFF  }
0xa7: {  	s28 =	simm.s32 $_size_execute0_lowered;
	s2 =	sadd.s32 s2, s4;
	[dreg:$0x0] =	wrdreg $0x0  }
0xa8: {  	s4 =	sshll.u32 s28, $0x1;
	[dreg:$0x2] =	wrdreg s2  }
0xa9: {  	[dreg:$0x3] =	wrdreg s4  }
0xaa: {  	[dreg:$0x4] =	wrdreg $0xC0  }
0xab: {  	_ =	task [dreg:s6], $0x5FFFF  }
0xac: {  	[dreg:$0x1] =	wrdreg $0xFFFFFFFF  }
0xad: {  	[dreg:$0x0] =	wrdreg $0x60  }
0xae: {  	[dreg:$0x2] =	wrdreg s24  }
0xaf: {  	[dreg:$0x3] =	wrdreg $0xBC000  }
0xb0: {  	[dreg:$0x4] =	wrdreg $0x9  }
0xb1: {  	_ =	task.clear_ibuf [dreg:s6], $0x5FFFF;
	_ =	strace $0x90000046  }
0xb2: {  	s29 =	simm.s32 $0x9;
	_ =	strace $0x80000048  }
0xb3: {  	_ =	swait.ge [sflag:s29], $0x1  }
0xb4: {  	[sflag:s29] =	ssyncadd.s32 $0xFFFFFFFF  }
0xb5: {  	_ =	strace $0x90000048  }
0xb6: {  	_ =	sfence  }
0xb7: {  	s30 =	sld [smem:$0x0];
	_ =	sdelay $0x2  }
0xb8: {  	s31 =	sshll.u32 s1, $0xD;
	s1 =	sshrl.u32 s1, $0x2  }
0xb9: {  	s3 =	sand.u32 $0x4000, s31;
	s1 =	sadd.s32 s1, s30  }
0xba: {  	s0 =	sor.u32 s3, s0;
	s1 =	sshll.u32 s1, $0x11  }
0xbb: {  	s0 =	sor.u32 s1, s0  }
0xbc: {  	s0 =	sadd.s32 $0x8F2B, s0  }
0xbd: {  	[sflag:s0] =	ssyncadd.remote.s32 $0x1  }
0xbe: {  	_ =	sfence.sel $0xFFFF  }
0xbf: {  	[dreg:$0x0] =	wrdreg $0xFFFFFFFF;
	(pc) =	sbr.abs _section_cstart, $3  }
0xc0: {  	[dreg:$0x1] =	wrdreg $0xFFFFFFFF  }
0xc1: {  	_ =	task.clear_ibuf [dreg:s6], $0x2FFFF;
	_ =	strace $0x9FFFFFFF  }
0xc2: {  	(tm) =	ssettm $0x7FFFFFFF  }
0xc3: {  	_ =	shalt  }
tec
execute0_lowered:
.L_overlay_start_1:
0x0: {  	(tag) =	ssettag $0x1  }
0x1: {  	s0 =	srdreg.scid;
	s6 =	rddreg [dreg:$0x0]  }
0x2: {  	s14 =	stileid.u32;
	s2 =	rddreg [dreg:$0x1]  }
0x3: {  	s13 =	simm.s32 $0x3;
	s15 =	simm.s32 $0x3B80;
	s19 =	simm.s32 $0x3C00  }
0x4: {  	s21 =	simm.s32 $0x7C00;
	s22 =	simm.s32 $0x1;
	s23 =	simm.s32 $0x2  }
0x5: {  	s29 =	simm.s32 $0x10;
	s30 =	simm.s32 $0x2700;
	s31 =	simm.s32 $0x0  }
0x6: {  	s0 =	sand.u32 $0x1, s0;
	s5 =	sshll.u32 s14, $0x7;
	s11 =	smul.u32 $0x4F000, s14  }
0x7: {  	s12 =	sadd.s32 $0x128400, s2;
	s25 =	smul.u32 $0x2780, s14;
	p0 =	seq.s32 s14, $0xF  }
0x8: {  	s1 =	sshll.u32 s0, $0x4;
	s5 =	sand.u32 $0x380, s5;
	s9 =	smul.u32 $0x27100, s0  }
0x9: {  	s0 =	ssub.s32 $0x2, s0;
	s16 =	sshrl.u32 @p0 s12, $0x3;
	s1 =	sor.u32 s14, s1  }
0xa: {  	s10 =	sshrl.u32 s0, $0x1;
	s28 =	sshrl.u32 s11, $0x2;
	s11 =	simm.s32 $0x80  }
0xb: {  	s3 =	sshrl.u32 s1, $0x3;
	s7 =	smul.u32 $0x500, s1;
	s1 =	sshll.u32 s1, $0x4  }
0xc: {  	s9 =	sadd.s32 s9, s6;
	s0 =	ssub.s32 s0, s10;
	s4 =	smul.u32 $0x13C00, s3  }
0xd: {  	s3 =	simm.s32 $0x0;
	s1 =	sadd.s32 s1, s6;
	s9 =	sadd.s32 $0x40600, s9  }
0xe: {  	s10 =	smax.u32 s0, $0x1;
	s0 =	sshll.u32 @!p0 s14, $0x6;
	[smem:$0x7FF] =	sst s3  }
0xf: {  	s7 =	sadd.s32 s7, s6;
	s17 =	sor.u32 @!p0 $0x1C03, s0;
	s5 =	sor.u32 s5, s4  }
0x10: {  	s25 =	sadd.s32 @!p0 s25, s9;
	s4 =	sadd.s32 $0x16C00, s6;
	s5 =	sshrl.u32 s5, $0x3  }
0x11: {  	s7 =	sadd.s32 $0xCC00, s7;
	s8 =	sadd.s32 s5, s6;
	s5 =	sadd.s32 $0x3DE00, s6  }
0x12: {  	s6 =	sadd.s32 $0x2E00, s8;
	s8 =	sadd.s32 $0x2C00, s1;
	s1 =	sadd.s32 s28, s2  }
0x13: {  	_ =	strace $0x80000047;
	s20 =	sadd.s32 $0x280, s7;
	s18 =	sshrl.u32 @!p0 s1, $0x3  }
.LBB2_1:
0x14: {  	s0 =	simm.s32 $0x400  }
0x15: {  	[tilespmem:s3], [sflag:$0x3] =	stream.strided.gather [hbm4b:s6+s11], $0x2780, s0, s11, $0x38;
	[tilespmem:$0x1F480] =	vst v63  }
0x16: {  	_ =	swait.ge [sflag:s13], $0x2780  }
0x17: {  	[sflag:s13] =	ssyncset.done $0x0  }
0x18: {  	s24 =	simm.s32 $0x2780;
	[sflag:s13] =	ssyncadd.s32 $0xFFFFD880  }
0x19: {  	[tilespmem:s24], [sflag:$0x3] =	stream.linear.gather [hbm4b:s7+s3], $0x1400, $0x38;
	[tilespmem:$0x1F480] =	vst v63  }
0x1a: {  	_ =	swait.ge [sflag:s13], $0x1400  }
0x1b: {  	[sflag:s13] =	ssyncset.done $0x0  }
0x1c: {  	[sflag:s13] =	ssyncadd.s32 $0xFFFFEC00  }
0x1d: {  	[tilespmem:s15], [sflag:$0x3] =	stream.linear.gather [hbm4b:s8+s3], $0x80, $0x38;
	[tilespmem:$0x1F480] =	vst v63  }
0x1e: {  	_ =	swait.ge [sflag:s13], $0x80  }
0x1f: {  	[sflag:s13] =	ssyncset.done $0x0  }
0x20: {  	s0 =	simm.s32 @p0 $0x1FC3;
	[sflag:s13] =	ssyncadd.s32 $0xFFFFFF80  }
0x21: {  	[spmem:s16], [sflag:s0] =	dma.local @p0 [hbm:s5], $0x2080  }
0x22: {  	s0 =	simm.s32 @p0 $0x3  }
0x23: {  	_ =	swait.ge @p0 [sflag:s0], $0x2080  }
0x24: {  	[sflag:s0] =	ssyncset.done @p0 $0x0  }
0x25: {  	[sflag:s0] =	ssyncadd.s32 @p0 $0xFFFFDF80;
	s0 =	simm.s32 @!p0 $0x3  }
0x26: {  	[spmem:s18], [sflag:s17] =	dma.local @!p0 [hbm:s5], $0x2780  }
0x27: {  	_ =	swait.ge @!p0 [sflag:s0], $0x2780  }
0x28: {  	[sflag:s0] =	ssyncset.done @!p0 $0x0  }
0x29: {  	[sflag:s0] =	ssyncadd.s32 @!p0 $0xFFFFD880  }
0x2a: {  	p1 =	por $0x1, $0x1;
	[bflag:$0x0] =	sbarrier.arrive $0xFFFF  }
0x2b: {  	[tilespmem:s19], [sflag:$0x1] =	stream.indirect.gather [hbm4b:s4+s11], $0x80, s3, s11, $0xb8;
	[tilespmem:$0x1F480] =	vst v63  }
0x2c: {  	s1 =	simm.s32 @!p1 $0x2780;
	s12 =	simm.s32 @!p1 $0x3;
	s0 =	simm.s32 @!p1 $0x0  }
0x2d: {  	[tilespmem:s1], [sflag:$0x3] =	stream.linear.gather @!p1 [hbm4b:s20+s0], $0x1400, $0x38;
	[tilespmem:$0x1F480] =	vst v63  }
0x2e: {  	_ =	swait.ge @!p1 [sflag:s12], $0x1400  }
0x2f: {  	s26 =	simm.s32 $0x80;
	s0 =	simm.s32 $0xFFFFB000;
	[sflag:s12] =	ssyncset.done @!p1 $0x0  }
0x30: {  	s1 =	simm.s32 $0x0;
	[sflag:s12] =	ssyncadd.s32 @!p1 $0xFFFFEC00;
	p1 =	por $0x0, $0x0  }
0x31: {  	[tilespmem:s21], [sflag:$0x2] =	stream.indirect.gather [hbm4b:s4+s11], $0x80, s26, s11, $0xb8;
	[tilespmem:$0x1F480] =	vst v63  }
0x32: {  	s1 =	smov.u32 @p1 s0;
	_ =	swait.ge [sflag:s22], $0x4000  }
0x33: {  	s0 =	sshra.s32 s1, $0x2;
	[sflag:s22] =	ssyncset.done $0x0  }
0x34: {  	s1 =	sadd.s32 $0x2780, s0;
	[sflag:s22] =	ssyncadd.s32 $0xFFFFC000  }
0x35: {  	[spmem:s2] =	stream.indirect.scatter.add.f32 [tilespmem:s19], [sflag:$0x3], $0x80, s1, s11, $0xb8;
	[tilespmem:$0x1F480] =	vst v63  }
0x36: {  	_ =	swait.ge [sflag:s13], $0x4000  }
0x37: {  	[sflag:s13] =	ssyncset.done $0x0  }
0x38: {  	s28 =	simm.s32 $0x100;
	[sflag:s13] =	ssyncadd.s32 $0xFFFFC000  }
0x39: {  	[tilespmem:s19], [sflag:$0x1] =	stream.indirect.gather [hbm4b:s4+s11], $0x80, s28, s11, $0xb8;
	[tilespmem:$0x1F480] =	vst v63  }
0x3a: {  	_ =	swait.ge [sflag:s23], $0x4000  }
0x3b: {  	p2 =	por $0x1, $0x1;
	[sflag:s23] =	ssyncset.done $0x0  }
0x3c: {  	s12 =	simm.s32 $0x800;
	s0 =	sadd.s32 $0x2800, s0;
	[sflag:s23] =	ssyncadd.s32 $0xFFFFC000  }
0x3d: {  	[spmem:s2] =	stream.indirect.scatter.add.f32 [tilespmem:s21], [sflag:$0x3], $0x80, s0, s11, $0xb8;
	[tilespmem:$0x1F480] =	vst v63  }
0x3e: {  	s1 =	simm.s32 $0x400;
	s0 =	simm.s32 $0x1;
	_ =	swait.ge [sflag:s13], $0x4000  }
.LBB2_2:
0x3f: {  	s14 =	simm.s32 @!p2 $0x0  }
0x40: {  	s24 =	simm.s32 @!p2 $0x2780;
	[sflag:s13] =	ssyncset.done $0x0;
	s26 =	smov.u32 s12  }
0x41: {  	s12 =	sadd.s32 $0x400, s12;
	s28 =	simm.s32 @!p2 $0x3;
	[sflag:s13] =	ssyncadd.s32 $0xFFFFC000  }
0x42: {  	[tilespmem:s24], [sflag:$0x3] =	stream.linear.gather @!p2 [hbm4b:s20+s14], $0x1400, $0x38;
	[tilespmem:$0x1F480] =	vst v63  }
0x43: {  	p1 =	sne.s32 s12, $0x9800;
	_ =	swait.ge @!p2 [sflag:s28], $0x1400  }
0x44: {  	s14 =	sshra.s32 s1, $0x2;
	s24 =	sadd.s32 $0xFFFFB000, s1;
	[sflag:s28] =	ssyncset.done @!p2 $0x0  }
0x45: {  	[sflag:s28] =	ssyncadd.s32 @!p2 $0xFFFFEC00;
	p2 =	sgt.u32 s0, $0x13;
	s28 =	sadd.s32 $0x80, s14  }
0x46: {  	[tilespmem:s21], [sflag:$0x2] =	stream.indirect.gather [hbm4b:s4+s11], $0x80, s28, s11, $0xb8;
	[tilespmem:$0x1F480] =	vst v63  }
0x47: {  	s28 =	smov.u32 s1  }
0x48: {  	s1 =	smov.u32 s26;
	_ =	swait.ge [sflag:s22], $0x4000;
	s28 =	smov.u32 @p2 s24  }
0x49: {  	[sflag:s22] =	ssyncset.done $0x0;
	s24 =	sshra.s32 s28, $0x2  }
0x4a: {  	[sflag:s22] =	ssyncadd.s32 $0xFFFFC000;
	s26 =	sadd.s32 $0x2780, s24  }
0x4b: {  	[spmem:s2] =	stream.indirect.scatter.add.f32 [tilespmem:s19], [sflag:$0x3], $0x80, s26, s11, $0xb8;
	[tilespmem:$0x1F480] =	vst v63  }
0x4c: {  	_ =	swait.ge [sflag:s13], $0x4000  }
0x4d: {  	[sflag:s13] =	ssyncset.done $0x0  }
0x4e: {  	s14 =	sadd.s32 $0x100, s14;
	[sflag:s13] =	ssyncadd.s32 $0xFFFFC000  }
0x4f: {  	[tilespmem:s19], [sflag:$0x1] =	stream.indirect.gather [hbm4b:s4+s11], $0x80, s14, s11, $0xb8;
	[tilespmem:$0x1F480] =	vst v63  }
.Ltmp0:
0x50: {  	_ =	swait.ge [sflag:s23], $0x4000;
	(pc) =	sbr.rel @p1 .LBB2_2-.Ltmp0, $4  }
0x51: {  	[sflag:s23] =	ssyncset.done $0x0  }
0x52: {  	s14 =	sadd.s32 $0x2800, s24;
	[sflag:s23] =	ssyncadd.s32 $0xFFFFC000  }
0x53: {  	[spmem:s2] =	stream.indirect.scatter.add.f32 [tilespmem:s21], [sflag:$0x3], $0x80, s14, s11, $0xb8;
	[tilespmem:$0x1F480] =	vst v63  }
0x54: {  	s0 =	sadd.s32 $0x1, s0;
	p2 =	sne.s32 s1, $0x5000;
	_ =	swait.ge [sflag:s13], $0x4000  }
0x55: {  	[sflag:s13] =	ssyncset.done $0x0  }
0x56: {  	s12 =	simm.s32 @!p2 $0x0;
	s14 =	simm.s32 @!p2 $0x2780;
	[sflag:s13] =	ssyncadd.s32 $0xFFFFC000  }
0x57: {  	[tilespmem:s14], [sflag:$0x3] =	stream.linear.gather @!p2 [hbm4b:s20+s12], $0x1400, $0x38;
	[tilespmem:$0x1F480] =	vst v63  }
0x58: {  	s12 =	simm.s32 @!p2 $0x3  }
0x59: {  	_ =	swait.ge @!p2 [sflag:s12], $0x1400  }
0x5a: {  	s26 =	sshra.s32 s1, $0x2;
	p1 =	sgt.u32 s0, $0x13;
	[sflag:s12] =	ssyncset.done @!p2 $0x0  }
0x5b: {  	s0 =	sadd.s32 $0xFFFFB000, s1;
	s28 =	sadd.s32 $0x80, s26;
	[sflag:s12] =	ssyncadd.s32 @!p2 $0xFFFFEC00  }
0x5c: {  	[tilespmem:s21], [sflag:$0x2] =	stream.indirect.gather [hbm4b:s4+s11], $0x80, s28, s11, $0xb8;
	[tilespmem:$0x1F480] =	vst v63  }
0x5d: {  	s1 =	smov.u32 @p1 s0;
	_ =	swait.ge [sflag:s22], $0x4000  }
0x5e: {  	s0 =	sshra.s32 s1, $0x2;
	[sflag:s22] =	ssyncset.done $0x0  }
0x5f: {  	s1 =	sadd.s32 $0x2780, s0;
	[sflag:s22] =	ssyncadd.s32 $0xFFFFC000  }
0x60: {  	[spmem:s2] =	stream.indirect.scatter.add.f32 [tilespmem:s19], [sflag:$0x3], $0x80, s1, s11, $0xb8;
	[tilespmem:$0x1F480] =	vst v63  }
0x61: {  	_ =	swait.ge [sflag:s13], $0x4000  }
0x62: {  	[sflag:s13] =	ssyncset.done $0x0  }
0x63: {  	s14 =	sadd.s32 $0x100, s26;
	[sflag:s13] =	ssyncadd.s32 $0xFFFFC000  }
0x64: {  	[tilespmem:s19], [sflag:$0x1] =	stream.indirect.gather [hbm4b:s4+s11], $0x80, s14, s11, $0xb8;
	[tilespmem:$0x1F480] =	vst v63  }
0x65: {  	_ =	swait.ge [sflag:s23], $0x4000  }
0x66: {  	[sflag:s23] =	ssyncset.done $0x0  }
0x67: {  	s0 =	sadd.s32 $0x2800, s0;
	[sflag:s23] =	ssyncadd.s32 $0xFFFFC000  }
0x68: {  	[spmem:s2] =	stream.indirect.scatter.add.f32 [tilespmem:s21], [sflag:$0x3], $0x80, s0, s11, $0xb8;
	[tilespmem:$0x1F480] =	vst v63  }
0x69: {  	_ =	swait.ge [sflag:s13], $0x4000  }
0x6a: {  	[sflag:s13] =	ssyncset.done $0x0  }
0x6b: {  	s24 =	simm.s32 $0x2680;
	[sflag:s13] =	ssyncadd.s32 $0xFFFFC000  }
0x6c: {  	[tilespmem:s21], [sflag:$0x2] =	stream.indirect.gather [hbm4b:s4+s11], $0x80, s24, s11, $0xb8;
	[tilespmem:$0x1F480] =	vst v63  }
0x6d: {  	_ =	swait.ge [sflag:s22], $0x4000  }
0x6e: {  	[sflag:s22] =	ssyncset.done $0x0  }
0x6f: {  	s26 =	simm.s32 $0x3980;
	[sflag:s22] =	ssyncadd.s32 $0xFFFFC000  }
0x70: {  	[spmem:s2] =	stream.indirect.scatter.add.f32 [tilespmem:s19], [sflag:$0x3], $0x80, s26, s11, $0xb8;
	[tilespmem:$0x1F480] =	vst v63  }
0x71: {  	_ =	swait.ge [sflag:s13], $0x4000  }
0x72: {  	[sflag:s13] =	ssyncset.done $0x0  }
0x73: {  	[sflag:s13] =	ssyncadd.s32 $0xFFFFC000  }
0x74: {  	_ =	swait.ge [sflag:s23], $0x4000  }
0x75: {  	[sflag:s23] =	ssyncset.done $0x0  }
0x76: {  	s28 =	simm.s32 $0x3A00;
	[sflag:s23] =	ssyncadd.s32 $0xFFFFC000  }
0x77: {  	[spmem:s2] =	stream.indirect.scatter.add.f32 [tilespmem:s21], [sflag:$0x3], $0x80, s28, s11, $0xb8;
	[tilespmem:$0x1F480] =	vst v63  }
0x78: {  	_ =	swait.ge [sflag:s13], $0x4000  }
0x79: {  	[sflag:s13] =	ssyncset.done $0x0  }
0x7a: {  	[sflag:s13] =	ssyncadd.s32 $0xFFFFC000  }
0x7b: {  	[tilespmem:s19], [sflag:$0x1] =	stream.indirect.gather [hbm4b:s4+s29], $0x80, s30, s29, $0xb8;
	[tilespmem:$0x1F480] =	vst v63  }
0x7c: {  	_ =	swait.ge [sflag:s22], $0x800  }
0x7d: {  	[sflag:s22] =	ssyncset.done $0x0  }
0x7e: {  	[sflag:s22] =	ssyncadd.s32 $0xFFFFF800  }
0x7f: {  	[spmem:s2] =	stream.indirect.scatter.add.f32 [tilespmem:s19], [sflag:$0x3], $0x80, s15, s29, $0xb8;
	[tilespmem:$0x1F480] =	vst v63  }
0x80: {  	_ =	swait.ge [sflag:s13], $0x800  }
0x81: {  	[sflag:s13] =	ssyncset.done $0x0  }
0x82: {  	[sflag:s13] =	ssyncadd.s32 $0xFFFFF800  }
0x83: {  	s1 =	simm.s32 @p0 $0x1FC3;
	s0 =	sadd.s32 @p0 $0x25080, s9;
	[bflag:$0x0] =	sbarrier.arrive $0xFFFF  }
0x84: {  	[hbm:s0], [sflag:s1] =	dma.local @p0 [spmem:s16], $0x2080  }
0x85: {  	s0 =	simm.s32 @p0 $0x3  }
0x86: {  	s31 =	sadd.s32 $0x1, s31;
	_ =	swait.ge @p0 [sflag:s0], $0x2080  }
0x87: {  	p1 =	sne.s32 s31, s10;
	[sflag:s0] =	ssyncset.done @p0 $0x0  }
.Ltmp1:
0x88: {  	[sflag:s0] =	ssyncadd.s32 @p0 $0xFFFFDF80;
	s0 =	simm.s32 @!p0 $0x3;
	(pc) =	sbr.rel @p1 .LBB2_1-.Ltmp1, $4  }
0x89: {  	[hbm:s25], [sflag:s17] =	dma.local @!p0 [spmem:s18], $0x2780  }
0x8a: {  	_ =	swait.ge @!p0 [sflag:s0], $0x2780  }
0x8b: {  	[sflag:s0] =	ssyncset.done @!p0 $0x0  }
0x8c: {  	[sflag:s0] =	ssyncadd.s32 @!p0 $0xFFFFD880  }
0x8d: {  	_ =	sfence.sel $0x180000  }
0x8e: {  	[bflag:$0x0] =	sbarrier.arrive $0xFFFF  }
0x8f: {  	_ =	strace $0x90000047  }
0x90: {  	s0 =	stileid.u32;
	[bflag:$0x2] =	sbarrier.arrive $0xFFFF  }
0x91: {  	p0 =	sne.s32 s0, $0x0;
	s0 =	rddreg [dreg:$0x2]  }
0x92: {  	s0 =	sadd.s32 @!p0 $0x100000, s0  }
0x93: {  	[sflag:s0] =	ssyncadd.tile.s32 @!p0 $0x1;
	_ =	shalt  }
.Lfunc_end2:
_tile_overlayer_lowered:
.L_overlay_start_2:
0x94: {  	(tag) =	ssettag $0x2  }
0x95: {  	s0 =	rddreg [dreg:$0x0];
	s2 =	stileid.u32  }
0x96: {  	s1 =	rddreg [dreg:$0x1];
	p0 =	sne.s32 s2, $0x0  }
0x97: {  	s3 =	rddreg [dreg:$0x2];
	[bflag:$0x3] =	sbarrier.arrive $0xFFFF;
	s2 =	simm.s32 @!p0 $0x1C03  }
0x98: {  	[timem:s3], [sflag:s2] =	dma.local @!p0 [hbm:s0], s1  }
0x99: {  	s0 =	simm.s32 @!p0 $0x3  }
0x9a: {  	_ =	swait.ge @!p0 [sflag:s0], s1  }
0x9b: {  	s1 =	ssub.s32 @!p0 $0x0, s1;
	[sflag:s0] =	ssyncset.done @!p0 $0x0  }
0x9c: {  	[sflag:s0] =	ssyncadd.s32 @!p0 s1  }
0x9d: {  	[bflag:$0x3] =	sbarrier.arrive $0xFFFF  }
0x9e: {  	_ =	shalt  }

</sc_bundles>
